<compile_context>
chip_gen: v7x
topology: tpu7x:2x2x1
jax: 0.10.2.dev20260603
libtpu: 0.0.44.dev20260713+nightly
codegen_flags: <defaults>
</compile_context>

<pallas_src>
import jax
import jax.numpy as jnp
from jax.experimental import pallas as pl
from jax.experimental.pallas import tpu as pltpu
from jax.experimental.pallas import tpu_sc as plsc


def _k1_body(q_ref, p_ref, top8_ref):
    nq = q_ref.shape[0]
    nclu = p_ref.shape[0]
    s = jax.lax.dot_general(q_ref[...], p_ref[...], (((1,), (1,)), ((), ())),
                            preferred_element_type=jnp.float32)
    iota = jax.lax.broadcasted_iota(jnp.int32, (nq, nclu), 1)
    cols = []
    for _ in range(8):
        m = jnp.max(s, axis=1, keepdims=True)
        sel = jnp.min(jnp.where(s == m, iota, nclu), axis=1, keepdims=True)
        cols.append(sel)
        s = jnp.where(iota == sel, -jnp.inf, s)
    top8_ref[...] = jnp.concatenate(cols, axis=1)


def _k2_body(q_ref, t_ref, s_ref, id_ref):
    d = q_ref.shape[1]
    vpr = t_ref.shape[1] // d
    q = q_ref[...]
    best = None
    bid = None
    for v in range(vpr):
        tb = t_ref[:, v * d:(v + 1) * d]
        sv = jax.lax.dot_general(q, tb, (((1,), (1,)), ((), ())),
                                 preferred_element_type=jnp.float32)
        if v == 0:
            best = sv
            bid = jnp.zeros(sv.shape, jnp.int32)
        else:
            cond = sv > best
            best = jnp.where(cond, sv, best)
            bid = jnp.where(cond, v, bid)
    s_ref[...] = best
    id_ref[...] = bid


def _k4_body(s_ref, rid_ref, top8_ref, sc_ref, id_ref, ent_ref):
    rpc, vpr = 16, 32
    vpc = rpc * vpr
    s = s_ref[...]
    rid = rid_ref[...]
    top8 = top8_ref[...]
    iota = jax.lax.broadcasted_iota(jnp.int32, s.shape, 1)
    clu_of_lane = iota // rpc
    row_of_lane = iota - clu_of_lane * rpc
    key = jnp.full(s.shape, -1, jnp.int32)
    for c in range(8):
        match = clu_of_lane == top8[:, c:c + 1]
        key = jnp.where(match, (c * rpc + row_of_lane) * vpr + rid, key)
    s = jnp.where(key >= 0, s, -jnp.inf)
    iota8 = jax.lax.broadcasted_iota(jnp.int32, top8.shape, 1)
    scs, ids, ents = [], [], []
    for _ in range(16):
        m = jnp.max(s, axis=1, keepdims=True)
        k = jnp.where(s == m, key, -1)
        selk = jnp.max(k, axis=1, keepdims=True)
        s = jnp.where(k == selk, -jnp.inf, s)
        idk = selk % vpr
        candidate = selk // vpr
        c_k = candidate // rpc
        row_in = candidate - c_k * rpc
        cluster = jnp.sum(jnp.where(iota8 == c_k, top8, 0), axis=1,
                          keepdims=True)
        scs.append(m)
        ids.append(idk + row_in * vpr + jnp.minimum(cluster, 31) * vpc)
        ents.append(cluster * vpc + row_in * vpr + idk)
    sc_ref[...] = jnp.concatenate(scs, axis=1)
    id_ref[...] = jnp.concatenate(ids, axis=1)
    ent_ref[...] = jnp.concatenate(ents, axis=1)


def _k6_body(pair_ref, par_ref, out_ref):
    d = out_ref.shape[1]
    pair = pair_ref[...]
    par = par_ref[...]
    out_ref[...] = jnp.where(par == 1, pair[:, d:], pair[:, :d])


def _sc_pair_gather(table_pairs, pairidx, window=128):
    n = pairidx.size
    w = table_pairs.shape[1]
    idx = pairidx.reshape(1, n)
    out_t = jax.ShapeDtypeStruct((n, w), table_pairs.dtype)

    @pl.kernel(out_type=out_t,
               mesh=plsc.VectorSubcoreMesh(core_axis_name="core",
                                           subcore_axis_name="subcore"))
    def k(t_hbm, i_hbm, o_hbm):
        def body(i_vmem, o_vmem):
            pltpu.sync_copy(t_hbm.at[i_vmem.at[0]], o_vmem)

        pltpu.emit_pipeline(
            body,
            grid=(n // window,),
            in_specs=[pl.BlockSpec((1, window), lambda i: (0, i))],
            out_specs=[pl.BlockSpec((window, w), lambda i: (i, 0))],
            core_axis_name=("core", "subcore"),
            dimension_semantics=(pltpu.PARALLEL,),
        )(i_hbm, o_hbm)

    return k(table_pairs, idx)


def kernel(queries, table, prototypes):
    nq, d = queries.shape
    nclu, rpc, vpr, _ = table.shape
    nrows = nclu * rpc

    top8 = pl.pallas_call(
        _k1_body,
        out_shape=jax.ShapeDtypeStruct((nq, 8), jnp.int32),
    )(queries, prototypes)

    table2d = table.reshape(nrows, vpr * d)
    n_chunks = 16
    rchunk = nrows // n_chunks
    rowscores, rowids = pl.pallas_call(
        _k2_body,
        grid=(n_chunks,),
        in_specs=[
            pl.BlockSpec((nq, d), lambda c: (0, 0)),
            pl.BlockSpec((rchunk, vpr * d), lambda c: (c, 0)),
        ],
        out_specs=[
            pl.BlockSpec((nq, rchunk), lambda c: (0, c)),
            pl.BlockSpec((nq, rchunk), lambda c: (0, c)),
        ],
        out_shape=[jax.ShapeDtypeStruct((nq, nrows), jnp.float32),
                   jax.ShapeDtypeStruct((nq, nrows), jnp.int32)],
    )(queries, table2d)

    qblk = 128
    topk_scores, topk_ids, entries = pl.pallas_call(
        _k4_body,
        grid=(nq // qblk,),
        in_specs=[
            pl.BlockSpec((qblk, nrows), lambda i: (i, 0)),
            pl.BlockSpec((qblk, nrows), lambda i: (i, 0)),
            pl.BlockSpec((qblk, 8), lambda i: (i, 0)),
        ],
        out_specs=[
            pl.BlockSpec((qblk, 16), lambda i: (i, 0)),
            pl.BlockSpec((qblk, 16), lambda i: (i, 0)),
            pl.BlockSpec((qblk, 16), lambda i: (i, 0)),
        ],
        out_shape=[jax.ShapeDtypeStruct((nq, 16), jnp.float32),
                   jax.ShapeDtypeStruct((nq, 16), jnp.int32),
                   jax.ShapeDtypeStruct((nq, 16), jnp.int32)],
    )(rowscores, rowids, top8)

    table_pairs = table.reshape(nclu * rpc * vpr // 2, 2 * d)
    pairs = _sc_pair_gather(table_pairs, entries.reshape(-1) // 2)

    values = pl.pallas_call(
        _k6_body,
        out_shape=jax.ShapeDtypeStruct((nq * 16, d), jnp.float32),
    )(pairs, (entries.reshape(-1, 1) % 2).astype(jnp.int32))

    return values.reshape(nq, 16, d), topk_scores, topk_ids

# --- scband reference (transcript-rebuilt; emitter-appended) ---
"""Pipeline reference for scband-sparse-top-ksimilarity-layer-21741124452849 (READ-ONLY COPY).

The authoritative reference and input builder live on the scoring server;
editing this copy changes nothing except your own understanding.
"""

import jax, jax.numpy as jnp
import numpy as np

K_TOP = 16
N_SEARCH = 8
SPLITS = 8


def matmul_slice(array, indices):
    # Reference implementation of jut.matmul_slice: per-row gather along the
    # last axis (the original uses a one-hot matmul on TPU; math is identical).
    return jnp.take_along_axis(array, indices, axis=-1)


def setup_inputs(seed: int = 0) -> dict:
    key = jax.random.key(seed)
    k1, k2, k3 = jax.random.split(key, 3)
    queries = jax.random.normal(k1, (1024, 64), dtype=jnp.float32)
    table = jax.random.normal(k2, (512, 16, 32, 64), dtype=jnp.float32)
    prototypes = jax.random.normal(k3, (512, 64), dtype=jnp.float32)
    return {"queries": queries, "table": table, "prototypes": prototypes}


def reference(queries, table, prototypes):
    k_top, n_search, splits = K_TOP, N_SEARCH, SPLITS
    n_queries = queries.shape[0]
    queries_per_split = n_queries // splits
    rows_per_cluster = table.shape[1]
    values_per_row = table.shape[2]
    values_per_cluster = rows_per_cluster * values_per_row
    table_size = values_per_row * table.shape[0]
    vector_dim = queries.shape[1]
    assert table.shape[-1] == vector_dim
    queries = queries.reshape(splits, queries_per_split, vector_dim)

    def split_top_k(split_queries):
        prototype_scores = jnp.einsum('qd,pd->qp', split_queries, prototypes)
        top_indices = jax.lax.top_k(prototype_scores, n_search)[1]
        selected_data = table[top_indices]
        split_scores = jnp.einsum('qd,qcrvd->qcrv', split_queries, selected_data)
        top_id_by_row = jnp.argmax(split_scores, axis=-1)
        top_score_by_row = jnp.max(split_scores, axis=-1)
        top_id_by_row = top_id_by_row.reshape(queries_per_split, n_search * rows_per_cluster)
        top_score_by_row = top_score_by_row.reshape(queries_per_split, n_search * rows_per_cluster)
        top_row_idx = jnp.argsort(top_score_by_row, axis=-1)[:, :-k_top - 1:-1]
        ids_by_topk_row = matmul_slice(top_id_by_row, top_row_idx)
        query_index = jnp.tile(jnp.arange(queries_per_split).reshape(-1, 1), (1, k_top))
        top_cluster_idx, top_cluster_row_idx = jnp.divmod(top_row_idx, rows_per_cluster)
        split_topk_values = selected_data[query_index, top_cluster_idx, top_cluster_row_idx, ids_by_topk_row]
        row_offset = jnp.mod(jnp.arange(0, n_search * values_per_cluster, values_per_row), values_per_cluster)
        cluster_offset = jnp.arange(0, table_size, values_per_cluster)
        top_table_id_by_row = top_id_by_row + row_offset.reshape(1, -1) + cluster_offset[top_indices].repeat(rows_per_cluster, axis=-1)
        split_topk_ids = matmul_slice(top_table_id_by_row, top_row_idx)
        split_topk_scores = matmul_slice(top_score_by_row, top_row_idx)
        return (split_topk_values, split_topk_scores, split_topk_ids)

    topk_values, topk_scores, topk_ids = jax.lax.map(split_top_k, queries)
    topk_values = topk_values.reshape(n_queries, k_top, -1)
    topk_scores = topk_scores.reshape(n_queries, k_top)
    topk_ids = topk_ids.reshape(n_queries, k_top)
    return (topk_values, topk_scores, topk_ids)

if __name__ == "__main__":
    import jax
    _d = setup_inputs()
    print(jax.jit(kernel)(*tuple(_d.values())))

</pallas_src>

<mosaic_0001>
#map = affine_map<(d0, d1) -> (0, 0)>
module attributes {stable_mosaic.version = 14 : i64} {
  func.func @k(%arg0: i32, %arg1: i32, %arg2: memref<131072x128xf32, #tpu.memory_space<hbm>>, %arg3: memref<1x16384xi32, #tpu.memory_space<hbm>>, %arg4: memref<16384x128xf32, #tpu.memory_space<hbm>>) attributes {dimension_semantics = [#tpu.dimension_semantics<core_parallel>, #tpu.dimension_semantics<subcore_parallel>], iteration_bounds = array<i64: 2, 16>, scalar_prefetch = 0 : i64, scratch_operands = 0 : i64, tpu.core_type = #tpu.core_type<sc_vector_subcore>, window_params = [{transform_indices = #map}, {transform_indices = #map}, {transform_indices = #map}]} {
    %mul3A = arith.constant 1 : i32
    %mul3A_0 = arith.muli %arg1, %mul3A : i32
    %add3A = arith.constant 0 : i32
    %add3A_1 = arith.addi %add3A, %mul3A_0 : i32
    %mul3A_2 = arith.constant 16 : i32
    %mul3A_3 = arith.muli %arg0, %mul3A_2 : i32
    %add3A_4 = arith.addi %add3A_1, %mul3A_3 : i32
    %mul3A_5 = arith.constant 4 : i32
    %mul3A_6 = arith.muli %add3A_4, %mul3A_5 : i32
    "tpu.region"() ({
      %run_scoped3A = memref.alloca() : memref<2x1x128xi32, #tpu.memory_space<vmem>>
      %run_scoped3A_7 = tpu.sem_alloc : memref<2x!tpu.dma_semaphore, #tpu.memory_space<semaphore_mem>>
      %run_scoped3A_8 = memref.alloca() : memref<2x128x128xf32, #tpu.memory_space<vmem>>
      %run_scoped3A_9 = tpu.sem_alloc : memref<2x!tpu.dma_semaphore, #tpu.memory_space<semaphore_mem>>
      %add3A_10 = arith.constant 0 : i32
      %add3A_11 = arith.addi %add3A_10, %mul3A_6 : i32
      %select_n3A = arith.constant true
      %select_n3A_12 = arith.constant 0 : i32
      %select_n3A_13 = arith.constant -1 : i32
      %select_n3A_14 = arith.select %select_n3A, %select_n3A_13, %select_n3A_12 : i32
      %eq3A = arith.constant -1 : i32
      %eq3A_15 = arith.cmpi eq, %select_n3A_14, %eq3A : i32
      %select_n3A_16 = arith.constant 3 : i32
      %select_n3A_17 = arith.select %eq3A_15, %select_n3A_16, %select_n3A_14 : i32
      %add3A_18 = arith.addi %select_n3A_17, %mul3A_6 : i32
      %select_n3A_19 = arith.constant true
      %select_n3A_20 = arith.constant 0 : i32
      %select_n3A_21 = arith.constant 1 : i32
      %select_n3A_22 = arith.select %select_n3A_19, %select_n3A_21, %select_n3A_20 : i32
      %eq3A_23 = arith.constant 4 : i32
      %eq3A_24 = arith.cmpi eq, %select_n3A_22, %eq3A_23 : i32
      %select_n3A_25 = arith.constant 0 : i32
      %select_n3A_26 = arith.select %eq3A_24, %select_n3A_25, %select_n3A_22 : i32
      %add3A_27 = arith.addi %select_n3A_26, %mul3A_6 : i32
      %add3A_28 = arith.constant 1 : i32
      %add3A_29 = arith.addi %select_n3A_26, %add3A_28 : i32
      %select_n3A_30 = arith.constant true
      %select_n3A_31 = arith.select %select_n3A_30, %add3A_29, %select_n3A_26 : i32
      %eq3A_32 = arith.constant 4 : i32
      %eq3A_33 = arith.cmpi eq, %select_n3A_31, %eq3A_32 : i32
      %select_n3A_34 = arith.constant 0 : i32
      %select_n3A_35 = arith.select %eq3A_33, %select_n3A_34, %select_n3A_31 : i32
      %add3A_36 = arith.addi %select_n3A_35, %mul3A_6 : i32
      "tpu.trace_start"() <{level = 10 : i32, message = "ep_initialize_0"}> : () -> ()
      %rem3A = arith.constant 0 : i32
      %rem3A_37 = arith.constant 2 : i32
      %rem3A_38 = arith.remui %rem3A, %rem3A_37 : i32
      %mul3A_39 = arith.constant 128 : i32
      %mul3A_40 = arith.muli %mul3A_39, %add3A_11 : i32
      %dma_start3A = arith.constant 0 : i32
      %dma_start3A_41 = arith.constant 0 : i32
      %dma_start3A_42 = tpu.memref_slice %run_scoped3A[%rem3A_38, %dma_start3A, %dma_start3A_41] : memref<2x1x128xi32, #tpu.memory_space<vmem>> -> memref<1x1x128xi32, #tpu.memory_space<vmem>>
      %dma_start3A_43 = tpu.memref_squeeze %dma_start3A_42 : memref<1x1x128xi32, #tpu.memory_space<vmem>> -> memref<1x128xi32, #tpu.memory_space<vmem>>
      %dma_start3A_44 = arith.constant 0 : i32
      %dma_start3A_45 = tpu.memref_slice %arg3[%dma_start3A_44, %mul3A_40] : memref<1x16384xi32, #tpu.memory_space<hbm>> -> memref<1x128xi32, #tpu.memory_space<hbm>>
      %dma_start3A_46 = tpu.memref_slice %run_scoped3A_7[%rem3A_38] : memref<2x!tpu.dma_semaphore, #tpu.memory_space<semaphore_mem>> -> memref<1x!tpu.dma_semaphore, #tpu.memory_space<semaphore_mem>>
      %dma_start3A_47 = tpu.memref_squeeze %dma_start3A_46 : memref<1x!tpu.dma_semaphore, #tpu.memory_space<semaphore_mem>> -> memref<!tpu.dma_semaphore, #tpu.memory_space<semaphore_mem>>
      %dma_start3A_48 = arith.constant 0 : i32
      %dma_start3A_49 = arith.constant 0 : i32
      %dma_start3A_50 = tpu.memref_slice %run_scoped3A[%rem3A_38, %dma_start3A_48, %dma_start3A_49] : memref<2x1x128xi32, #tpu.memory_space<vmem>> -> memref<1x1x128xi32, #tpu.memory_space<vmem>>
      %dma_start3A_51 = tpu.memref_squeeze %dma_start3A_50 : memref<1x1x128xi32, #tpu.memory_space<vmem>> -> memref<1x128xi32, #tpu.memory_space<vmem>>
      %dma_start3A_52 = arith.constant 0 : i32
      %dma_start3A_53 = tpu.memref_slice %arg3[%dma_start3A_52, %mul3A_40] : memref<1x16384xi32, #tpu.memory_space<hbm>> -> memref<1x128xi32, #tpu.memory_space<hbm>>
      tpu.enqueue_dma source(%dma_start3A_53 : memref<1x128xi32, #tpu.memory_space<hbm>>) target(%dma_start3A_51 : memref<1x128xi32, #tpu.memory_space<vmem>>) target_semaphore(%dma_start3A_47 : memref<!tpu.dma_semaphore, #tpu.memory_space<semaphore_mem>>)
      %add3A_54 = arith.constant 0 : i32
      %add3A_55 = arith.constant 1 : i32
      %add3A_56 = arith.addi %add3A_54, %add3A_55 : i32
      %select_n3A_57 = arith.constant true
      %select_n3A_58 = arith.constant 0 : i32
      %select_n3A_59 = arith.select %select_n3A_57, %add3A_56, %select_n3A_58 : i32
      "tpu.trace_stop"() : () -> ()
      %scan3A = arith.constant 0 : i32
      %scan3A_60 = arith.constant 0 : i32
      %scan3A_61 = arith.constant 0 : i32
      %scan3A_62 = arith.constant 0 : i32
      %scan3A_63 = arith.constant 0 : i32
      %scan3A_64 = arith.constant 4 : i32
      %scan3A_65 = arith.addi %scan3A_63, %scan3A_64 : i32
      %scan3A_66 = arith.constant 1 : i32
      %scan3A_67:5 = scf.for %scan3A_121 = %scan3A_63 to %scan3A_65 step %scan3A_66 iter_args(%scan3A_122 = %select_n3A_59, %scan3A_123 = %scan3A, %scan3A_124 = %scan3A_60, %scan3A_125 = %scan3A_61, %scan3A_126 = %scan3A_62) -> (i32, i32, i32, i32, i32)  : i32 {
        %eq3A_127 = arith.constant 0 : i32
        %eq3A_128 = arith.cmpi eq, %scan3A_121, %eq3A_127 : i32
        %eq3A_129 = arith.constant 3 : i32
        %eq3A_130 = arith.cmpi eq, %scan3A_121, %eq3A_129 : i32
        %add3A_131 = arith.addi %scan3A_126, %mul3A_6 : i32
        %sub3A_132 = arith.constant 1 : i32
        %sub3A_133 = arith.subi %scan3A_126, %sub3A_132 : i32
        %select_n3A_134 = arith.constant true
        %select_n3A_135 = arith.select %select_n3A_134, %sub3A_133, %scan3A_126 : i32
        %eq3A_136 = arith.constant -1 : i32
        %eq3A_137 = arith.cmpi eq, %select_n3A_135, %eq3A_136 : i32
        %select_n3A_138 = arith.constant 3 : i32
        %select_n3A_139 = arith.select %eq3A_137, %select_n3A_138, %select_n3A_135 : i32
        %add3A_140 = arith.addi %select_n3A_139, %mul3A_6 : i32
        %add3A_141 = arith.constant 1 : i32
        %add3A_142 = arith.addi %scan3A_126, %add3A_141 : i32
        %select_n3A_143 = arith.constant true
        %select_n3A_144 = arith.select %select_n3A_143, %add3A_142, %scan3A_126 : i32
        %eq3A_145 = arith.constant 4 : i32
        %eq3A_146 = arith.cmpi eq, %select_n3A_144, %eq3A_145 : i32
        %select_n3A_147 = arith.constant 0 : i32
        %select_n3A_148 = arith.select %eq3A_146, %select_n3A_147, %select_n3A_144 : i32
        %add3A_149 = arith.addi %select_n3A_148, %mul3A_6 : i32
        %add3A_150 = arith.constant 1 : i32
        %add3A_151 = arith.addi %select_n3A_148, %add3A_150 : i32
        %select_n3A_152 = arith.constant true
        %select_n3A_153 = arith.select %select_n3A_152, %add3A_151, %select_n3A_148 : i32
        %eq3A_154 = arith.constant 4 : i32
        %eq3A_155 = arith.cmpi eq, %select_n3A_153, %eq3A_154 : i32
        %select_n3A_156 = arith.constant 0 : i32
        %select_n3A_157 = arith.select %eq3A_155, %select_n3A_156, %select_n3A_153 : i32
        %add3A_158 = arith.addi %select_n3A_157, %mul3A_6 : i32
        %ne3A = arith.cmpi ne, %add3A_131, %add3A_149 : i32
        %or3A = arith.constant false
        %or3A_159 = arith.ori %or3A, %ne3A : i1
        %ge3A = arith.constant 3 : i32
        %ge3A_160 = arith.cmpi sge, %scan3A_121, %ge3A : i32
        %not3A = arith.constant true
        %not3A_161 = arith.xori %ge3A_160, %not3A : i1
        %and3A = arith.andi %or3A_159, %not3A_161 : i1
        %convert_element_type3A = arith.extui %and3A : i1 to i32
        %cond3A = arith.constant 0 : i32
        %cond3A_162 = arith.cmpi ne, %convert_element_type3A, %cond3A : i32
        scf.if %cond3A_162 {
          "tpu.trace_start"() <{level = 10 : i32, message = "ep_copy_in"}> : () -> ()
          %rem3A_264 = arith.constant 2 : i32
          %rem3A_265 = arith.remui %scan3A_122, %rem3A_264 : i32
          %mul3A_266 = arith.constant 128 : i32
          %mul3A_267 = arith.muli %mul3A_266, %add3A_149 : i32
          %dma_start3A_268 = arith.constant 0 : i32
          %dma_start3A_269 = arith.constant 0 : i32
          %dma_start3A_270 = tpu.memref_slice %run_scoped3A[%rem3A_265, %dma_start3A_268, %dma_start3A_269] : memref<2x1x128xi32, #tpu.memory_space<vmem>> -> memref<1x1x128xi32, #tpu.memory_space<vmem>>
          %dma_start3A_271 = tpu.memref_squeeze %dma_start3A_270 : memref<1x1x128xi32, #tpu.memory_space<vmem>> -> memref<1x128xi32, #tpu.memory_space<vmem>>
          %dma_start3A_272 = arith.constant 0 : i32
          %dma_start3A_273 = tpu.memref_slice %arg3[%dma_start3A_272, %mul3A_267] : memref<1x16384xi32, #tpu.memory_space<hbm>> -> memref<1x128xi32, #tpu.memory_space<hbm>>
          %dma_start3A_274 = tpu.memref_slice %run_scoped3A_7[%rem3A_265] : memref<2x!tpu.dma_semaphore, #tpu.memory_space<semaphore_mem>> -> memref<1x!tpu.dma_semaphore, #tpu.memory_space<semaphore_mem>>
          %dma_start3A_275 = tpu.memref_squeeze %dma_start3A_274 : memref<1x!tpu.dma_semaphore, #tpu.memory_space<semaphore_mem>> -> memref<!tpu.dma_semaphore, #tpu.memory_space<semaphore_mem>>
          %dma_start3A_276 = arith.constant 0 : i32
          %dma_start3A_277 = arith.constant 0 : i32
          %dma_start3A_278 = tpu.memref_slice %run_scoped3A[%rem3A_265, %dma_start3A_276, %dma_start3A_277] : memref<2x1x128xi32, #tpu.memory_space<vmem>> -> memref<1x1x128xi32, #tpu.memory_space<vmem>>
          %dma_start3A_279 = tpu.memref_squeeze %dma_start3A_278 : memref<1x1x128xi32, #tpu.memory_space<vmem>> -> memref<1x128xi32, #tpu.memory_space<vmem>>
          %dma_start3A_280 = arith.constant 0 : i32
          %dma_start3A_281 = tpu.memref_slice %arg3[%dma_start3A_280, %mul3A_267] : memref<1x16384xi32, #tpu.memory_space<hbm>> -> memref<1x128xi32, #tpu.memory_space<hbm>>
          tpu.enqueue_dma source(%dma_start3A_281 : memref<1x128xi32, #tpu.memory_space<hbm>>) target(%dma_start3A_279 : memref<1x128xi32, #tpu.memory_space<vmem>>) target_semaphore(%dma_start3A_275 : memref<!tpu.dma_semaphore, #tpu.memory_space<semaphore_mem>>)
          "tpu.trace_stop"() : () -> ()
        } else {
        }
        %and3A_163 = arith.constant true
        %and3A_164 = arith.andi %and3A, %and3A_163 : i1
        %add3A_165 = arith.constant 1 : i32
        %add3A_166 = arith.addi %scan3A_122, %add3A_165 : i32
        %select_n3A_167 = arith.select %and3A_164, %add3A_166, %scan3A_122 : i32
        %ne3A_168 = arith.cmpi ne, %add3A_131, %add3A_149 : i32
        %or3A_169 = arith.constant false
        %or3A_170 = arith.ori %or3A_169, %ne3A_168 : i1
        %or3A_171 = arith.constant false
        %or3A_172 = arith.ori %or3A_170, %or3A_171 : i1
        %ge3A_173 = arith.constant 3 : i32
        %ge3A_174 = arith.cmpi sge, %scan3A_121, %ge3A_173 : i32
        %not3A_175 = arith.constant true
        %not3A_176 = arith.xori %ge3A_174, %not3A_175 : i1
        %and3A_177 = arith.andi %or3A_172, %not3A_176 : i1
        %ne3A_178 = arith.cmpi ne, %add3A_131, %add3A_140 : i32
        %or3A_179 = arith.constant false
        %or3A_180 = arith.ori %or3A_179, %ne3A_178 : i1
        %or3A_181 = arith.ori %or3A_180, %eq3A_128 : i1
        %convert_element_type3A_182 = arith.extui %or3A_181 : i1 to i32
        %cond3A_183 = arith.constant 0 : i32
        %cond3A_184 = arith.cmpi ne, %convert_element_type3A_182, %cond3A_183 : i32
        scf.if %cond3A_184 {
          "tpu.trace_start"() <{level = 10 : i32, message = "ep_wait_in"}> : () -> ()
          %mul3A_264 = arith.constant 128 : i32
          %mul3A_265 = arith.muli %mul3A_264, %add3A_131 : i32
          %rem3A_266 = arith.constant 2 : i32
          %rem3A_267 = arith.remui %scan3A_123, %rem3A_266 : i32
          %dma_wait3A_268 = arith.constant 0 : i32
          %dma_wait3A_269 = arith.constant 0 : i32
          %dma_wait3A_270 = tpu.memref_slice %run_scoped3A[%rem3A_267, %dma_wait3A_268, %dma_wait3A_269] : memref<2x1x128xi32, #tpu.memory_space<vmem>> -> memref<1x1x128xi32, #tpu.memory_space<vmem>>
          %dma_wait3A_271 = tpu.memref_squeeze %dma_wait3A_270 : memref<1x1x128xi32, #tpu.memory_space<vmem>> -> memref<1x128xi32, #tpu.memory_space<vmem>>
          %dma_wait3A_272 = arith.constant 0 : i32
          %dma_wait3A_273 = tpu.memref_slice %arg3[%dma_wait3A_272, %mul3A_265] : memref<1x16384xi32, #tpu.memory_space<hbm>> -> memref<1x128xi32, #tpu.memory_space<hbm>>
          %dma_wait3A_274 = tpu.memref_slice %run_scoped3A_7[%rem3A_267] : memref<2x!tpu.dma_semaphore, #tpu.memory_space<semaphore_mem>> -> memref<1x!tpu.dma_semaphore, #tpu.memory_space<semaphore_mem>>
          %dma_wait3A_275 = tpu.memref_squeeze %dma_wait3A_274 : memref<1x!tpu.dma_semaphore, #tpu.memory_space<semaphore_mem>> -> memref<!tpu.dma_semaphore, #tpu.memory_space<semaphore_mem>>
          %dma_wait3A_276 = arith.constant 0 : i32
          %dma_wait3A_277 = arith.constant 0 : i32
          %dma_wait3A_278 = tpu.memref_slice %run_scoped3A[%rem3A_267, %dma_wait3A_276, %dma_wait3A_277] : memref<2x1x128xi32, #tpu.memory_space<vmem>> -> memref<1x1x128xi32, #tpu.memory_space<vmem>>
          %dma_wait3A_279 = tpu.memref_squeeze %dma_wait3A_278 : memref<1x1x128xi32, #tpu.memory_space<vmem>> -> memref<1x128xi32, #tpu.memory_space<vmem>>
          %dma_wait3A_280 = arith.constant 0 : i32
          %dma_wait3A_281 = tpu.memref_slice %arg3[%dma_wait3A_280, %mul3A_265] : memref<1x16384xi32, #tpu.memory_space<hbm>> -> memref<1x128xi32, #tpu.memory_space<hbm>>
          tpu.wait_dma2 semaphore(%dma_wait3A_275 : memref<!tpu.dma_semaphore, #tpu.memory_space<semaphore_mem>>) src(%dma_wait3A_281 : memref<1x128xi32, #tpu.memory_space<hbm>>) dst(%dma_wait3A_279 : memref<1x128xi32, #tpu.memory_space<vmem>>)
          "tpu.trace_stop"() : () -> ()
        } else {
        }
        %ne3A_185 = arith.cmpi ne, %add3A_131, %add3A_140 : i32
        %or3A_186 = arith.constant false
        %or3A_187 = arith.ori %or3A_186, %ne3A_185 : i1
        %or3A_188 = arith.constant false
        %or3A_189 = arith.ori %or3A_187, %or3A_188 : i1
        %or3A_190 = arith.ori %or3A_189, %eq3A_128 : i1
        %convert_element_type3A_191 = arith.extui %or3A_190 : i1 to i32
        %cond3A_192 = arith.constant 0 : i32
        %cond3A_193 = arith.cmpi ne, %convert_element_type3A_191, %cond3A_192 : i32
        scf.if %cond3A_193 {
        } else {
        }
        %rem3A_194 = arith.constant 2 : i32
        %rem3A_195 = arith.remui %scan3A_123, %rem3A_194 : i32
        %rem3A_196 = arith.constant 2 : i32
        %rem3A_197 = arith.remui %scan3A_124, %rem3A_196 : i32
        %run_scoped3A_198 = arith.constant 0 : i32
        "tpu.trace_start"() <{level = 10 : i32, message = "ep_run_kernel"}> : () -> ()
        "tpu.region"() ({
          %run_scoped3A_264 = tpu.sem_alloc : memref<!tpu.dma_semaphore, #tpu.memory_space<semaphore_mem>>
          %dma_start3A_265 = arith.constant 0 : i32
          %dma_start3A_266 = arith.constant 0 : i32
          %dma_start3A_267 = tpu.memref_slice %run_scoped3A_8[%rem3A_197, %dma_start3A_265, %dma_start3A_266] : memref<2x128x128xf32, #tpu.memory_space<vmem>> -> memref<1x128x128xf32, #tpu.memory_space<vmem>>
          %dma_start3A_268 = tpu.memref_squeeze %dma_start3A_267 : memref<1x128x128xf32, #tpu.memory_space<vmem>> -> memref<128x128xf32, #tpu.memory_space<vmem>>
          %dma_start3A_269 = arith.constant 0 : i32
          %dma_start3A_270 = arith.constant 0 : i32
          %dma_start3A_271 = tpu.memref_slice %run_scoped3A[%rem3A_195, %dma_start3A_269, %dma_start3A_270] : memref<2x1x128xi32, #tpu.memory_space<vmem>> -> memref<1x1x128xi32, #tpu.memory_space<vmem>>
          %dma_start3A_272 = tpu.memref_squeeze %dma_start3A_271 : memref<1x1x128xi32, #tpu.memory_space<vmem>> -> memref<1x128xi32, #tpu.memory_space<vmem>>
          %dma_start3A_273 = arith.constant 0 : i32
          %dma_start3A_274 = tpu.memref_slice %dma_start3A_272[%run_scoped3A_198, %dma_start3A_273] : memref<1x128xi32, #tpu.memory_space<vmem>> -> memref<1x128xi32, #tpu.memory_space<vmem>>
          %dma_start3A_275 = tpu.memref_squeeze %dma_start3A_274 : memref<1x128xi32, #tpu.memory_space<vmem>> -> memref<128xi32, #tpu.memory_space<vmem>>
          %dma_start3A_276 = arith.constant 0 : i32
          %dma_start3A_277 = arith.constant 0 : i32
          %dma_start3A_278 = tpu.memref_slice %arg2[%dma_start3A_276, %dma_start3A_277] : memref<131072x128xf32, #tpu.memory_space<hbm>> -> memref<131072x128xf32, #tpu.memory_space<hbm>>
          tpu.enqueue_indirect_dma source(%dma_start3A_278 : memref<131072x128xf32, #tpu.memory_space<hbm>>) target(%dma_start3A_268 : memref<128x128xf32, #tpu.memory_space<vmem>>) offsets(%dma_start3A_275 : memref<128xi32, #tpu.memory_space<vmem>>) semaphore(%run_scoped3A_264 : memref<!tpu.dma_semaphore, #tpu.memory_space<semaphore_mem>>)
          %dma_wait3A_279 = arith.constant 0 : i32
          %dma_wait3A_280 = arith.constant 0 : i32
          %dma_wait3A_281 = tpu.memref_slice %run_scoped3A_8[%rem3A_197, %dma_wait3A_279, %dma_wait3A_280] : memref<2x128x128xf32, #tpu.memory_space<vmem>> -> memref<1x128x128xf32, #tpu.memory_space<vmem>>
          %dma_wait3A_282 = tpu.memref_squeeze %dma_wait3A_281 : memref<1x128x128xf32, #tpu.memory_space<vmem>> -> memref<128x128xf32, #tpu.memory_space<vmem>>
          %dma_wait3A_283 = arith.constant 0 : i32
          %dma_wait3A_284 = arith.constant 0 : i32
          %dma_wait3A_285 = tpu.memref_slice %run_scoped3A[%rem3A_195, %dma_wait3A_283, %dma_wait3A_284] : memref<2x1x128xi32, #tpu.memory_space<vmem>> -> memref<1x1x128xi32, #tpu.memory_space<vmem>>
          %dma_wait3A_286 = tpu.memref_squeeze %dma_wait3A_285 : memref<1x1x128xi32, #tpu.memory_space<vmem>> -> memref<1x128xi32, #tpu.memory_space<vmem>>
          %dma_wait3A_287 = arith.constant 0 : i32
          %dma_wait3A_288 = tpu.memref_slice %dma_wait3A_286[%run_scoped3A_198, %dma_wait3A_287] : memref<1x128xi32, #tpu.memory_space<vmem>> -> memref<1x128xi32, #tpu.memory_space<vmem>>
          %dma_wait3A_289 = tpu.memref_squeeze %dma_wait3A_288 : memref<1x128xi32, #tpu.memory_space<vmem>> -> memref<128xi32, #tpu.memory_space<vmem>>
          %dma_wait3A_290 = arith.constant 0 : i32
          %dma_wait3A_291 = arith.constant 0 : i32
          %dma_wait3A_292 = tpu.memref_slice %arg2[%dma_wait3A_290, %dma_wait3A_291] : memref<131072x128xf32, #tpu.memory_space<hbm>> -> memref<131072x128xf32, #tpu.memory_space<hbm>>
          tpu.wait_indirect_dma semaphore(%run_scoped3A_264 : memref<!tpu.dma_semaphore, #tpu.memory_space<semaphore_mem>>) src(%dma_wait3A_292 : memref<131072x128xf32, #tpu.memory_space<hbm>>) dst(%dma_wait3A_282 : memref<128x128xf32, #tpu.memory_space<vmem>>)
          tpu.yield
        }) : () -> ()
        "tpu.trace_stop"() : () -> ()
        %ne3A_199 = arith.cmpi ne, %add3A_131, %add3A_149 : i32
        %or3A_200 = arith.constant false
        %or3A_201 = arith.ori %or3A_200, %ne3A_199 : i1
        %or3A_202 = arith.ori %or3A_201, %eq3A_130 : i1
        %convert_element_type3A_203 = arith.extui %or3A_202 : i1 to i32
        %cond3A_204 = arith.constant 0 : i32
        %cond3A_205 = arith.cmpi ne, %convert_element_type3A_203, %cond3A_204 : i32
        scf.if %cond3A_205 {
        } else {
        }
        %and3A_206 = arith.constant false
        %and3A_207 = arith.andi %or3A_202, %and3A_206 : i1
        %ne3A_208 = arith.cmpi ne, %add3A_131, %add3A_149 : i32
        %or3A_209 = arith.constant false
        %or3A_210 = arith.ori %or3A_209, %ne3A_208 : i1
        %or3A_211 = arith.constant false
        %or3A_212 = arith.ori %or3A_210, %or3A_211 : i1
        %or3A_213 = arith.ori %or3A_212, %eq3A_130 : i1
        %convert_element_type3A_214 = arith.extui %or3A_213 : i1 to i32
        %cond3A_215 = arith.constant 0 : i32
        %cond3A_216 = arith.cmpi ne, %convert_element_type3A_214, %cond3A_215 : i32
        scf.if %cond3A_216 {
          "tpu.trace_start"() <{level = 10 : i32, message = "ep_copy_out"}> : () -> ()
          %rem3A_264 = arith.constant 2 : i32
          %rem3A_265 = arith.remui %scan3A_124, %rem3A_264 : i32
          %mul3A_266 = arith.constant 128 : i32
          %mul3A_267 = arith.muli %mul3A_266, %add3A_131 : i32
          %dma_start3A_268 = arith.constant 0 : i32
          %dma_start3A_269 = arith.constant 0 : i32
          %dma_start3A_270 = tpu.memref_slice %run_scoped3A_8[%rem3A_265, %dma_start3A_268, %dma_start3A_269] : memref<2x128x128xf32, #tpu.memory_space<vmem>> -> memref<1x128x128xf32, #tpu.memory_space<vmem>>
          %dma_start3A_271 = tpu.memref_squeeze %dma_start3A_270 : memref<1x128x128xf32, #tpu.memory_space<vmem>> -> memref<128x128xf32, #tpu.memory_space<vmem>>
          %dma_start3A_272 = arith.constant 0 : i32
          %dma_start3A_273 = tpu.memref_slice %arg4[%mul3A_267, %dma_start3A_272] : memref<16384x128xf32, #tpu.memory_space<hbm>> -> memref<128x128xf32, #tpu.memory_space<hbm>>
          %dma_start3A_274 = tpu.memref_slice %run_scoped3A_9[%rem3A_265] : memref<2x!tpu.dma_semaphore, #tpu.memory_space<semaphore_mem>> -> memref<1x!tpu.dma_semaphore, #tpu.memory_space<semaphore_mem>>
          %dma_start3A_275 = tpu.memref_squeeze %dma_start3A_274 : memref<1x!tpu.dma_semaphore, #tpu.memory_space<semaphore_mem>> -> memref<!tpu.dma_semaphore, #tpu.memory_space<semaphore_mem>>
          %dma_start3A_276 = arith.constant 0 : i32
          %dma_start3A_277 = tpu.memref_slice %arg4[%mul3A_267, %dma_start3A_276] : memref<16384x128xf32, #tpu.memory_space<hbm>> -> memref<128x128xf32, #tpu.memory_space<hbm>>
          %dma_start3A_278 = arith.constant 0 : i32
          %dma_start3A_279 = arith.constant 0 : i32
          %dma_start3A_280 = tpu.memref_slice %run_scoped3A_8[%rem3A_265, %dma_start3A_278, %dma_start3A_279] : memref<2x128x128xf32, #tpu.memory_space<vmem>> -> memref<1x128x128xf32, #tpu.memory_space<vmem>>
          %dma_start3A_281 = tpu.memref_squeeze %dma_start3A_280 : memref<1x128x128xf32, #tpu.memory_space<vmem>> -> memref<128x128xf32, #tpu.memory_space<vmem>>
          tpu.enqueue_dma source(%dma_start3A_281 : memref<128x128xf32, #tpu.memory_space<vmem>>) target(%dma_start3A_277 : memref<128x128xf32, #tpu.memory_space<hbm>>) target_semaphore(%dma_start3A_275 : memref<!tpu.dma_semaphore, #tpu.memory_space<semaphore_mem>>)
          "tpu.trace_stop"() : () -> ()
        } else {
        }
        %and3A_217 = arith.constant true
        %and3A_218 = arith.andi %or3A_213, %and3A_217 : i1
        %add3A_219 = arith.constant 1 : i32
        %add3A_220 = arith.addi %scan3A_124, %add3A_219 : i32
        %select_n3A_221 = arith.select %and3A_218, %add3A_220, %scan3A_124 : i32
        %ne3A_222 = arith.cmpi ne, %add3A_131, %add3A_140 : i32
        %or3A_223 = arith.constant false
        %or3A_224 = arith.ori %or3A_223, %ne3A_222 : i1
        %not3A_225 = arith.constant true
        %not3A_226 = arith.xori %eq3A_128, %not3A_225 : i1
        %and3A_227 = arith.andi %or3A_224, %not3A_226 : i1
        %convert_element_type3A_228 = arith.extui %and3A_227 : i1 to i32
        %cond3A_229 = arith.constant 0 : i32
        %cond3A_230 = arith.cmpi ne, %convert_element_type3A_228, %cond3A_229 : i32
        scf.if %cond3A_230 {
        } else {
        }
        %and3A_231 = arith.constant false
        %and3A_232 = arith.andi %and3A_227, %and3A_231 : i1
        %ne3A_233 = arith.cmpi ne, %add3A_131, %add3A_140 : i32
        %or3A_234 = arith.constant false
        %or3A_235 = arith.ori %or3A_234, %ne3A_233 : i1
        %or3A_236 = arith.constant false
        %or3A_237 = arith.ori %or3A_235, %or3A_236 : i1
        %not3A_238 = arith.constant true
        %not3A_239 = arith.xori %eq3A_128, %not3A_238 : i1
        %and3A_240 = arith.andi %or3A_237, %not3A_239 : i1
        %convert_element_type3A_241 = arith.extui %and3A_240 : i1 to i32
        %cond3A_242 = arith.constant 0 : i32
        %cond3A_243 = arith.cmpi ne, %convert_element_type3A_241, %cond3A_242 : i32
        scf.if %cond3A_243 {
          "tpu.trace_start"() <{level = 10 : i32, message = "ep_wait_out"}> : () -> ()
          %rem3A_264 = arith.constant 2 : i32
          %rem3A_265 = arith.remui %scan3A_125, %rem3A_264 : i32
          %mul3A_266 = arith.constant 128 : i32
          %mul3A_267 = arith.muli %mul3A_266, %add3A_140 : i32
          %dma_wait3A_268 = arith.constant 0 : i32
          %dma_wait3A_269 = arith.constant 0 : i32
          %dma_wait3A_270 = tpu.memref_slice %run_scoped3A_8[%rem3A_265, %dma_wait3A_268, %dma_wait3A_269] : memref<2x128x128xf32, #tpu.memory_space<vmem>> -> memref<1x128x128xf32, #tpu.memory_space<vmem>>
          %dma_wait3A_271 = tpu.memref_squeeze %dma_wait3A_270 : memref<1x128x128xf32, #tpu.memory_space<vmem>> -> memref<128x128xf32, #tpu.memory_space<vmem>>
          %dma_wait3A_272 = arith.constant 0 : i32
          %dma_wait3A_273 = tpu.memref_slice %arg4[%mul3A_267, %dma_wait3A_272] : memref<16384x128xf32, #tpu.memory_space<hbm>> -> memref<128x128xf32, #tpu.memory_space<hbm>>
          %dma_wait3A_274 = tpu.memref_slice %run_scoped3A_9[%rem3A_265] : memref<2x!tpu.dma_semaphore, #tpu.memory_space<semaphore_mem>> -> memref<1x!tpu.dma_semaphore, #tpu.memory_space<semaphore_mem>>
          %dma_wait3A_275 = tpu.memref_squeeze %dma_wait3A_274 : memref<1x!tpu.dma_semaphore, #tpu.memory_space<semaphore_mem>> -> memref<!tpu.dma_semaphore, #tpu.memory_space<semaphore_mem>>
          %dma_wait3A_276 = arith.constant 0 : i32
          %dma_wait3A_277 = tpu.memref_slice %arg4[%mul3A_267, %dma_wait3A_276] : memref<16384x128xf32, #tpu.memory_space<hbm>> -> memref<128x128xf32, #tpu.memory_space<hbm>>
          %dma_wait3A_278 = arith.constant 0 : i32
          %dma_wait3A_279 = arith.constant 0 : i32
          %dma_wait3A_280 = tpu.memref_slice %run_scoped3A_8[%rem3A_265, %dma_wait3A_278, %dma_wait3A_279] : memref<2x128x128xf32, #tpu.memory_space<vmem>> -> memref<1x128x128xf32, #tpu.memory_space<vmem>>
          %dma_wait3A_281 = tpu.memref_squeeze %dma_wait3A_280 : memref<1x128x128xf32, #tpu.memory_space<vmem>> -> memref<128x128xf32, #tpu.memory_space<vmem>>
          tpu.wait_dma2 semaphore(%dma_wait3A_275 : memref<!tpu.dma_semaphore, #tpu.memory_space<semaphore_mem>>) src(%dma_wait3A_281 : memref<128x128xf32, #tpu.memory_space<vmem>>) dst(%dma_wait3A_277 : memref<128x128xf32, #tpu.memory_space<hbm>>)
          "tpu.trace_stop"() : () -> ()
        } else {
        }
        %and3A_244 = arith.constant true
        %and3A_245 = arith.andi %and3A_240, %and3A_244 : i1
        %add3A_246 = arith.constant 1 : i32
        %add3A_247 = arith.addi %scan3A_125, %add3A_246 : i32
        %select_n3A_248 = arith.select %and3A_245, %add3A_247, %scan3A_125 : i32
        %ne3A_249 = arith.cmpi ne, %add3A_131, %add3A_149 : i32
        %or3A_250 = arith.constant false
        %or3A_251 = arith.ori %or3A_250, %ne3A_249 : i1
        %or3A_252 = arith.ori %or3A_251, %eq3A_130 : i1
        %add3A_253 = arith.constant 1 : i32
        %add3A_254 = arith.addi %scan3A_123, %add3A_253 : i32
        %select_n3A_255 = arith.select %or3A_252, %add3A_254, %scan3A_123 : i32
        %add3A_256 = arith.constant 1 : i32
        %add3A_257 = arith.addi %scan3A_126, %add3A_256 : i32
        %select_n3A_258 = arith.constant true
        %select_n3A_259 = arith.select %select_n3A_258, %add3A_257, %scan3A_126 : i32
        %eq3A_260 = arith.constant 4 : i32
        %eq3A_261 = arith.cmpi eq, %select_n3A_259, %eq3A_260 : i32
        %select_n3A_262 = arith.constant 0 : i32
        %select_n3A_263 = arith.select %eq3A_261, %select_n3A_262, %select_n3A_259 : i32
        scf.yield %select_n3A_167, %select_n3A_255, %select_n3A_221, %select_n3A_248, %select_n3A_263 : i32, i32, i32, i32, i32
      }
      %scan3A_68 = arith.constant 4 : i32
      %sub3A = arith.constant 1 : i32
      %sub3A_69 = arith.subi %scan3A_67#4, %sub3A : i32
      %select_n3A_70 = arith.constant true
      %select_n3A_71 = arith.select %select_n3A_70, %sub3A_69, %scan3A_67#4 : i32
      %eq3A_72 = arith.constant -1 : i32
      %eq3A_73 = arith.cmpi eq, %select_n3A_71, %eq3A_72 : i32
      %select_n3A_74 = arith.constant 3 : i32
      %select_n3A_75 = arith.select %eq3A_73, %select_n3A_74, %select_n3A_71 : i32
      %add3A_76 = arith.addi %select_n3A_75, %mul3A_6 : i32
      %sub3A_77 = arith.constant 1 : i32
      %sub3A_78 = arith.subi %select_n3A_75, %sub3A_77 : i32
      %select_n3A_79 = arith.constant true
      %select_n3A_80 = arith.select %select_n3A_79, %sub3A_78, %select_n3A_75 : i32
      %eq3A_81 = arith.constant -1 : i32
      %eq3A_82 = arith.cmpi eq, %select_n3A_80, %eq3A_81 : i32
      %select_n3A_83 = arith.constant 3 : i32
      %select_n3A_84 = arith.select %eq3A_82, %select_n3A_83, %select_n3A_80 : i32
      %add3A_85 = arith.addi %select_n3A_84, %mul3A_6 : i32
      %add3A_86 = arith.constant 1 : i32
      %add3A_87 = arith.addi %select_n3A_75, %add3A_86 : i32
      %select_n3A_88 = arith.constant true
      %select_n3A_89 = arith.select %select_n3A_88, %add3A_87, %select_n3A_75 : i32
      %eq3A_90 = arith.constant 4 : i32
      %eq3A_91 = arith.cmpi eq, %select_n3A_89, %eq3A_90 : i32
      %select_n3A_92 = arith.constant 0 : i32
      %select_n3A_93 = arith.select %eq3A_91, %select_n3A_92, %select_n3A_89 : i32
      %add3A_94 = arith.addi %select_n3A_93, %mul3A_6 : i32
      %add3A_95 = arith.constant 1 : i32
      %add3A_96 = arith.addi %select_n3A_93, %add3A_95 : i32
      %select_n3A_97 = arith.constant true
      %select_n3A_98 = arith.select %select_n3A_97, %add3A_96, %select_n3A_93 : i32
      %eq3A_99 = arith.constant 4 : i32
      %eq3A_100 = arith.cmpi eq, %select_n3A_98, %eq3A_99 : i32
      %select_n3A_101 = arith.constant 0 : i32
      %select_n3A_102 = arith.select %eq3A_100, %select_n3A_101, %select_n3A_98 : i32
      %add3A_103 = arith.addi %select_n3A_102, %mul3A_6 : i32
      "tpu.trace_start"() <{level = 10 : i32, message = "ep_finalize"}> : () -> ()
      %rem3A_104 = arith.constant 2 : i32
      %rem3A_105 = arith.remui %scan3A_67#3, %rem3A_104 : i32
      %mul3A_106 = arith.constant 128 : i32
      %mul3A_107 = arith.muli %mul3A_106, %add3A_76 : i32
      %dma_wait3A = arith.constant 0 : i32
      %dma_wait3A_108 = arith.constant 0 : i32
      %dma_wait3A_109 = tpu.memref_slice %run_scoped3A_8[%rem3A_105, %dma_wait3A, %dma_wait3A_108] : memref<2x128x128xf32, #tpu.memory_space<vmem>> -> memref<1x128x128xf32, #tpu.memory_space<vmem>>
      %dma_wait3A_110 = tpu.memref_squeeze %dma_wait3A_109 : memref<1x128x128xf32, #tpu.memory_space<vmem>> -> memref<128x128xf32, #tpu.memory_space<vmem>>
      %dma_wait3A_111 = arith.constant 0 : i32
      %dma_wait3A_112 = tpu.memref_slice %arg4[%mul3A_107, %dma_wait3A_111] : memref<16384x128xf32, #tpu.memory_space<hbm>> -> memref<128x128xf32, #tpu.memory_space<hbm>>
      %dma_wait3A_113 = tpu.memref_slice %run_scoped3A_9[%rem3A_105] : memref<2x!tpu.dma_semaphore, #tpu.memory_space<semaphore_mem>> -> memref<1x!tpu.dma_semaphore, #tpu.memory_space<semaphore_mem>>
      %dma_wait3A_114 = tpu.memref_squeeze %dma_wait3A_113 : memref<1x!tpu.dma_semaphore, #tpu.memory_space<semaphore_mem>> -> memref<!tpu.dma_semaphore, #tpu.memory_space<semaphore_mem>>
      %dma_wait3A_115 = arith.constant 0 : i32
      %dma_wait3A_116 = tpu.memref_slice %arg4[%mul3A_107, %dma_wait3A_115] : memref<16384x128xf32, #tpu.memory_space<hbm>> -> memref<128x128xf32, #tpu.memory_space<hbm>>
      %dma_wait3A_117 = arith.constant 0 : i32
      %dma_wait3A_118 = arith.constant 0 : i32
      %dma_wait3A_119 = tpu.memref_slice %run_scoped3A_8[%rem3A_105, %dma_wait3A_117, %dma_wait3A_118] : memref<2x128x128xf32, #tpu.memory_space<vmem>> -> memref<1x128x128xf32, #tpu.memory_space<vmem>>
      %dma_wait3A_120 = tpu.memref_squeeze %dma_wait3A_119 : memref<1x128x128xf32, #tpu.memory_space<vmem>> -> memref<128x128xf32, #tpu.memory_space<vmem>>
      tpu.wait_dma2 semaphore(%dma_wait3A_114 : memref<!tpu.dma_semaphore, #tpu.memory_space<semaphore_mem>>) src(%dma_wait3A_120 : memref<128x128xf32, #tpu.memory_space<vmem>>) dst(%dma_wait3A_116 : memref<128x128xf32, #tpu.memory_space<hbm>>)
      "tpu.trace_stop"() : () -> ()
      tpu.yield
    }) : () -> ()
    return
  }
}

module attributes {stable_mosaic.version = 14 : i64} {
  func.func @_k2_body(%arg0: i32, %arg1: memref<1024x64xf32, #tpu.memory_space<vmem>>, %arg2: memref<512x2048xf32, #tpu.memory_space<vmem>>, %arg3: memref<1024x512xf32, #tpu.memory_space<vmem>>, %arg4: memref<1024x512xi32, #tpu.memory_space<vmem>>) attributes {dimension_semantics = [#tpu.dimension_semantics<arbitrary>], iteration_bounds = array<i64: 16>, scalar_prefetch = 0 : i64, scratch_operands = 0 : i64, tpu.core_type = #tpu.core_type<tc>, window_params = [{pipeline_mode = #tpu.pipeline_mode<synchronous>, transform_indices = @transform_0, window_bounds = array<i64: 1024, 64>}, {transform_indices = @transform_1, window_bounds = array<i64: 512, 2048>}, {transform_indices = @transform_2, window_bounds = array<i64: 1024, 512>}, {transform_indices = @transform_3, window_bounds = array<i64: 1024, 512>}]} {
    %get3A = arith.constant 0 : index
    %get3A_0 = arith.constant 0 : index
    %get3A_1 = vector.load %arg1[%get3A, %get3A_0] : memref<1024x64xf32, #tpu.memory_space<vmem>>, vector<1024x64xf32>
    %get3A_2 = arith.constant 0 : index
    %get3A_3 = arith.constant 0 : index
    %get3A_4 = vector.load %arg2[%get3A_2, %get3A_3] : memref<512x2048xf32, #tpu.memory_space<vmem>>, vector<512x64xf32>
    %dot_general3A = arith.constant dense<0.000000e+00> : vector<1024x512xf32>
    %dot_general3A_5 = tpu.matmul %get3A_1, %get3A_4, %dot_general3A {dimension_numbers = #tpu.dot_dimension_numbers<[1], [1], [0], [0], [0, 0, 1, 0], [], []>, transpose_lhs_hint = false} : vector<1024x64xf32>, vector<512x64xf32>, vector<1024x512xf32> -> vector<1024x512xf32>
    %broadcast_in_dim3A = arith.constant 0 : i32
    %broadcast_in_dim3A_6 = vector.broadcast %broadcast_in_dim3A : i32 to vector<1024x512xi32>
    %get3A_7 = arith.constant 0 : index
    %get3A_8 = arith.constant 64 : index
    %get3A_9 = vector.load %arg2[%get3A_7, %get3A_8] : memref<512x2048xf32, #tpu.memory_space<vmem>>, vector<512x64xf32>
    %dot_general3A_10 = arith.constant dense<0.000000e+00> : vector<1024x512xf32>
    %dot_general3A_11 = tpu.matmul %get3A_1, %get3A_9, %dot_general3A_10 {dimension_numbers = #tpu.dot_dimension_numbers<[1], [1], [0], [0], [0, 0, 1, 0], [], []>, transpose_lhs_hint = false} : vector<1024x64xf32>, vector<512x64xf32>, vector<1024x512xf32> -> vector<1024x512xf32>
    %gt3A = arith.cmpf ogt, %dot_general3A_11, %dot_general3A_5 : vector<1024x512xf32>
    %select_n3A = arith.select %gt3A, %dot_general3A_11, %dot_general3A_5 : vector<1024x512xi1>, vector<1024x512xf32>
    %jit3A = arith.constant 1 : i32
    %broadcast_in_dim3A_12 = vector.broadcast %jit3A : i32 to vector<1024x512xi32>
    %select_n3A_13 = arith.select %gt3A, %broadcast_in_dim3A_12, %broadcast_in_dim3A_6 : vector<1024x512xi1>, vector<1024x512xi32>
    %get3A_14 = arith.constant 0 : index
    %get3A_15 = arith.constant 128 : index
    %get3A_16 = vector.load %arg2[%get3A_14, %get3A_15] : memref<512x2048xf32, #tpu.memory_space<vmem>>, vector<512x64xf32>
    %dot_general3A_17 = arith.constant dense<0.000000e+00> : vector<1024x512xf32>
    %dot_general3A_18 = tpu.matmul %get3A_1, %get3A_16, %dot_general3A_17 {dimension_numbers = #tpu.dot_dimension_numbers<[1], [1], [0], [0], [0, 0, 1, 0], [], []>, transpose_lhs_hint = false} : vector<1024x64xf32>, vector<512x64xf32>, vector<1024x512xf32> -> vector<1024x512xf32>
    %gt3A_19 = arith.cmpf ogt, %dot_general3A_18, %select_n3A : vector<1024x512xf32>
    %select_n3A_20 = arith.select %gt3A_19, %dot_general3A_18, %select_n3A : vector<1024x512xi1>, vector<1024x512xf32>
    %jit3A_21 = arith.constant 2 : i32
    %broadcast_in_dim3A_22 = vector.broadcast %jit3A_21 : i32 to vector<1024x512xi32>
    %select_n3A_23 = arith.select %gt3A_19, %broadcast_in_dim3A_22, %select_n3A_13 : vector<1024x512xi1>, vector<1024x512xi32>
    %get3A_24 = arith.constant 0 : index
    %get3A_25 = arith.constant 192 : index
    %get3A_26 = vector.load %arg2[%get3A_24, %get3A_25] : memref<512x2048xf32, #tpu.memory_space<vmem>>, vector<512x64xf32>
    %dot_general3A_27 = arith.constant dense<0.000000e+00> : vector<1024x512xf32>
    %dot_general3A_28 = tpu.matmul %get3A_1, %get3A_26, %dot_general3A_27 {dimension_numbers = #tpu.dot_dimension_numbers<[1], [1], [0], [0], [0, 0, 1, 0], [], []>, transpose_lhs_hint = false} : vector<1024x64xf32>, vector<512x64xf32>, vector<1024x512xf32> -> vector<1024x512xf32>
    %gt3A_29 = arith.cmpf ogt, %dot_general3A_28, %select_n3A_20 : vector<1024x512xf32>
    %select_n3A_30 = arith.select %gt3A_29, %dot_general3A_28, %select_n3A_20 : vector<1024x512xi1>, vector<1024x512xf32>
    %jit3A_31 = arith.constant 3 : i32
    %broadcast_in_dim3A_32 = vector.broadcast %jit3A_31 : i32 to vector<1024x512xi32>
    %select_n3A_33 = arith.select %gt3A_29, %broadcast_in_dim3A_32, %select_n3A_23 : vector<1024x512xi1>, vector<1024x512xi32>
    %get3A_34 = arith.constant 0 : index
    %get3A_35 = arith.constant 256 : index
    %get3A_36 = vector.load %arg2[%get3A_34, %get3A_35] : memref<512x2048xf32, #tpu.memory_space<vmem>>, vector<512x64xf32>
    %dot_general3A_37 = arith.constant dense<0.000000e+00> : vector<1024x512xf32>
    %dot_general3A_38 = tpu.matmul %get3A_1, %get3A_36, %dot_general3A_37 {dimension_numbers = #tpu.dot_dimension_numbers<[1], [1], [0], [0], [0, 0, 1, 0], [], []>, transpose_lhs_hint = false} : vector<1024x64xf32>, vector<512x64xf32>, vector<1024x512xf32> -> vector<1024x512xf32>
    %gt3A_39 = arith.cmpf ogt, %dot_general3A_38, %select_n3A_30 : vector<1024x512xf32>
    %select_n3A_40 = arith.select %gt3A_39, %dot_general3A_38, %select_n3A_30 : vector<1024x512xi1>, vector<1024x512xf32>
    %jit3A_41 = arith.constant 4 : i32
    %broadcast_in_dim3A_42 = vector.broadcast %jit3A_41 : i32 to vector<1024x512xi32>
    %select_n3A_43 = arith.select %gt3A_39, %broadcast_in_dim3A_42, %select_n3A_33 : vector<1024x512xi1>, vector<1024x512xi32>
    %get3A_44 = arith.constant 0 : index
    %get3A_45 = arith.constant 320 : index
    %get3A_46 = vector.load %arg2[%get3A_44, %get3A_45] : memref<512x2048xf32, #tpu.memory_space<vmem>>, vector<512x64xf32>
    %dot_general3A_47 = arith.constant dense<0.000000e+00> : vector<1024x512xf32>
    %dot_general3A_48 = tpu.matmul %get3A_1, %get3A_46, %dot_general3A_47 {dimension_numbers = #tpu.dot_dimension_numbers<[1], [1], [0], [0], [0, 0, 1, 0], [], []>, transpose_lhs_hint = false} : vector<1024x64xf32>, vector<512x64xf32>, vector<1024x512xf32> -> vector<1024x512xf32>
    %gt3A_49 = arith.cmpf ogt, %dot_general3A_48, %select_n3A_40 : vector<1024x512xf32>
    %select_n3A_50 = arith.select %gt3A_49, %dot_general3A_48, %select_n3A_40 : vector<1024x512xi1>, vector<1024x512xf32>
    %jit3A_51 = arith.constant 5 : i32
    %broadcast_in_dim3A_52 = vector.broadcast %jit3A_51 : i32 to vector<1024x512xi32>
    %select_n3A_53 = arith.select %gt3A_49, %broadcast_in_dim3A_52, %select_n3A_43 : vector<1024x512xi1>, vector<1024x512xi32>
    %get3A_54 = arith.constant 0 : index
    %get3A_55 = arith.constant 384 : index
    %get3A_56 = vector.load %arg2[%get3A_54, %get3A_55] : memref<512x2048xf32, #tpu.memory_space<vmem>>, vector<512x64xf32>
    %dot_general3A_57 = arith.constant dense<0.000000e+00> : vector<1024x512xf32>
    %dot_general3A_58 = tpu.matmul %get3A_1, %get3A_56, %dot_general3A_57 {dimension_numbers = #tpu.dot_dimension_numbers<[1], [1], [0], [0], [0, 0, 1, 0], [], []>, transpose_lhs_hint = false} : vector<1024x64xf32>, vector<512x64xf32>, vector<1024x512xf32> -> vector<1024x512xf32>
    %gt3A_59 = arith.cmpf ogt, %dot_general3A_58, %select_n3A_50 : vector<1024x512xf32>
    %select_n3A_60 = arith.select %gt3A_59, %dot_general3A_58, %select_n3A_50 : vector<1024x512xi1>, vector<1024x512xf32>
    %jit3A_61 = arith.constant 6 : i32
    %broadcast_in_dim3A_62 = vector.broadcast %jit3A_61 : i32 to vector<1024x512xi32>
    %select_n3A_63 = arith.select %gt3A_59, %broadcast_in_dim3A_62, %select_n3A_53 : vector<1024x512xi1>, vector<1024x512xi32>
    %get3A_64 = arith.constant 0 : index
    %get3A_65 = arith.constant 448 : index
    %get3A_66 = vector.load %arg2[%get3A_64, %get3A_65] : memref<512x2048xf32, #tpu.memory_space<vmem>>, vector<512x64xf32>
    %dot_general3A_67 = arith.constant dense<0.000000e+00> : vector<1024x512xf32>
    %dot_general3A_68 = tpu.matmul %get3A_1, %get3A_66, %dot_general3A_67 {dimension_numbers = #tpu.dot_dimension_numbers<[1], [1], [0], [0], [0, 0, 1, 0], [], []>, transpose_lhs_hint = false} : vector<1024x64xf32>, vector<512x64xf32>, vector<1024x512xf32> -> vector<1024x512xf32>
    %gt3A_69 = arith.cmpf ogt, %dot_general3A_68, %select_n3A_60 : vector<1024x512xf32>
    %select_n3A_70 = arith.select %gt3A_69, %dot_general3A_68, %select_n3A_60 : vector<1024x512xi1>, vector<1024x512xf32>
    %jit3A_71 = arith.constant 7 : i32
    %broadcast_in_dim3A_72 = vector.broadcast %jit3A_71 : i32 to vector<1024x512xi32>
    %select_n3A_73 = arith.select %gt3A_69, %broadcast_in_dim3A_72, %select_n3A_63 : vector<1024x512xi1>, vector<1024x512xi32>
    %get3A_74 = arith.constant 0 : index
    %get3A_75 = arith.constant 512 : index
    %get3A_76 = vector.load %arg2[%get3A_74, %get3A_75] : memref<512x2048xf32, #tpu.memory_space<vmem>>, vector<512x64xf32>
    %dot_general3A_77 = arith.constant dense<0.000000e+00> : vector<1024x512xf32>
    %dot_general3A_78 = tpu.matmul %get3A_1, %get3A_76, %dot_general3A_77 {dimension_numbers = #tpu.dot_dimension_numbers<[1], [1], [0], [0], [0, 0, 1, 0], [], []>, transpose_lhs_hint = false} : vector<1024x64xf32>, vector<512x64xf32>, vector<1024x512xf32> -> vector<1024x512xf32>
    %gt3A_79 = arith.cmpf ogt, %dot_general3A_78, %select_n3A_70 : vector<1024x512xf32>
    %select_n3A_80 = arith.select %gt3A_79, %dot_general3A_78, %select_n3A_70 : vector<1024x512xi1>, vector<1024x512xf32>
    %jit3A_81 = arith.constant 8 : i32
    %broadcast_in_dim3A_82 = vector.broadcast %jit3A_81 : i32 to vector<1024x512xi32>
    %select_n3A_83 = arith.select %gt3A_79, %broadcast_in_dim3A_82, %select_n3A_73 : vector<1024x512xi1>, vector<1024x512xi32>
    %get3A_84 = arith.constant 0 : index
    %get3A_85 = arith.constant 576 : index
    %get3A_86 = vector.load %arg2[%get3A_84, %get3A_85] : memref<512x2048xf32, #tpu.memory_space<vmem>>, vector<512x64xf32>
    %dot_general3A_87 = arith.constant dense<0.000000e+00> : vector<1024x512xf32>
    %dot_general3A_88 = tpu.matmul %get3A_1, %get3A_86, %dot_general3A_87 {dimension_numbers = #tpu.dot_dimension_numbers<[1], [1], [0], [0], [0, 0, 1, 0], [], []>, transpose_lhs_hint = false} : vector<1024x64xf32>, vector<512x64xf32>, vector<1024x512xf32> -> vector<1024x512xf32>
    %gt3A_89 = arith.cmpf ogt, %dot_general3A_88, %select_n3A_80 : vector<1024x512xf32>
    %select_n3A_90 = arith.select %gt3A_89, %dot_general3A_88, %select_n3A_80 : vector<1024x512xi1>, vector<1024x512xf32>
    %jit3A_91 = arith.constant 9 : i32
    %broadcast_in_dim3A_92 = vector.broadcast %jit3A_91 : i32 to vector<1024x512xi32>
    %select_n3A_93 = arith.select %gt3A_89, %broadcast_in_dim3A_92, %select_n3A_83 : vector<1024x512xi1>, vector<1024x512xi32>
    %get3A_94 = arith.constant 0 : index
    %get3A_95 = arith.constant 640 : index
    %get3A_96 = vector.load %arg2[%get3A_94, %get3A_95] : memref<512x2048xf32, #tpu.memory_space<vmem>>, vector<512x64xf32>
    %dot_general3A_97 = arith.constant dense<0.000000e+00> : vector<1024x512xf32>
    %dot_general3A_98 = tpu.matmul %get3A_1, %get3A_96, %dot_general3A_97 {dimension_numbers = #tpu.dot_dimension_numbers<[1], [1], [0], [0], [0, 0, 1, 0], [], []>, transpose_lhs_hint = false} : vector<1024x64xf32>, vector<512x64xf32>, vector<1024x512xf32> -> vector<1024x512xf32>
    %gt3A_99 = arith.cmpf ogt, %dot_general3A_98, %select_n3A_90 : vector<1024x512xf32>
    %select_n3A_100 = arith.select %gt3A_99, %dot_general3A_98, %select_n3A_90 : vector<1024x512xi1>, vector<1024x512xf32>
    %jit3A_101 = arith.constant 10 : i32
    %broadcast_in_dim3A_102 = vector.broadcast %jit3A_101 : i32 to vector<1024x512xi32>
    %select_n3A_103 = arith.select %gt3A_99, %broadcast_in_dim3A_102, %select_n3A_93 : vector<1024x512xi1>, vector<1024x512xi32>
    %get3A_104 = arith.constant 0 : index
    %get3A_105 = arith.constant 704 : index
    %get3A_106 = vector.load %arg2[%get3A_104, %get3A_105] : memref<512x2048xf32, #tpu.memory_space<vmem>>, vector<512x64xf32>
    %dot_general3A_107 = arith.constant dense<0.000000e+00> : vector<1024x512xf32>
    %dot_general3A_108 = tpu.matmul %get3A_1, %get3A_106, %dot_general3A_107 {dimension_numbers = #tpu.dot_dimension_numbers<[1], [1], [0], [0], [0, 0, 1, 0], [], []>, transpose_lhs_hint = false} : vector<1024x64xf32>, vector<512x64xf32>, vector<1024x512xf32> -> vector<1024x512xf32>
    %gt3A_109 = arith.cmpf ogt, %dot_general3A_108, %select_n3A_100 : vector<1024x512xf32>
    %select_n3A_110 = arith.select %gt3A_109, %dot_general3A_108, %select_n3A_100 : vector<1024x512xi1>, vector<1024x512xf32>
    %jit3A_111 = arith.constant 11 : i32
    %broadcast_in_dim3A_112 = vector.broadcast %jit3A_111 : i32 to vector<1024x512xi32>
    %select_n3A_113 = arith.select %gt3A_109, %broadcast_in_dim3A_112, %select_n3A_103 : vector<1024x512xi1>, vector<1024x512xi32>
    %get3A_114 = arith.constant 0 : index
    %get3A_115 = arith.constant 768 : index
    %get3A_116 = vector.load %arg2[%get3A_114, %get3A_115] : memref<512x2048xf32, #tpu.memory_space<vmem>>, vector<512x64xf32>
    %dot_general3A_117 = arith.constant dense<0.000000e+00> : vector<1024x512xf32>
    %dot_general3A_118 = tpu.matmul %get3A_1, %get3A_116, %dot_general3A_117 {dimension_numbers = #tpu.dot_dimension_numbers<[1], [1], [0], [0], [0, 0, 1, 0], [], []>, transpose_lhs_hint = false} : vector<1024x64xf32>, vector<512x64xf32>, vector<1024x512xf32> -> vector<1024x512xf32>
    %gt3A_119 = arith.cmpf ogt, %dot_general3A_118, %select_n3A_110 : vector<1024x512xf32>
    %select_n3A_120 = arith.select %gt3A_119, %dot_general3A_118, %select_n3A_110 : vector<1024x512xi1>, vector<1024x512xf32>
    %jit3A_121 = arith.constant 12 : i32
    %broadcast_in_dim3A_122 = vector.broadcast %jit3A_121 : i32 to vector<1024x512xi32>
    %select_n3A_123 = arith.select %gt3A_119, %broadcast_in_dim3A_122, %select_n3A_113 : vector<1024x512xi1>, vector<1024x512xi32>
    %get3A_124 = arith.constant 0 : index
    %get3A_125 = arith.constant 832 : index
    %get3A_126 = vector.load %arg2[%get3A_124, %get3A_125] : memref<512x2048xf32, #tpu.memory_space<vmem>>, vector<512x64xf32>
    %dot_general3A_127 = arith.constant dense<0.000000e+00> : vector<1024x512xf32>
    %dot_general3A_128 = tpu.matmul %get3A_1, %get3A_126, %dot_general3A_127 {dimension_numbers = #tpu.dot_dimension_numbers<[1], [1], [0], [0], [0, 0, 1, 0], [], []>, transpose_lhs_hint = false} : vector<1024x64xf32>, vector<512x64xf32>, vector<1024x512xf32> -> vector<1024x512xf32>
    %gt3A_129 = arith.cmpf ogt, %dot_general3A_128, %select_n3A_120 : vector<1024x512xf32>
    %select_n3A_130 = arith.select %gt3A_129, %dot_general3A_128, %select_n3A_120 : vector<1024x512xi1>, vector<1024x512xf32>
    %jit3A_131 = arith.constant 13 : i32
    %broadcast_in_dim3A_132 = vector.broadcast %jit3A_131 : i32 to vector<1024x512xi32>
    %select_n3A_133 = arith.select %gt3A_129, %broadcast_in_dim3A_132, %select_n3A_123 : vector<1024x512xi1>, vector<1024x512xi32>
    %get3A_134 = arith.constant 0 : index
    %get3A_135 = arith.constant 896 : index
    %get3A_136 = vector.load %arg2[%get3A_134, %get3A_135] : memref<512x2048xf32, #tpu.memory_space<vmem>>, vector<512x64xf32>
    %dot_general3A_137 = arith.constant dense<0.000000e+00> : vector<1024x512xf32>
    %dot_general3A_138 = tpu.matmul %get3A_1, %get3A_136, %dot_general3A_137 {dimension_numbers = #tpu.dot_dimension_numbers<[1], [1], [0], [0], [0, 0, 1, 0], [], []>, transpose_lhs_hint = false} : vector<1024x64xf32>, vector<512x64xf32>, vector<1024x512xf32> -> vector<1024x512xf32>
    %gt3A_139 = arith.cmpf ogt, %dot_general3A_138, %select_n3A_130 : vector<1024x512xf32>
    %select_n3A_140 = arith.select %gt3A_139, %dot_general3A_138, %select_n3A_130 : vector<1024x512xi1>, vector<1024x512xf32>
    %jit3A_141 = arith.constant 14 : i32
    %broadcast_in_dim3A_142 = vector.broadcast %jit3A_141 : i32 to vector<1024x512xi32>
    %select_n3A_143 = arith.select %gt3A_139, %broadcast_in_dim3A_142, %select_n3A_133 : vector<1024x512xi1>, vector<1024x512xi32>
    %get3A_144 = arith.constant 0 : index
    %get3A_145 = arith.constant 960 : index
    %get3A_146 = vector.load %arg2[%get3A_144, %get3A_145] : memref<512x2048xf32, #tpu.memory_space<vmem>>, vector<512x64xf32>
    %dot_general3A_147 = arith.constant dense<0.000000e+00> : vector<1024x512xf32>
    %dot_general3A_148 = tpu.matmul %get3A_1, %get3A_146, %dot_general3A_147 {dimension_numbers = #tpu.dot_dimension_numbers<[1], [1], [0], [0], [0, 0, 1, 0], [], []>, transpose_lhs_hint = false} : vector<1024x64xf32>, vector<512x64xf32>, vector<1024x512xf32> -> vector<1024x512xf32>
    %gt3A_149 = arith.cmpf ogt, %dot_general3A_148, %select_n3A_140 : vector<1024x512xf32>
    %select_n3A_150 = arith.select %gt3A_149, %dot_general3A_148, %select_n3A_140 : vector<1024x512xi1>, vector<1024x512xf32>
    %jit3A_151 = arith.constant 15 : i32
    %broadcast_in_dim3A_152 = vector.broadcast %jit3A_151 : i32 to vector<1024x512xi32>
    %select_n3A_153 = arith.select %gt3A_149, %broadcast_in_dim3A_152, %select_n3A_143 : vector<1024x512xi1>, vector<1024x512xi32>
    %get3A_154 = arith.constant 0 : index
    %get3A_155 = arith.constant 1024 : index
    %get3A_156 = vector.load %arg2[%get3A_154, %get3A_155] : memref<512x2048xf32, #tpu.memory_space<vmem>>, vector<512x64xf32>
    %dot_general3A_157 = arith.constant dense<0.000000e+00> : vector<1024x512xf32>
    %dot_general3A_158 = tpu.matmul %get3A_1, %get3A_156, %dot_general3A_157 {dimension_numbers = #tpu.dot_dimension_numbers<[1], [1], [0], [0], [0, 0, 1, 0], [], []>, transpose_lhs_hint = false} : vector<1024x64xf32>, vector<512x64xf32>, vector<1024x512xf32> -> vector<1024x512xf32>
    %gt3A_159 = arith.cmpf ogt, %dot_general3A_158, %select_n3A_150 : vector<1024x512xf32>
    %select_n3A_160 = arith.select %gt3A_159, %dot_general3A_158, %select_n3A_150 : vector<1024x512xi1>, vector<1024x512xf32>
    %jit3A_161 = arith.constant 16 : i32
    %broadcast_in_dim3A_162 = vector.broadcast %jit3A_161 : i32 to vector<1024x512xi32>
    %select_n3A_163 = arith.select %gt3A_159, %broadcast_in_dim3A_162, %select_n3A_153 : vector<1024x512xi1>, vector<1024x512xi32>
    %get3A_164 = arith.constant 0 : index
    %get3A_165 = arith.constant 1088 : index
    %get3A_166 = vector.load %arg2[%get3A_164, %get3A_165] : memref<512x2048xf32, #tpu.memory_space<vmem>>, vector<512x64xf32>
    %dot_general3A_167 = arith.constant dense<0.000000e+00> : vector<1024x512xf32>
    %dot_general3A_168 = tpu.matmul %get3A_1, %get3A_166, %dot_general3A_167 {dimension_numbers = #tpu.dot_dimension_numbers<[1], [1], [0], [0], [0, 0, 1, 0], [], []>, transpose_lhs_hint = false} : vector<1024x64xf32>, vector<512x64xf32>, vector<1024x512xf32> -> vector<1024x512xf32>
    %gt3A_169 = arith.cmpf ogt, %dot_general3A_168, %select_n3A_160 : vector<1024x512xf32>
    %select_n3A_170 = arith.select %gt3A_169, %dot_general3A_168, %select_n3A_160 : vector<1024x512xi1>, vector<1024x512xf32>
    %jit3A_171 = arith.constant 17 : i32
    %broadcast_in_dim3A_172 = vector.broadcast %jit3A_171 : i32 to vector<1024x512xi32>
    %select_n3A_173 = arith.select %gt3A_169, %broadcast_in_dim3A_172, %select_n3A_163 : vector<1024x512xi1>, vector<1024x512xi32>
    %get3A_174 = arith.constant 0 : index
    %get3A_175 = arith.constant 1152 : index
    %get3A_176 = vector.load %arg2[%get3A_174, %get3A_175] : memref<512x2048xf32, #tpu.memory_space<vmem>>, vector<512x64xf32>
    %dot_general3A_177 = arith.constant dense<0.000000e+00> : vector<1024x512xf32>
    %dot_general3A_178 = tpu.matmul %get3A_1, %get3A_176, %dot_general3A_177 {dimension_numbers = #tpu.dot_dimension_numbers<[1], [1], [0], [0], [0, 0, 1, 0], [], []>, transpose_lhs_hint = false} : vector<1024x64xf32>, vector<512x64xf32>, vector<1024x512xf32> -> vector<1024x512xf32>
    %gt3A_179 = arith.cmpf ogt, %dot_general3A_178, %select_n3A_170 : vector<1024x512xf32>
    %select_n3A_180 = arith.select %gt3A_179, %dot_general3A_178, %select_n3A_170 : vector<1024x512xi1>, vector<1024x512xf32>
    %jit3A_181 = arith.constant 18 : i32
    %broadcast_in_dim3A_182 = vector.broadcast %jit3A_181 : i32 to vector<1024x512xi32>
    %select_n3A_183 = arith.select %gt3A_179, %broadcast_in_dim3A_182, %select_n3A_173 : vector<1024x512xi1>, vector<1024x512xi32>
    %get3A_184 = arith.constant 0 : index
    %get3A_185 = arith.constant 1216 : index
    %get3A_186 = vector.load %arg2[%get3A_184, %get3A_185] : memref<512x2048xf32, #tpu.memory_space<vmem>>, vector<512x64xf32>
    %dot_general3A_187 = arith.constant dense<0.000000e+00> : vector<1024x512xf32>
    %dot_general3A_188 = tpu.matmul %get3A_1, %get3A_186, %dot_general3A_187 {dimension_numbers = #tpu.dot_dimension_numbers<[1], [1], [0], [0], [0, 0, 1, 0], [], []>, transpose_lhs_hint = false} : vector<1024x64xf32>, vector<512x64xf32>, vector<1024x512xf32> -> vector<1024x512xf32>
    %gt3A_189 = arith.cmpf ogt, %dot_general3A_188, %select_n3A_180 : vector<1024x512xf32>
    %select_n3A_190 = arith.select %gt3A_189, %dot_general3A_188, %select_n3A_180 : vector<1024x512xi1>, vector<1024x512xf32>
    %jit3A_191 = arith.constant 19 : i32
    %broadcast_in_dim3A_192 = vector.broadcast %jit3A_191 : i32 to vector<1024x512xi32>
    %select_n3A_193 = arith.select %gt3A_189, %broadcast_in_dim3A_192, %select_n3A_183 : vector<1024x512xi1>, vector<1024x512xi32>
    %get3A_194 = arith.constant 0 : index
    %get3A_195 = arith.constant 1280 : index
    %get3A_196 = vector.load %arg2[%get3A_194, %get3A_195] : memref<512x2048xf32, #tpu.memory_space<vmem>>, vector<512x64xf32>
    %dot_general3A_197 = arith.constant dense<0.000000e+00> : vector<1024x512xf32>
    %dot_general3A_198 = tpu.matmul %get3A_1, %get3A_196, %dot_general3A_197 {dimension_numbers = #tpu.dot_dimension_numbers<[1], [1], [0], [0], [0, 0, 1, 0], [], []>, transpose_lhs_hint = false} : vector<1024x64xf32>, vector<512x64xf32>, vector<1024x512xf32> -> vector<1024x512xf32>
    %gt3A_199 = arith.cmpf ogt, %dot_general3A_198, %select_n3A_190 : vector<1024x512xf32>
    %select_n3A_200 = arith.select %gt3A_199, %dot_general3A_198, %select_n3A_190 : vector<1024x512xi1>, vector<1024x512xf32>
    %jit3A_201 = arith.constant 20 : i32
    %broadcast_in_dim3A_202 = vector.broadcast %jit3A_201 : i32 to vector<1024x512xi32>
    %select_n3A_203 = arith.select %gt3A_199, %broadcast_in_dim3A_202, %select_n3A_193 : vector<1024x512xi1>, vector<1024x512xi32>
    %get3A_204 = arith.constant 0 : index
    %get3A_205 = arith.constant 1344 : index
    %get3A_206 = vector.load %arg2[%get3A_204, %get3A_205] : memref<512x2048xf32, #tpu.memory_space<vmem>>, vector<512x64xf32>
    %dot_general3A_207 = arith.constant dense<0.000000e+00> : vector<1024x512xf32>
    %dot_general3A_208 = tpu.matmul %get3A_1, %get3A_206, %dot_general3A_207 {dimension_numbers = #tpu.dot_dimension_numbers<[1], [1], [0], [0], [0, 0, 1, 0], [], []>, transpose_lhs_hint = false} : vector<1024x64xf32>, vector<512x64xf32>, vector<1024x512xf32> -> vector<1024x512xf32>
    %gt3A_209 = arith.cmpf ogt, %dot_general3A_208, %select_n3A_200 : vector<1024x512xf32>
    %select_n3A_210 = arith.select %gt3A_209, %dot_general3A_208, %select_n3A_200 : vector<1024x512xi1>, vector<1024x512xf32>
    %jit3A_211 = arith.constant 21 : i32
    %broadcast_in_dim3A_212 = vector.broadcast %jit3A_211 : i32 to vector<1024x512xi32>
    %select_n3A_213 = arith.select %gt3A_209, %broadcast_in_dim3A_212, %select_n3A_203 : vector<1024x512xi1>, vector<1024x512xi32>
    %get3A_214 = arith.constant 0 : index
    %get3A_215 = arith.constant 1408 : index
    %get3A_216 = vector.load %arg2[%get3A_214, %get3A_215] : memref<512x2048xf32, #tpu.memory_space<vmem>>, vector<512x64xf32>
    %dot_general3A_217 = arith.constant dense<0.000000e+00> : vector<1024x512xf32>
    %dot_general3A_218 = tpu.matmul %get3A_1, %get3A_216, %dot_general3A_217 {dimension_numbers = #tpu.dot_dimension_numbers<[1], [1], [0], [0], [0, 0, 1, 0], [], []>, transpose_lhs_hint = false} : vector<1024x64xf32>, vector<512x64xf32>, vector<1024x512xf32> -> vector<1024x512xf32>
    %gt3A_219 = arith.cmpf ogt, %dot_general3A_218, %select_n3A_210 : vector<1024x512xf32>
    %select_n3A_220 = arith.select %gt3A_219, %dot_general3A_218, %select_n3A_210 : vector<1024x512xi1>, vector<1024x512xf32>
    %jit3A_221 = arith.constant 22 : i32
    %broadcast_in_dim3A_222 = vector.broadcast %jit3A_221 : i32 to vector<1024x512xi32>
    %select_n3A_223 = arith.select %gt3A_219, %broadcast_in_dim3A_222, %select_n3A_213 : vector<1024x512xi1>, vector<1024x512xi32>
    %get3A_224 = arith.constant 0 : index
    %get3A_225 = arith.constant 1472 : index
    %get3A_226 = vector.load %arg2[%get3A_224, %get3A_225] : memref<512x2048xf32, #tpu.memory_space<vmem>>, vector<512x64xf32>
    %dot_general3A_227 = arith.constant dense<0.000000e+00> : vector<1024x512xf32>
    %dot_general3A_228 = tpu.matmul %get3A_1, %get3A_226, %dot_general3A_227 {dimension_numbers = #tpu.dot_dimension_numbers<[1], [1], [0], [0], [0, 0, 1, 0], [], []>, transpose_lhs_hint = false} : vector<1024x64xf32>, vector<512x64xf32>, vector<1024x512xf32> -> vector<1024x512xf32>
    %gt3A_229 = arith.cmpf ogt, %dot_general3A_228, %select_n3A_220 : vector<1024x512xf32>
    %select_n3A_230 = arith.select %gt3A_229, %dot_general3A_228, %select_n3A_220 : vector<1024x512xi1>, vector<1024x512xf32>
    %jit3A_231 = arith.constant 23 : i32
    %broadcast_in_dim3A_232 = vector.broadcast %jit3A_231 : i32 to vector<1024x512xi32>
    %select_n3A_233 = arith.select %gt3A_229, %broadcast_in_dim3A_232, %select_n3A_223 : vector<1024x512xi1>, vector<1024x512xi32>
    %get3A_234 = arith.constant 0 : index
    %get3A_235 = arith.constant 1536 : index
    %get3A_236 = vector.load %arg2[%get3A_234, %get3A_235] : memref<512x2048xf32, #tpu.memory_space<vmem>>, vector<512x64xf32>
    %dot_general3A_237 = arith.constant dense<0.000000e+00> : vector<1024x512xf32>
    %dot_general3A_238 = tpu.matmul %get3A_1, %get3A_236, %dot_general3A_237 {dimension_numbers = #tpu.dot_dimension_numbers<[1], [1], [0], [0], [0, 0, 1, 0], [], []>, transpose_lhs_hint = false} : vector<1024x64xf32>, vector<512x64xf32>, vector<1024x512xf32> -> vector<1024x512xf32>
    %gt3A_239 = arith.cmpf ogt, %dot_general3A_238, %select_n3A_230 : vector<1024x512xf32>
    %select_n3A_240 = arith.select %gt3A_239, %dot_general3A_238, %select_n3A_230 : vector<1024x512xi1>, vector<1024x512xf32>
    %jit3A_241 = arith.constant 24 : i32
    %broadcast_in_dim3A_242 = vector.broadcast %jit3A_241 : i32 to vector<1024x512xi32>
    %select_n3A_243 = arith.select %gt3A_239, %broadcast_in_dim3A_242, %select_n3A_233 : vector<1024x512xi1>, vector<1024x512xi32>
    %get3A_244 = arith.constant 0 : index
    %get3A_245 = arith.constant 1600 : index
    %get3A_246 = vector.load %arg2[%get3A_244, %get3A_245] : memref<512x2048xf32, #tpu.memory_space<vmem>>, vector<512x64xf32>
    %dot_general3A_247 = arith.constant dense<0.000000e+00> : vector<1024x512xf32>
    %dot_general3A_248 = tpu.matmul %get3A_1, %get3A_246, %dot_general3A_247 {dimension_numbers = #tpu.dot_dimension_numbers<[1], [1], [0], [0], [0, 0, 1, 0], [], []>, transpose_lhs_hint = false} : vector<1024x64xf32>, vector<512x64xf32>, vector<1024x512xf32> -> vector<1024x512xf32>
    %gt3A_249 = arith.cmpf ogt, %dot_general3A_248, %select_n3A_240 : vector<1024x512xf32>
    %select_n3A_250 = arith.select %gt3A_249, %dot_general3A_248, %select_n3A_240 : vector<1024x512xi1>, vector<1024x512xf32>
    %jit3A_251 = arith.constant 25 : i32
    %broadcast_in_dim3A_252 = vector.broadcast %jit3A_251 : i32 to vector<1024x512xi32>
    %select_n3A_253 = arith.select %gt3A_249, %broadcast_in_dim3A_252, %select_n3A_243 : vector<1024x512xi1>, vector<1024x512xi32>
    %get3A_254 = arith.constant 0 : index
    %get3A_255 = arith.constant 1664 : index
    %get3A_256 = vector.load %arg2[%get3A_254, %get3A_255] : memref<512x2048xf32, #tpu.memory_space<vmem>>, vector<512x64xf32>
    %dot_general3A_257 = arith.constant dense<0.000000e+00> : vector<1024x512xf32>
    %dot_general3A_258 = tpu.matmul %get3A_1, %get3A_256, %dot_general3A_257 {dimension_numbers = #tpu.dot_dimension_numbers<[1], [1], [0], [0], [0, 0, 1, 0], [], []>, transpose_lhs_hint = false} : vector<1024x64xf32>, vector<512x64xf32>, vector<1024x512xf32> -> vector<1024x512xf32>
    %gt3A_259 = arith.cmpf ogt, %dot_general3A_258, %select_n3A_250 : vector<1024x512xf32>
    %select_n3A_260 = arith.select %gt3A_259, %dot_general3A_258, %select_n3A_250 : vector<1024x512xi1>, vector<1024x512xf32>
    %jit3A_261 = arith.constant 26 : i32
    %broadcast_in_dim3A_262 = vector.broadcast %jit3A_261 : i32 to vector<1024x512xi32>
    %select_n3A_263 = arith.select %gt3A_259, %broadcast_in_dim3A_262, %select_n3A_253 : vector<1024x512xi1>, vector<1024x512xi32>
    %get3A_264 = arith.constant 0 : index
    %get3A_265 = arith.constant 1728 : index
    %get3A_266 = vector.load %arg2[%get3A_264, %get3A_265] : memref<512x2048xf32, #tpu.memory_space<vmem>>, vector<512x64xf32>
    %dot_general3A_267 = arith.constant dense<0.000000e+00> : vector<1024x512xf32>
    %dot_general3A_268 = tpu.matmul %get3A_1, %get3A_266, %dot_general3A_267 {dimension_numbers = #tpu.dot_dimension_numbers<[1], [1], [0], [0], [0, 0, 1, 0], [], []>, transpose_lhs_hint = false} : vector<1024x64xf32>, vector<512x64xf32>, vector<1024x512xf32> -> vector<1024x512xf32>
    %gt3A_269 = arith.cmpf ogt, %dot_general3A_268, %select_n3A_260 : vector<1024x512xf32>
    %select_n3A_270 = arith.select %gt3A_269, %dot_general3A_268, %select_n3A_260 : vector<1024x512xi1>, vector<1024x512xf32>
    %jit3A_271 = arith.constant 27 : i32
    %broadcast_in_dim3A_272 = vector.broadcast %jit3A_271 : i32 to vector<1024x512xi32>
    %select_n3A_273 = arith.select %gt3A_269, %broadcast_in_dim3A_272, %select_n3A_263 : vector<1024x512xi1>, vector<1024x512xi32>
    %get3A_274 = arith.constant 0 : index
    %get3A_275 = arith.constant 1792 : index
    %get3A_276 = vector.load %arg2[%get3A_274, %get3A_275] : memref<512x2048xf32, #tpu.memory_space<vmem>>, vector<512x64xf32>
    %dot_general3A_277 = arith.constant dense<0.000000e+00> : vector<1024x512xf32>
    %dot_general3A_278 = tpu.matmul %get3A_1, %get3A_276, %dot_general3A_277 {dimension_numbers = #tpu.dot_dimension_numbers<[1], [1], [0], [0], [0, 0, 1, 0], [], []>, transpose_lhs_hint = false} : vector<1024x64xf32>, vector<512x64xf32>, vector<1024x512xf32> -> vector<1024x512xf32>
    %gt3A_279 = arith.cmpf ogt, %dot_general3A_278, %select_n3A_270 : vector<1024x512xf32>
    %select_n3A_280 = arith.select %gt3A_279, %dot_general3A_278, %select_n3A_270 : vector<1024x512xi1>, vector<1024x512xf32>
    %jit3A_281 = arith.constant 28 : i32
    %broadcast_in_dim3A_282 = vector.broadcast %jit3A_281 : i32 to vector<1024x512xi32>
    %select_n3A_283 = arith.select %gt3A_279, %broadcast_in_dim3A_282, %select_n3A_273 : vector<1024x512xi1>, vector<1024x512xi32>
    %get3A_284 = arith.constant 0 : index
    %get3A_285 = arith.constant 1856 : index
    %get3A_286 = vector.load %arg2[%get3A_284, %get3A_285] : memref<512x2048xf32, #tpu.memory_space<vmem>>, vector<512x64xf32>
    %dot_general3A_287 = arith.constant dense<0.000000e+00> : vector<1024x512xf32>
    %dot_general3A_288 = tpu.matmul %get3A_1, %get3A_286, %dot_general3A_287 {dimension_numbers = #tpu.dot_dimension_numbers<[1], [1], [0], [0], [0, 0, 1, 0], [], []>, transpose_lhs_hint = false} : vector<1024x64xf32>, vector<512x64xf32>, vector<1024x512xf32> -> vector<1024x512xf32>
    %gt3A_289 = arith.cmpf ogt, %dot_general3A_288, %select_n3A_280 : vector<1024x512xf32>
    %select_n3A_290 = arith.select %gt3A_289, %dot_general3A_288, %select_n3A_280 : vector<1024x512xi1>, vector<1024x512xf32>
    %jit3A_291 = arith.constant 29 : i32
    %broadcast_in_dim3A_292 = vector.broadcast %jit3A_291 : i32 to vector<1024x512xi32>
    %select_n3A_293 = arith.select %gt3A_289, %broadcast_in_dim3A_292, %select_n3A_283 : vector<1024x512xi1>, vector<1024x512xi32>
    %get3A_294 = arith.constant 0 : index
    %get3A_295 = arith.constant 1920 : index
    %get3A_296 = vector.load %arg2[%get3A_294, %get3A_295] : memref<512x2048xf32, #tpu.memory_space<vmem>>, vector<512x64xf32>
    %dot_general3A_297 = arith.constant dense<0.000000e+00> : vector<1024x512xf32>
    %dot_general3A_298 = tpu.matmul %get3A_1, %get3A_296, %dot_general3A_297 {dimension_numbers = #tpu.dot_dimension_numbers<[1], [1], [0], [0], [0, 0, 1, 0], [], []>, transpose_lhs_hint = false} : vector<1024x64xf32>, vector<512x64xf32>, vector<1024x512xf32> -> vector<1024x512xf32>
    %gt3A_299 = arith.cmpf ogt, %dot_general3A_298, %select_n3A_290 : vector<1024x512xf32>
    %select_n3A_300 = arith.select %gt3A_299, %dot_general3A_298, %select_n3A_290 : vector<1024x512xi1>, vector<1024x512xf32>
    %jit3A_301 = arith.constant 30 : i32
    %broadcast_in_dim3A_302 = vector.broadcast %jit3A_301 : i32 to vector<1024x512xi32>
    %select_n3A_303 = arith.select %gt3A_299, %broadcast_in_dim3A_302, %select_n3A_293 : vector<1024x512xi1>, vector<1024x512xi32>
    %get3A_304 = arith.constant 0 : index
    %get3A_305 = arith.constant 1984 : index
    %get3A_306 = vector.load %arg2[%get3A_304, %get3A_305] : memref<512x2048xf32, #tpu.memory_space<vmem>>, vector<512x64xf32>
    %dot_general3A_307 = arith.constant dense<0.000000e+00> : vector<1024x512xf32>
    %dot_general3A_308 = tpu.matmul %get3A_1, %get3A_306, %dot_general3A_307 {dimension_numbers = #tpu.dot_dimension_numbers<[1], [1], [0], [0], [0, 0, 1, 0], [], []>, transpose_lhs_hint = false} : vector<1024x64xf32>, vector<512x64xf32>, vector<1024x512xf32> -> vector<1024x512xf32>
    %gt3A_309 = arith.cmpf ogt, %dot_general3A_308, %select_n3A_300 : vector<1024x512xf32>
    %select_n3A_310 = arith.select %gt3A_309, %dot_general3A_308, %select_n3A_300 : vector<1024x512xi1>, vector<1024x512xf32>
    %jit3A_311 = arith.constant 31 : i32
    %broadcast_in_dim3A_312 = vector.broadcast %jit3A_311 : i32 to vector<1024x512xi32>
    %select_n3A_313 = arith.select %gt3A_309, %broadcast_in_dim3A_312, %select_n3A_303 : vector<1024x512xi1>, vector<1024x512xi32>
    %swap3A = arith.constant 0 : index
    %swap3A_314 = arith.constant 0 : index
    %swap3A_315 = vector.load %arg3[%swap3A, %swap3A_314] : memref<1024x512xf32, #tpu.memory_space<vmem>>, vector<1024x512xf32>
    tpu.vector_store %arg3[%swap3A, %swap3A_314], %select_n3A_310 {strides = array<i32>} : memref<1024x512xf32, #tpu.memory_space<vmem>>, vector<1024x512xf32>,
    %swap3A_316 = arith.constant 0 : index
    %swap3A_317 = arith.constant 0 : index
    %swap3A_318 = vector.load %arg4[%swap3A_316, %swap3A_317] : memref<1024x512xi32, #tpu.memory_space<vmem>>, vector<1024x512xi32>
    tpu.vector_store %arg4[%swap3A_316, %swap3A_317], %select_n3A_313 {strides = array<i32>} : memref<1024x512xi32, #tpu.memory_space<vmem>>, vector<1024x512xi32>,
    return
  }
  func.func @transform_0(%arg0: i32) -> (i32, i32) {
    %c0_i32 = arith.constant 0 : i32
    %c0_i32_0 = arith.constant 0 : i32
    %c0_i32_1 = arith.constant 0 : i32
    return %c0_i32, %c0_i32_0 : i32, i32
  }
  func.func @transform_1(%arg0: i32) -> (i32, i32) {
    %c0_i32 = arith.constant 0 : i32
    %c0_i32_0 = arith.constant 0 : i32
    return %arg0, %c0_i32 : i32, i32
  }
  func.func @transform_2(%arg0: i32) -> (i32, i32) {
    %c0_i32 = arith.constant 0 : i32
    %c0_i32_0 = arith.constant 0 : i32
    return %c0_i32, %arg0 : i32, i32
  }
  func.func @transform_3(%arg0: i32) -> (i32, i32) {
    %c0_i32 = arith.constant 0 : i32
    %c0_i32_0 = arith.constant 0 : i32
    return %c0_i32, %arg0 : i32, i32
  }
}

module attributes {stable_mosaic.version = 14 : i64} {
  func.func @_k1_body(%arg0: memref<1024x64xf32, #tpu.memory_space<vmem>>, %arg1: memref<512x64xf32, #tpu.memory_space<vmem>>, %arg2: memref<1024x8xi32, #tpu.memory_space<vmem>>) attributes {dimension_semantics = [], scalar_prefetch = 0 : i64, scratch_operands = 0 : i64, tpu.core_type = #tpu.core_type<tc>} {
    %get3A = arith.constant 0 : index
    %get3A_0 = arith.constant 0 : index
    %get3A_1 = vector.load %arg0[%get3A, %get3A_0] : memref<1024x64xf32, #tpu.memory_space<vmem>>, vector<1024x64xf32>
    %get3A_2 = arith.constant 0 : index
    %get3A_3 = arith.constant 0 : index
    %get3A_4 = vector.load %arg1[%get3A_2, %get3A_3] : memref<512x64xf32, #tpu.memory_space<vmem>>, vector<512x64xf32>
    %dot_general3A = arith.constant dense<0.000000e+00> : vector<1024x512xf32>
    %dot_general3A_5 = tpu.matmul %get3A_1, %get3A_4, %dot_general3A {dimension_numbers = #tpu.dot_dimension_numbers<[1], [1], [0], [0], [0, 0, 1, 0], [], []>, transpose_lhs_hint = false} : vector<1024x64xf32>, vector<512x64xf32>, vector<1024x512xf32> -> vector<1024x512xf32>
    %iota3A = tpu.iota {dimensions = array<i32: 1>} : vector<1024x512xi32>
    %reduce_max3A = arith.constant dense<0xFF800000> : vector<1024xf32>
    %reduce_max3A_6 = vector.multi_reduction <maximumf>, %dot_general3A_5, %reduce_max3A [1] : vector<1024x512xf32> to vector<1024xf32>
    %broadcast_in_dim3A = vector.shape_cast %reduce_max3A_6 : vector<1024xf32> to vector<1024x1xf32>
    %eq3A = vector.broadcast %broadcast_in_dim3A : vector<1024x1xf32> to vector<1024x512xf32>
    %eq3A_7 = arith.cmpf oeq, %dot_general3A_5, %eq3A : vector<1024x512xf32>
    %jit3A = arith.constant 512 : i32
    %broadcast_in_dim3A_8 = vector.broadcast %jit3A : i32 to vector<1024x512xi32>
    %select_n3A = arith.select %eq3A_7, %iota3A, %broadcast_in_dim3A_8 : vector<1024x512xi1>, vector<1024x512xi32>
    %reduce_min3A = arith.constant dense<2147483647> : vector<1024xi32>
    %reduce_min3A_9 = vector.multi_reduction <minsi>, %select_n3A, %reduce_min3A [1] : vector<1024x512xi32> to vector<1024xi32>
    %broadcast_in_dim3A_10 = vector.shape_cast %reduce_min3A_9 : vector<1024xi32> to vector<1024x1xi32>
    %eq3A_11 = vector.broadcast %broadcast_in_dim3A_10 : vector<1024x1xi32> to vector<1024x512xi32>
    %eq3A_12 = arith.cmpi eq, %iota3A, %eq3A_11 : vector<1024x512xi32>
    %jit3A_13 = arith.constant 0xFF800000 : f32
    %broadcast_in_dim3A_14 = vector.broadcast %jit3A_13 : f32 to vector<1024x512xf32>
    %select_n3A_15 = arith.select %eq3A_12, %broadcast_in_dim3A_14, %dot_general3A_5 : vector<1024x512xi1>, vector<1024x512xf32>
    %reduce_max3A_16 = arith.constant dense<0xFF800000> : vector<1024xf32>
    %reduce_max3A_17 = vector.multi_reduction <maximumf>, %select_n3A_15, %reduce_max3A_16 [1] : vector<1024x512xf32> to vector<1024xf32>
    %broadcast_in_dim3A_18 = vector.shape_cast %reduce_max3A_17 : vector<1024xf32> to vector<1024x1xf32>
    %eq3A_19 = vector.broadcast %broadcast_in_dim3A_18 : vector<1024x1xf32> to vector<1024x512xf32>
    %eq3A_20 = arith.cmpf oeq, %select_n3A_15, %eq3A_19 : vector<1024x512xf32>
    %jit3A_21 = arith.constant 512 : i32
    %broadcast_in_dim3A_22 = vector.broadcast %jit3A_21 : i32 to vector<1024x512xi32>
    %select_n3A_23 = arith.select %eq3A_20, %iota3A, %broadcast_in_dim3A_22 : vector<1024x512xi1>, vector<1024x512xi32>
    %reduce_min3A_24 = arith.constant dense<2147483647> : vector<1024xi32>
    %reduce_min3A_25 = vector.multi_reduction <minsi>, %select_n3A_23, %reduce_min3A_24 [1] : vector<1024x512xi32> to vector<1024xi32>
    %broadcast_in_dim3A_26 = vector.shape_cast %reduce_min3A_25 : vector<1024xi32> to vector<1024x1xi32>
    %eq3A_27 = vector.broadcast %broadcast_in_dim3A_26 : vector<1024x1xi32> to vector<1024x512xi32>
    %eq3A_28 = arith.cmpi eq, %iota3A, %eq3A_27 : vector<1024x512xi32>
    %jit3A_29 = arith.constant 0xFF800000 : f32
    %broadcast_in_dim3A_30 = vector.broadcast %jit3A_29 : f32 to vector<1024x512xf32>
    %select_n3A_31 = arith.select %eq3A_28, %broadcast_in_dim3A_30, %select_n3A_15 : vector<1024x512xi1>, vector<1024x512xf32>
    %reduce_max3A_32 = arith.constant dense<0xFF800000> : vector<1024xf32>
    %reduce_max3A_33 = vector.multi_reduction <maximumf>, %select_n3A_31, %reduce_max3A_32 [1] : vector<1024x512xf32> to vector<1024xf32>
    %broadcast_in_dim3A_34 = vector.shape_cast %reduce_max3A_33 : vector<1024xf32> to vector<1024x1xf32>
    %eq3A_35 = vector.broadcast %broadcast_in_dim3A_34 : vector<1024x1xf32> to vector<1024x512xf32>
    %eq3A_36 = arith.cmpf oeq, %select_n3A_31, %eq3A_35 : vector<1024x512xf32>
    %jit3A_37 = arith.constant 512 : i32
    %broadcast_in_dim3A_38 = vector.broadcast %jit3A_37 : i32 to vector<1024x512xi32>
    %select_n3A_39 = arith.select %eq3A_36, %iota3A, %broadcast_in_dim3A_38 : vector<1024x512xi1>, vector<1024x512xi32>
    %reduce_min3A_40 = arith.constant dense<2147483647> : vector<1024xi32>
    %reduce_min3A_41 = vector.multi_reduction <minsi>, %select_n3A_39, %reduce_min3A_40 [1] : vector<1024x512xi32> to vector<1024xi32>
    %broadcast_in_dim3A_42 = vector.shape_cast %reduce_min3A_41 : vector<1024xi32> to vector<1024x1xi32>
    %eq3A_43 = vector.broadcast %broadcast_in_dim3A_42 : vector<1024x1xi32> to vector<1024x512xi32>
    %eq3A_44 = arith.cmpi eq, %iota3A, %eq3A_43 : vector<1024x512xi32>
    %jit3A_45 = arith.constant 0xFF800000 : f32
    %broadcast_in_dim3A_46 = vector.broadcast %jit3A_45 : f32 to vector<1024x512xf32>
    %select_n3A_47 = arith.select %eq3A_44, %broadcast_in_dim3A_46, %select_n3A_31 : vector<1024x512xi1>, vector<1024x512xf32>
    %reduce_max3A_48 = arith.constant dense<0xFF800000> : vector<1024xf32>
    %reduce_max3A_49 = vector.multi_reduction <maximumf>, %select_n3A_47, %reduce_max3A_48 [1] : vector<1024x512xf32> to vector<1024xf32>
    %broadcast_in_dim3A_50 = vector.shape_cast %reduce_max3A_49 : vector<1024xf32> to vector<1024x1xf32>
    %eq3A_51 = vector.broadcast %broadcast_in_dim3A_50 : vector<1024x1xf32> to vector<1024x512xf32>
    %eq3A_52 = arith.cmpf oeq, %select_n3A_47, %eq3A_51 : vector<1024x512xf32>
    %jit3A_53 = arith.constant 512 : i32
    %broadcast_in_dim3A_54 = vector.broadcast %jit3A_53 : i32 to vector<1024x512xi32>
    %select_n3A_55 = arith.select %eq3A_52, %iota3A, %broadcast_in_dim3A_54 : vector<1024x512xi1>, vector<1024x512xi32>
    %reduce_min3A_56 = arith.constant dense<2147483647> : vector<1024xi32>
    %reduce_min3A_57 = vector.multi_reduction <minsi>, %select_n3A_55, %reduce_min3A_56 [1] : vector<1024x512xi32> to vector<1024xi32>
    %broadcast_in_dim3A_58 = vector.shape_cast %reduce_min3A_57 : vector<1024xi32> to vector<1024x1xi32>
    %eq3A_59 = vector.broadcast %broadcast_in_dim3A_58 : vector<1024x1xi32> to vector<1024x512xi32>
    %eq3A_60 = arith.cmpi eq, %iota3A, %eq3A_59 : vector<1024x512xi32>
    %jit3A_61 = arith.constant 0xFF800000 : f32
    %broadcast_in_dim3A_62 = vector.broadcast %jit3A_61 : f32 to vector<1024x512xf32>
    %select_n3A_63 = arith.select %eq3A_60, %broadcast_in_dim3A_62, %select_n3A_47 : vector<1024x512xi1>, vector<1024x512xf32>
    %reduce_max3A_64 = arith.constant dense<0xFF800000> : vector<1024xf32>
    %reduce_max3A_65 = vector.multi_reduction <maximumf>, %select_n3A_63, %reduce_max3A_64 [1] : vector<1024x512xf32> to vector<1024xf32>
    %broadcast_in_dim3A_66 = vector.shape_cast %reduce_max3A_65 : vector<1024xf32> to vector<1024x1xf32>
    %eq3A_67 = vector.broadcast %broadcast_in_dim3A_66 : vector<1024x1xf32> to vector<1024x512xf32>
    %eq3A_68 = arith.cmpf oeq, %select_n3A_63, %eq3A_67 : vector<1024x512xf32>
    %jit3A_69 = arith.constant 512 : i32
    %broadcast_in_dim3A_70 = vector.broadcast %jit3A_69 : i32 to vector<1024x512xi32>
    %select_n3A_71 = arith.select %eq3A_68, %iota3A, %broadcast_in_dim3A_70 : vector<1024x512xi1>, vector<1024x512xi32>
    %reduce_min3A_72 = arith.constant dense<2147483647> : vector<1024xi32>
    %reduce_min3A_73 = vector.multi_reduction <minsi>, %select_n3A_71, %reduce_min3A_72 [1] : vector<1024x512xi32> to vector<1024xi32>
    %broadcast_in_dim3A_74 = vector.shape_cast %reduce_min3A_73 : vector<1024xi32> to vector<1024x1xi32>
    %eq3A_75 = vector.broadcast %broadcast_in_dim3A_74 : vector<1024x1xi32> to vector<1024x512xi32>
    %eq3A_76 = arith.cmpi eq, %iota3A, %eq3A_75 : vector<1024x512xi32>
    %jit3A_77 = arith.constant 0xFF800000 : f32
    %broadcast_in_dim3A_78 = vector.broadcast %jit3A_77 : f32 to vector<1024x512xf32>
    %select_n3A_79 = arith.select %eq3A_76, %broadcast_in_dim3A_78, %select_n3A_63 : vector<1024x512xi1>, vector<1024x512xf32>
    %reduce_max3A_80 = arith.constant dense<0xFF800000> : vector<1024xf32>
    %reduce_max3A_81 = vector.multi_reduction <maximumf>, %select_n3A_79, %reduce_max3A_80 [1] : vector<1024x512xf32> to vector<1024xf32>
    %broadcast_in_dim3A_82 = vector.shape_cast %reduce_max3A_81 : vector<1024xf32> to vector<1024x1xf32>
    %eq3A_83 = vector.broadcast %broadcast_in_dim3A_82 : vector<1024x1xf32> to vector<1024x512xf32>
    %eq3A_84 = arith.cmpf oeq, %select_n3A_79, %eq3A_83 : vector<1024x512xf32>
    %jit3A_85 = arith.constant 512 : i32
    %broadcast_in_dim3A_86 = vector.broadcast %jit3A_85 : i32 to vector<1024x512xi32>
    %select_n3A_87 = arith.select %eq3A_84, %iota3A, %broadcast_in_dim3A_86 : vector<1024x512xi1>, vector<1024x512xi32>
    %reduce_min3A_88 = arith.constant dense<2147483647> : vector<1024xi32>
    %reduce_min3A_89 = vector.multi_reduction <minsi>, %select_n3A_87, %reduce_min3A_88 [1] : vector<1024x512xi32> to vector<1024xi32>
    %broadcast_in_dim3A_90 = vector.shape_cast %reduce_min3A_89 : vector<1024xi32> to vector<1024x1xi32>
    %eq3A_91 = vector.broadcast %broadcast_in_dim3A_90 : vector<1024x1xi32> to vector<1024x512xi32>
    %eq3A_92 = arith.cmpi eq, %iota3A, %eq3A_91 : vector<1024x512xi32>
    %jit3A_93 = arith.constant 0xFF800000 : f32
    %broadcast_in_dim3A_94 = vector.broadcast %jit3A_93 : f32 to vector<1024x512xf32>
    %select_n3A_95 = arith.select %eq3A_92, %broadcast_in_dim3A_94, %select_n3A_79 : vector<1024x512xi1>, vector<1024x512xf32>
    %reduce_max3A_96 = arith.constant dense<0xFF800000> : vector<1024xf32>
    %reduce_max3A_97 = vector.multi_reduction <maximumf>, %select_n3A_95, %reduce_max3A_96 [1] : vector<1024x512xf32> to vector<1024xf32>
    %broadcast_in_dim3A_98 = vector.shape_cast %reduce_max3A_97 : vector<1024xf32> to vector<1024x1xf32>
    %eq3A_99 = vector.broadcast %broadcast_in_dim3A_98 : vector<1024x1xf32> to vector<1024x512xf32>
    %eq3A_100 = arith.cmpf oeq, %select_n3A_95, %eq3A_99 : vector<1024x512xf32>
    %jit3A_101 = arith.constant 512 : i32
    %broadcast_in_dim3A_102 = vector.broadcast %jit3A_101 : i32 to vector<1024x512xi32>
    %select_n3A_103 = arith.select %eq3A_100, %iota3A, %broadcast_in_dim3A_102 : vector<1024x512xi1>, vector<1024x512xi32>
    %reduce_min3A_104 = arith.constant dense<2147483647> : vector<1024xi32>
    %reduce_min3A_105 = vector.multi_reduction <minsi>, %select_n3A_103, %reduce_min3A_104 [1] : vector<1024x512xi32> to vector<1024xi32>
    %broadcast_in_dim3A_106 = vector.shape_cast %reduce_min3A_105 : vector<1024xi32> to vector<1024x1xi32>
    %eq3A_107 = vector.broadcast %broadcast_in_dim3A_106 : vector<1024x1xi32> to vector<1024x512xi32>
    %eq3A_108 = arith.cmpi eq, %iota3A, %eq3A_107 : vector<1024x512xi32>
    %jit3A_109 = arith.constant 0xFF800000 : f32
    %broadcast_in_dim3A_110 = vector.broadcast %jit3A_109 : f32 to vector<1024x512xf32>
    %select_n3A_111 = arith.select %eq3A_108, %broadcast_in_dim3A_110, %select_n3A_95 : vector<1024x512xi1>, vector<1024x512xf32>
    %reduce_max3A_112 = arith.constant dense<0xFF800000> : vector<1024xf32>
    %reduce_max3A_113 = vector.multi_reduction <maximumf>, %select_n3A_111, %reduce_max3A_112 [1] : vector<1024x512xf32> to vector<1024xf32>
    %broadcast_in_dim3A_114 = vector.shape_cast %reduce_max3A_113 : vector<1024xf32> to vector<1024x1xf32>
    %eq3A_115 = vector.broadcast %broadcast_in_dim3A_114 : vector<1024x1xf32> to vector<1024x512xf32>
    %eq3A_116 = arith.cmpf oeq, %select_n3A_111, %eq3A_115 : vector<1024x512xf32>
    %jit3A_117 = arith.constant 512 : i32
    %broadcast_in_dim3A_118 = vector.broadcast %jit3A_117 : i32 to vector<1024x512xi32>
    %select_n3A_119 = arith.select %eq3A_116, %iota3A, %broadcast_in_dim3A_118 : vector<1024x512xi1>, vector<1024x512xi32>
    %reduce_min3A_120 = arith.constant dense<2147483647> : vector<1024xi32>
    %reduce_min3A_121 = vector.multi_reduction <minsi>, %select_n3A_119, %reduce_min3A_120 [1] : vector<1024x512xi32> to vector<1024xi32>
    %broadcast_in_dim3A_122 = vector.shape_cast %reduce_min3A_121 : vector<1024xi32> to vector<1024x1xi32>
    %concatenate3A = tpu.concatenate %broadcast_in_dim3A_10, %broadcast_in_dim3A_26, %broadcast_in_dim3A_42, %broadcast_in_dim3A_58, %broadcast_in_dim3A_74, %broadcast_in_dim3A_90, %broadcast_in_dim3A_106, %broadcast_in_dim3A_122 in 1 : vector<1024x1xi32>, vector<1024x1xi32>, vector<1024x1xi32>, vector<1024x1xi32>, vector<1024x1xi32>, vector<1024x1xi32>, vector<1024x1xi32>, vector<1024x1xi32> -> vector<1024x8xi32>
    %swap3A = arith.constant 0 : index
    %swap3A_123 = arith.constant 0 : index
    %swap3A_124 = vector.load %arg2[%swap3A, %swap3A_123] : memref<1024x8xi32, #tpu.memory_space<vmem>>, vector<1024x8xi32>
    tpu.vector_store %arg2[%swap3A, %swap3A_123], %concatenate3A {strides = array<i32>} : memref<1024x8xi32, #tpu.memory_space<vmem>>, vector<1024x8xi32>,
    return
  }
}

module attributes {stable_mosaic.version = 14 : i64} {
  func.func @_k4_body(%arg0: i32, %arg1: memref<128x8192xf32, #tpu.memory_space<vmem>>, %arg2: memref<128x8192xi32, #tpu.memory_space<vmem>>, %arg3: memref<128x8xi32, #tpu.memory_space<vmem>>, %arg4: memref<128x16xf32, #tpu.memory_space<vmem>>, %arg5: memref<128x16xi32, #tpu.memory_space<vmem>>, %arg6: memref<128x16xi32, #tpu.memory_space<vmem>>) attributes {dimension_semantics = [#tpu.dimension_semantics<arbitrary>], iteration_bounds = array<i64: 8>, scalar_prefetch = 0 : i64, scratch_operands = 0 : i64, tpu.core_type = #tpu.core_type<tc>, window_params = [{transform_indices = @transform_0, window_bounds = array<i64: 128, 8192>}, {transform_indices = @transform_1, window_bounds = array<i64: 128, 8192>}, {transform_indices = @transform_2, window_bounds = array<i64: 128, 8>}, {transform_indices = @transform_3, window_bounds = array<i64: 128, 16>}, {transform_indices = @transform_4, window_bounds = array<i64: 128, 16>}, {transform_indices = @transform_5, window_bounds = array<i64: 128, 16>}]} {
    %get3A = arith.constant 0 : index
    %get3A_0 = arith.constant 0 : index
    %get3A_1 = vector.load %arg1[%get3A, %get3A_0] : memref<128x8192xf32, #tpu.memory_space<vmem>>, vector<128x8192xf32>
    %get3A_2 = arith.constant 0 : index
    %get3A_3 = arith.constant 0 : index
    %get3A_4 = vector.load %arg2[%get3A_2, %get3A_3] : memref<128x8192xi32, #tpu.memory_space<vmem>>, vector<128x8192xi32>
    %get3A_5 = arith.constant 0 : index
    %get3A_6 = arith.constant 0 : index
    %get3A_7 = vector.load %arg3[%get3A_5, %get3A_6] : memref<128x8xi32, #tpu.memory_space<vmem>>, vector<128x8xi32>
    %iota3A = tpu.iota {dimensions = array<i32: 1>} : vector<128x8192xi32>
    %jit3A = arith.constant 16 : i32
    %div3A = vector.broadcast %jit3A : i32 to vector<128x8192xi32>
    %div3A_8 = arith.divsi %iota3A, %div3A : vector<128x8192xi32>
    %sign3A = arith.constant 0 : i32
    %sign3A_9 = vector.broadcast %sign3A : i32 to vector<128x8192xi32>
    %sign3A_10 = arith.cmpi sgt, %iota3A, %sign3A_9 : vector<128x8192xi32>
    %sign3A_11 = arith.extui %sign3A_10 : vector<128x8192xi1> to vector<128x8192xi32>
    %sign3A_12 = arith.constant 0 : i32
    %sign3A_13 = vector.broadcast %sign3A_12 : i32 to vector<128x8192xi32>
    %sign3A_14 = arith.cmpi slt, %iota3A, %sign3A_13 : vector<128x8192xi32>
    %sign3A_15 = arith.extui %sign3A_14 : vector<128x8192xi1> to vector<128x8192xi32>
    %sign3A_16 = arith.subi %sign3A_11, %sign3A_15 : vector<128x8192xi32>
    %sign3A_17 = arith.constant 0 : i32
    %sign3A_18 = arith.cmpi sgt, %jit3A, %sign3A_17 : i32
    %sign3A_19 = arith.extui %sign3A_18 : i1 to i32
    %sign3A_20 = arith.constant 0 : i32
    %sign3A_21 = arith.cmpi slt, %jit3A, %sign3A_20 : i32
    %sign3A_22 = arith.extui %sign3A_21 : i1 to i32
    %sign3A_23 = arith.subi %sign3A_19, %sign3A_22 : i32
    %ne3A = vector.broadcast %sign3A_23 : i32 to vector<128x8192xi32>
    %ne3A_24 = arith.cmpi ne, %sign3A_16, %ne3A : vector<128x8192xi32>
    %rem3A = vector.broadcast %jit3A : i32 to vector<128x8192xi32>
    %rem3A_25 = arith.remsi %iota3A, %rem3A : vector<128x8192xi32>
    %ne3A_26 = arith.constant 0 : i32
    %ne3A_27 = vector.broadcast %ne3A_26 : i32 to vector<128x8192xi32>
    %ne3A_28 = arith.cmpi ne, %rem3A_25, %ne3A_27 : vector<128x8192xi32>
    %and3A = arith.andi %ne3A_24, %ne3A_28 : vector<128x8192xi1>
    %sub3A = arith.constant 1 : i32
    %sub3A_29 = vector.broadcast %sub3A : i32 to vector<128x8192xi32>
    %sub3A_30 = arith.subi %div3A_8, %sub3A_29 : vector<128x8192xi32>
    %select_n3A = arith.select %and3A, %sub3A_30, %div3A_8 : vector<128x8192xi1>, vector<128x8192xi32>
    %mul3A = arith.constant 16 : i32
    %mul3A_31 = vector.broadcast %mul3A : i32 to vector<128x8192xi32>
    %mul3A_32 = arith.muli %select_n3A, %mul3A_31 : vector<128x8192xi32>
    %sub3A_33 = arith.subi %iota3A, %mul3A_32 : vector<128x8192xi32>
    %broadcast_in_dim3A = arith.constant -1 : i32
    %broadcast_in_dim3A_34 = vector.broadcast %broadcast_in_dim3A : i32 to vector<128x8192xi32>
    %slice3A = vector.extract_strided_slice %get3A_7 {offsets = [0, 0], sizes = [128, 1], strides = [1, 1]} : vector<128x8xi32> to vector<128x1xi32>
    %eq3A = vector.broadcast %slice3A : vector<128x1xi32> to vector<128x8192xi32>
    %eq3A_35 = arith.cmpi eq, %select_n3A, %eq3A : vector<128x8192xi32>
    %add3A = arith.constant 0 : i32
    %add3A_36 = vector.broadcast %add3A : i32 to vector<128x8192xi32>
    %add3A_37 = arith.addi %add3A_36, %sub3A_33 : vector<128x8192xi32>
    %mul3A_38 = arith.constant 32 : i32
    %mul3A_39 = vector.broadcast %mul3A_38 : i32 to vector<128x8192xi32>
    %mul3A_40 = arith.muli %add3A_37, %mul3A_39 : vector<128x8192xi32>
    %add3A_41 = arith.addi %mul3A_40, %get3A_4 : vector<128x8192xi32>
    %select_n3A_42 = arith.select %eq3A_35, %add3A_41, %broadcast_in_dim3A_34 : vector<128x8192xi1>, vector<128x8192xi32>
    %slice3A_43 = vector.extract_strided_slice %get3A_7 {offsets = [0, 1], sizes = [128, 1], strides = [1, 1]} : vector<128x8xi32> to vector<128x1xi32>
    %eq3A_44 = vector.broadcast %slice3A_43 : vector<128x1xi32> to vector<128x8192xi32>
    %eq3A_45 = arith.cmpi eq, %select_n3A, %eq3A_44 : vector<128x8192xi32>
    %add3A_46 = arith.constant 16 : i32
    %add3A_47 = vector.broadcast %add3A_46 : i32 to vector<128x8192xi32>
    %add3A_48 = arith.addi %add3A_47, %sub3A_33 : vector<128x8192xi32>
    %mul3A_49 = arith.constant 32 : i32
    %mul3A_50 = vector.broadcast %mul3A_49 : i32 to vector<128x8192xi32>
    %mul3A_51 = arith.muli %add3A_48, %mul3A_50 : vector<128x8192xi32>
    %add3A_52 = arith.addi %mul3A_51, %get3A_4 : vector<128x8192xi32>
    %select_n3A_53 = arith.select %eq3A_45, %add3A_52, %select_n3A_42 : vector<128x8192xi1>, vector<128x8192xi32>
    %slice3A_54 = vector.extract_strided_slice %get3A_7 {offsets = [0, 2], sizes = [128, 1], strides = [1, 1]} : vector<128x8xi32> to vector<128x1xi32>
    %eq3A_55 = vector.broadcast %slice3A_54 : vector<128x1xi32> to vector<128x8192xi32>
    %eq3A_56 = arith.cmpi eq, %select_n3A, %eq3A_55 : vector<128x8192xi32>
    %add3A_57 = arith.constant 32 : i32
    %add3A_58 = vector.broadcast %add3A_57 : i32 to vector<128x8192xi32>
    %add3A_59 = arith.addi %add3A_58, %sub3A_33 : vector<128x8192xi32>
    %mul3A_60 = arith.constant 32 : i32
    %mul3A_61 = vector.broadcast %mul3A_60 : i32 to vector<128x8192xi32>
    %mul3A_62 = arith.muli %add3A_59, %mul3A_61 : vector<128x8192xi32>
    %add3A_63 = arith.addi %mul3A_62, %get3A_4 : vector<128x8192xi32>
    %select_n3A_64 = arith.select %eq3A_56, %add3A_63, %select_n3A_53 : vector<128x8192xi1>, vector<128x8192xi32>
    %slice3A_65 = vector.extract_strided_slice %get3A_7 {offsets = [0, 3], sizes = [128, 1], strides = [1, 1]} : vector<128x8xi32> to vector<128x1xi32>
    %eq3A_66 = vector.broadcast %slice3A_65 : vector<128x1xi32> to vector<128x8192xi32>
    %eq3A_67 = arith.cmpi eq, %select_n3A, %eq3A_66 : vector<128x8192xi32>
    %add3A_68 = arith.constant 48 : i32
    %add3A_69 = vector.broadcast %add3A_68 : i32 to vector<128x8192xi32>
    %add3A_70 = arith.addi %add3A_69, %sub3A_33 : vector<128x8192xi32>
    %mul3A_71 = arith.constant 32 : i32
    %mul3A_72 = vector.broadcast %mul3A_71 : i32 to vector<128x8192xi32>
    %mul3A_73 = arith.muli %add3A_70, %mul3A_72 : vector<128x8192xi32>
    %add3A_74 = arith.addi %mul3A_73, %get3A_4 : vector<128x8192xi32>
    %select_n3A_75 = arith.select %eq3A_67, %add3A_74, %select_n3A_64 : vector<128x8192xi1>, vector<128x8192xi32>
    %slice3A_76 = vector.extract_strided_slice %get3A_7 {offsets = [0, 4], sizes = [128, 1], strides = [1, 1]} : vector<128x8xi32> to vector<128x1xi32>
    %eq3A_77 = vector.broadcast %slice3A_76 : vector<128x1xi32> to vector<128x8192xi32>
    %eq3A_78 = arith.cmpi eq, %select_n3A, %eq3A_77 : vector<128x8192xi32>
    %add3A_79 = arith.constant 64 : i32
    %add3A_80 = vector.broadcast %add3A_79 : i32 to vector<128x8192xi32>
    %add3A_81 = arith.addi %add3A_80, %sub3A_33 : vector<128x8192xi32>
    %mul3A_82 = arith.constant 32 : i32
    %mul3A_83 = vector.broadcast %mul3A_82 : i32 to vector<128x8192xi32>
    %mul3A_84 = arith.muli %add3A_81, %mul3A_83 : vector<128x8192xi32>
    %add3A_85 = arith.addi %mul3A_84, %get3A_4 : vector<128x8192xi32>
    %select_n3A_86 = arith.select %eq3A_78, %add3A_85, %select_n3A_75 : vector<128x8192xi1>, vector<128x8192xi32>
    %slice3A_87 = vector.extract_strided_slice %get3A_7 {offsets = [0, 5], sizes = [128, 1], strides = [1, 1]} : vector<128x8xi32> to vector<128x1xi32>
    %eq3A_88 = vector.broadcast %slice3A_87 : vector<128x1xi32> to vector<128x8192xi32>
    %eq3A_89 = arith.cmpi eq, %select_n3A, %eq3A_88 : vector<128x8192xi32>
    %add3A_90 = arith.constant 80 : i32
    %add3A_91 = vector.broadcast %add3A_90 : i32 to vector<128x8192xi32>
    %add3A_92 = arith.addi %add3A_91, %sub3A_33 : vector<128x8192xi32>
    %mul3A_93 = arith.constant 32 : i32
    %mul3A_94 = vector.broadcast %mul3A_93 : i32 to vector<128x8192xi32>
    %mul3A_95 = arith.muli %add3A_92, %mul3A_94 : vector<128x8192xi32>
    %add3A_96 = arith.addi %mul3A_95, %get3A_4 : vector<128x8192xi32>
    %select_n3A_97 = arith.select %eq3A_89, %add3A_96, %select_n3A_86 : vector<128x8192xi1>, vector<128x8192xi32>
    %slice3A_98 = vector.extract_strided_slice %get3A_7 {offsets = [0, 6], sizes = [128, 1], strides = [1, 1]} : vector<128x8xi32> to vector<128x1xi32>
    %eq3A_99 = vector.broadcast %slice3A_98 : vector<128x1xi32> to vector<128x8192xi32>
    %eq3A_100 = arith.cmpi eq, %select_n3A, %eq3A_99 : vector<128x8192xi32>
    %add3A_101 = arith.constant 96 : i32
    %add3A_102 = vector.broadcast %add3A_101 : i32 to vector<128x8192xi32>
    %add3A_103 = arith.addi %add3A_102, %sub3A_33 : vector<128x8192xi32>
    %mul3A_104 = arith.constant 32 : i32
    %mul3A_105 = vector.broadcast %mul3A_104 : i32 to vector<128x8192xi32>
    %mul3A_106 = arith.muli %add3A_103, %mul3A_105 : vector<128x8192xi32>
    %add3A_107 = arith.addi %mul3A_106, %get3A_4 : vector<128x8192xi32>
    %select_n3A_108 = arith.select %eq3A_100, %add3A_107, %select_n3A_97 : vector<128x8192xi1>, vector<128x8192xi32>
    %slice3A_109 = vector.extract_strided_slice %get3A_7 {offsets = [0, 7], sizes = [128, 1], strides = [1, 1]} : vector<128x8xi32> to vector<128x1xi32>
    %eq3A_110 = vector.broadcast %slice3A_109 : vector<128x1xi32> to vector<128x8192xi32>
    %eq3A_111 = arith.cmpi eq, %select_n3A, %eq3A_110 : vector<128x8192xi32>
    %add3A_112 = arith.constant 112 : i32
    %add3A_113 = vector.broadcast %add3A_112 : i32 to vector<128x8192xi32>
    %add3A_114 = arith.addi %add3A_113, %sub3A_33 : vector<128x8192xi32>
    %mul3A_115 = arith.constant 32 : i32
    %mul3A_116 = vector.broadcast %mul3A_115 : i32 to vector<128x8192xi32>
    %mul3A_117 = arith.muli %add3A_114, %mul3A_116 : vector<128x8192xi32>
    %add3A_118 = arith.addi %mul3A_117, %get3A_4 : vector<128x8192xi32>
    %select_n3A_119 = arith.select %eq3A_111, %add3A_118, %select_n3A_108 : vector<128x8192xi1>, vector<128x8192xi32>
    %ge3A = arith.constant 0 : i32
    %ge3A_120 = vector.broadcast %ge3A : i32 to vector<128x8192xi32>
    %ge3A_121 = arith.cmpi sge, %select_n3A_119, %ge3A_120 : vector<128x8192xi32>
    %jit3A_122 = arith.constant 0xFF800000 : f32
    %broadcast_in_dim3A_123 = vector.broadcast %jit3A_122 : f32 to vector<128x8192xf32>
    %select_n3A_124 = arith.select %ge3A_121, %get3A_1, %broadcast_in_dim3A_123 : vector<128x8192xi1>, vector<128x8192xf32>
    %iota3A_125 = tpu.iota {dimensions = array<i32: 1>} : vector<128x8xi32>
    %reduce_max3A = arith.constant dense<0xFF800000> : vector<128xf32>
    %reduce_max3A_126 = vector.multi_reduction <maximumf>, %select_n3A_124, %reduce_max3A [1] : vector<128x8192xf32> to vector<128xf32>
    %broadcast_in_dim3A_127 = vector.shape_cast %reduce_max3A_126 : vector<128xf32> to vector<128x1xf32>
    %eq3A_128 = vector.broadcast %broadcast_in_dim3A_127 : vector<128x1xf32> to vector<128x8192xf32>
    %eq3A_129 = arith.cmpf oeq, %select_n3A_124, %eq3A_128 : vector<128x8192xf32>
    %jit3A_130 = arith.constant -1 : i32
    %broadcast_in_dim3A_131 = vector.broadcast %jit3A_130 : i32 to vector<128x8192xi32>
    %select_n3A_132 = arith.select %eq3A_129, %select_n3A_119, %broadcast_in_dim3A_131 : vector<128x8192xi1>, vector<128x8192xi32>
    %reduce_max3A_133 = arith.constant dense<-2147483648> : vector<128xi32>
    %reduce_max3A_134 = vector.multi_reduction <maxsi>, %select_n3A_132, %reduce_max3A_133 [1] : vector<128x8192xi32> to vector<128xi32>
    %broadcast_in_dim3A_135 = vector.shape_cast %reduce_max3A_134 : vector<128xi32> to vector<128x1xi32>
    %eq3A_136 = vector.broadcast %broadcast_in_dim3A_135 : vector<128x1xi32> to vector<128x8192xi32>
    %eq3A_137 = arith.cmpi eq, %select_n3A_132, %eq3A_136 : vector<128x8192xi32>
    %jit3A_138 = arith.constant 0xFF800000 : f32
    %broadcast_in_dim3A_139 = vector.broadcast %jit3A_138 : f32 to vector<128x8192xf32>
    %select_n3A_140 = arith.select %eq3A_137, %broadcast_in_dim3A_139, %select_n3A_124 : vector<128x8192xi1>, vector<128x8192xf32>
    %jit3A_141 = arith.constant 32 : i32
    %eq3A_142 = arith.constant 0 : i32
    %eq3A_143 = arith.cmpi eq, %jit3A_141, %eq3A_142 : i32
    %jit3A_144 = arith.constant 1 : i32
    %select_n3A_145 = arith.select %eq3A_143, %jit3A_144, %jit3A_141 : i32
    %rem3A_146 = vector.broadcast %select_n3A_145 : i32 to vector<128x1xi32>
    %rem3A_147 = arith.remsi %broadcast_in_dim3A_135, %rem3A_146 : vector<128x1xi32>
    %ne3A_148 = arith.constant 0 : i32
    %ne3A_149 = vector.broadcast %ne3A_148 : i32 to vector<128x1xi32>
    %ne3A_150 = arith.cmpi ne, %rem3A_147, %ne3A_149 : vector<128x1xi32>
    %lt3A = arith.constant 0 : i32
    %lt3A_151 = vector.broadcast %lt3A : i32 to vector<128x1xi32>
    %lt3A_152 = arith.cmpi slt, %rem3A_147, %lt3A_151 : vector<128x1xi32>
    %lt3A_153 = arith.constant 0 : i32
    %lt3A_154 = arith.cmpi slt, %select_n3A_145, %lt3A_153 : i32
    %ne3A_155 = vector.broadcast %lt3A_154 : i1 to vector<128x1xi1>
    %ne3A_156 = vector.broadcast %ne3A_155 : vector<128x1xi1> to vector<128x1xi1>
    %ne3A_157 = arith.xori %lt3A_152, %ne3A_156 : vector<128x1xi1>
    %and3A_158 = arith.andi %ne3A_157, %ne3A_150 : vector<128x1xi1>
    %add3A_159 = vector.broadcast %select_n3A_145 : i32 to vector<128x1xi32>
    %add3A_160 = arith.addi %rem3A_147, %add3A_159 : vector<128x1xi32>
    %select_n3A_161 = arith.select %and3A_158, %add3A_160, %rem3A_147 : vector<128x1xi1>, vector<128x1xi32>
    %jit3A_162 = arith.constant 32 : i32
    %div3A_163 = vector.broadcast %jit3A_162 : i32 to vector<128x1xi32>
    %div3A_164 = arith.divsi %broadcast_in_dim3A_135, %div3A_163 : vector<128x1xi32>
    %sign3A_165 = arith.constant 0 : i32
    %sign3A_166 = vector.broadcast %sign3A_165 : i32 to vector<128x1xi32>
    %sign3A_167 = arith.cmpi sgt, %broadcast_in_dim3A_135, %sign3A_166 : vector<128x1xi32>
    %sign3A_168 = arith.extui %sign3A_167 : vector<128x1xi1> to vector<128x1xi32>
    %sign3A_169 = arith.constant 0 : i32
    %sign3A_170 = vector.broadcast %sign3A_169 : i32 to vector<128x1xi32>
    %sign3A_171 = arith.cmpi slt, %broadcast_in_dim3A_135, %sign3A_170 : vector<128x1xi32>
    %sign3A_172 = arith.extui %sign3A_171 : vector<128x1xi1> to vector<128x1xi32>
    %sign3A_173 = arith.subi %sign3A_168, %sign3A_172 : vector<128x1xi32>
    %sign3A_174 = arith.constant 0 : i32
    %sign3A_175 = arith.cmpi sgt, %jit3A_162, %sign3A_174 : i32
    %sign3A_176 = arith.extui %sign3A_175 : i1 to i32
    %sign3A_177 = arith.constant 0 : i32
    %sign3A_178 = arith.cmpi slt, %jit3A_162, %sign3A_177 : i32
    %sign3A_179 = arith.extui %sign3A_178 : i1 to i32
    %sign3A_180 = arith.subi %sign3A_176, %sign3A_179 : i32
    %ne3A_181 = vector.broadcast %sign3A_180 : i32 to vector<128x1xi32>
    %ne3A_182 = arith.cmpi ne, %sign3A_173, %ne3A_181 : vector<128x1xi32>
    %rem3A_183 = vector.broadcast %jit3A_162 : i32 to vector<128x1xi32>
    %rem3A_184 = arith.remsi %broadcast_in_dim3A_135, %rem3A_183 : vector<128x1xi32>
    %ne3A_185 = arith.constant 0 : i32
    %ne3A_186 = vector.broadcast %ne3A_185 : i32 to vector<128x1xi32>
    %ne3A_187 = arith.cmpi ne, %rem3A_184, %ne3A_186 : vector<128x1xi32>
    %and3A_188 = arith.andi %ne3A_182, %ne3A_187 : vector<128x1xi1>
    %sub3A_189 = arith.constant 1 : i32
    %sub3A_190 = vector.broadcast %sub3A_189 : i32 to vector<128x1xi32>
    %sub3A_191 = arith.subi %div3A_164, %sub3A_190 : vector<128x1xi32>
    %select_n3A_192 = arith.select %and3A_188, %sub3A_191, %div3A_164 : vector<128x1xi1>, vector<128x1xi32>
    %jit3A_193 = arith.constant 16 : i32
    %div3A_194 = vector.broadcast %jit3A_193 : i32 to vector<128x1xi32>
    %div3A_195 = arith.divsi %select_n3A_192, %div3A_194 : vector<128x1xi32>
    %sign3A_196 = arith.constant 0 : i32
    %sign3A_197 = vector.broadcast %sign3A_196 : i32 to vector<128x1xi32>
    %sign3A_198 = arith.cmpi sgt, %select_n3A_192, %sign3A_197 : vector<128x1xi32>
    %sign3A_199 = arith.extui %sign3A_198 : vector<128x1xi1> to vector<128x1xi32>
    %sign3A_200 = arith.constant 0 : i32
    %sign3A_201 = vector.broadcast %sign3A_200 : i32 to vector<128x1xi32>
    %sign3A_202 = arith.cmpi slt, %select_n3A_192, %sign3A_201 : vector<128x1xi32>
    %sign3A_203 = arith.extui %sign3A_202 : vector<128x1xi1> to vector<128x1xi32>
    %sign3A_204 = arith.subi %sign3A_199, %sign3A_203 : vector<128x1xi32>
    %sign3A_205 = arith.constant 0 : i32
    %sign3A_206 = arith.cmpi sgt, %jit3A_193, %sign3A_205 : i32
    %sign3A_207 = arith.extui %sign3A_206 : i1 to i32
    %sign3A_208 = arith.constant 0 : i32
    %sign3A_209 = arith.cmpi slt, %jit3A_193, %sign3A_208 : i32
    %sign3A_210 = arith.extui %sign3A_209 : i1 to i32
    %sign3A_211 = arith.subi %sign3A_207, %sign3A_210 : i32
    %ne3A_212 = vector.broadcast %sign3A_211 : i32 to vector<128x1xi32>
    %ne3A_213 = arith.cmpi ne, %sign3A_204, %ne3A_212 : vector<128x1xi32>
    %rem3A_214 = vector.broadcast %jit3A_193 : i32 to vector<128x1xi32>
    %rem3A_215 = arith.remsi %select_n3A_192, %rem3A_214 : vector<128x1xi32>
    %ne3A_216 = arith.constant 0 : i32
    %ne3A_217 = vector.broadcast %ne3A_216 : i32 to vector<128x1xi32>
    %ne3A_218 = arith.cmpi ne, %rem3A_215, %ne3A_217 : vector<128x1xi32>
    %and3A_219 = arith.andi %ne3A_213, %ne3A_218 : vector<128x1xi1>
    %sub3A_220 = arith.constant 1 : i32
    %sub3A_221 = vector.broadcast %sub3A_220 : i32 to vector<128x1xi32>
    %sub3A_222 = arith.subi %div3A_195, %sub3A_221 : vector<128x1xi32>
    %select_n3A_223 = arith.select %and3A_219, %sub3A_222, %div3A_195 : vector<128x1xi1>, vector<128x1xi32>
    %mul3A_224 = arith.constant 16 : i32
    %mul3A_225 = vector.broadcast %mul3A_224 : i32 to vector<128x1xi32>
    %mul3A_226 = arith.muli %select_n3A_223, %mul3A_225 : vector<128x1xi32>
    %sub3A_227 = arith.subi %select_n3A_192, %mul3A_226 : vector<128x1xi32>
    %eq3A_228 = vector.broadcast %select_n3A_223 : vector<128x1xi32> to vector<128x8xi32>
    %eq3A_229 = arith.cmpi eq, %iota3A_125, %eq3A_228 : vector<128x8xi32>
    %jit3A_230 = arith.constant 0 : i32
    %broadcast_in_dim3A_231 = vector.broadcast %jit3A_230 : i32 to vector<128x8xi32>
    %select_n3A_232 = arith.select %eq3A_229, %get3A_7, %broadcast_in_dim3A_231 : vector<128x8xi1>, vector<128x8xi32>
    %reduce_sum3A = arith.constant dense<0> : vector<128xi32>
    %reduce_sum3A_233 = vector.multi_reduction <add>, %select_n3A_232, %reduce_sum3A [1] : vector<128x8xi32> to vector<128xi32>
    %broadcast_in_dim3A_234 = vector.shape_cast %reduce_sum3A_233 : vector<128xi32> to vector<128x1xi32>
    %mul3A_235 = arith.constant 32 : i32
    %mul3A_236 = vector.broadcast %mul3A_235 : i32 to vector<128x1xi32>
    %mul3A_237 = arith.muli %sub3A_227, %mul3A_236 : vector<128x1xi32>
    %add3A_238 = arith.addi %select_n3A_161, %mul3A_237 : vector<128x1xi32>
    %min3A = arith.constant 31 : i32
    %min3A_239 = vector.broadcast %min3A : i32 to vector<128x1xi32>
    %min3A_240 = arith.minsi %broadcast_in_dim3A_234, %min3A_239 : vector<128x1xi32>
    %mul3A_241 = arith.constant 512 : i32
    %mul3A_242 = vector.broadcast %mul3A_241 : i32 to vector<128x1xi32>
    %mul3A_243 = arith.muli %min3A_240, %mul3A_242 : vector<128x1xi32>
    %add3A_244 = arith.addi %add3A_238, %mul3A_243 : vector<128x1xi32>
    %mul3A_245 = arith.constant 512 : i32
    %mul3A_246 = vector.broadcast %mul3A_245 : i32 to vector<128x1xi32>
    %mul3A_247 = arith.muli %broadcast_in_dim3A_234, %mul3A_246 : vector<128x1xi32>
    %mul3A_248 = arith.constant 32 : i32
    %mul3A_249 = vector.broadcast %mul3A_248 : i32 to vector<128x1xi32>
    %mul3A_250 = arith.muli %sub3A_227, %mul3A_249 : vector<128x1xi32>
    %add3A_251 = arith.addi %mul3A_247, %mul3A_250 : vector<128x1xi32>
    %add3A_252 = arith.addi %add3A_251, %select_n3A_161 : vector<128x1xi32>
    %reduce_max3A_253 = arith.constant dense<0xFF800000> : vector<128xf32>
    %reduce_max3A_254 = vector.multi_reduction <maximumf>, %select_n3A_140, %reduce_max3A_253 [1] : vector<128x8192xf32> to vector<128xf32>
    %broadcast_in_dim3A_255 = vector.shape_cast %reduce_max3A_254 : vector<128xf32> to vector<128x1xf32>
    %eq3A_256 = vector.broadcast %broadcast_in_dim3A_255 : vector<128x1xf32> to vector<128x8192xf32>
    %eq3A_257 = arith.cmpf oeq, %select_n3A_140, %eq3A_256 : vector<128x8192xf32>
    %jit3A_258 = arith.constant -1 : i32
    %broadcast_in_dim3A_259 = vector.broadcast %jit3A_258 : i32 to vector<128x8192xi32>
    %select_n3A_260 = arith.select %eq3A_257, %select_n3A_119, %broadcast_in_dim3A_259 : vector<128x8192xi1>, vector<128x8192xi32>
    %reduce_max3A_261 = arith.constant dense<-2147483648> : vector<128xi32>
    %reduce_max3A_262 = vector.multi_reduction <maxsi>, %select_n3A_260, %reduce_max3A_261 [1] : vector<128x8192xi32> to vector<128xi32>
    %broadcast_in_dim3A_263 = vector.shape_cast %reduce_max3A_262 : vector<128xi32> to vector<128x1xi32>
    %eq3A_264 = vector.broadcast %broadcast_in_dim3A_263 : vector<128x1xi32> to vector<128x8192xi32>
    %eq3A_265 = arith.cmpi eq, %select_n3A_260, %eq3A_264 : vector<128x8192xi32>
    %jit3A_266 = arith.constant 0xFF800000 : f32
    %broadcast_in_dim3A_267 = vector.broadcast %jit3A_266 : f32 to vector<128x8192xf32>
    %select_n3A_268 = arith.select %eq3A_265, %broadcast_in_dim3A_267, %select_n3A_140 : vector<128x8192xi1>, vector<128x8192xf32>
    %jit3A_269 = arith.constant 32 : i32
    %eq3A_270 = arith.constant 0 : i32
    %eq3A_271 = arith.cmpi eq, %jit3A_269, %eq3A_270 : i32
    %jit3A_272 = arith.constant 1 : i32
    %select_n3A_273 = arith.select %eq3A_271, %jit3A_272, %jit3A_269 : i32
    %rem3A_274 = vector.broadcast %select_n3A_273 : i32 to vector<128x1xi32>
    %rem3A_275 = arith.remsi %broadcast_in_dim3A_263, %rem3A_274 : vector<128x1xi32>
    %ne3A_276 = arith.constant 0 : i32
    %ne3A_277 = vector.broadcast %ne3A_276 : i32 to vector<128x1xi32>
    %ne3A_278 = arith.cmpi ne, %rem3A_275, %ne3A_277 : vector<128x1xi32>
    %lt3A_279 = arith.constant 0 : i32
    %lt3A_280 = vector.broadcast %lt3A_279 : i32 to vector<128x1xi32>
    %lt3A_281 = arith.cmpi slt, %rem3A_275, %lt3A_280 : vector<128x1xi32>
    %lt3A_282 = arith.constant 0 : i32
    %lt3A_283 = arith.cmpi slt, %select_n3A_273, %lt3A_282 : i32
    %ne3A_284 = vector.broadcast %lt3A_283 : i1 to vector<128x1xi1>
    %ne3A_285 = vector.broadcast %ne3A_284 : vector<128x1xi1> to vector<128x1xi1>
    %ne3A_286 = arith.xori %lt3A_281, %ne3A_285 : vector<128x1xi1>
    %and3A_287 = arith.andi %ne3A_286, %ne3A_278 : vector<128x1xi1>
    %add3A_288 = vector.broadcast %select_n3A_273 : i32 to vector<128x1xi32>
    %add3A_289 = arith.addi %rem3A_275, %add3A_288 : vector<128x1xi32>
    %select_n3A_290 = arith.select %and3A_287, %add3A_289, %rem3A_275 : vector<128x1xi1>, vector<128x1xi32>
    %jit3A_291 = arith.constant 32 : i32
    %div3A_292 = vector.broadcast %jit3A_291 : i32 to vector<128x1xi32>
    %div3A_293 = arith.divsi %broadcast_in_dim3A_263, %div3A_292 : vector<128x1xi32>
    %sign3A_294 = arith.constant 0 : i32
    %sign3A_295 = vector.broadcast %sign3A_294 : i32 to vector<128x1xi32>
    %sign3A_296 = arith.cmpi sgt, %broadcast_in_dim3A_263, %sign3A_295 : vector<128x1xi32>
    %sign3A_297 = arith.extui %sign3A_296 : vector<128x1xi1> to vector<128x1xi32>
    %sign3A_298 = arith.constant 0 : i32
    %sign3A_299 = vector.broadcast %sign3A_298 : i32 to vector<128x1xi32>
    %sign3A_300 = arith.cmpi slt, %broadcast_in_dim3A_263, %sign3A_299 : vector<128x1xi32>
    %sign3A_301 = arith.extui %sign3A_300 : vector<128x1xi1> to vector<128x1xi32>
    %sign3A_302 = arith.subi %sign3A_297, %sign3A_301 : vector<128x1xi32>
    %sign3A_303 = arith.constant 0 : i32
    %sign3A_304 = arith.cmpi sgt, %jit3A_291, %sign3A_303 : i32
    %sign3A_305 = arith.extui %sign3A_304 : i1 to i32
    %sign3A_306 = arith.constant 0 : i32
    %sign3A_307 = arith.cmpi slt, %jit3A_291, %sign3A_306 : i32
    %sign3A_308 = arith.extui %sign3A_307 : i1 to i32
    %sign3A_309 = arith.subi %sign3A_305, %sign3A_308 : i32
    %ne3A_310 = vector.broadcast %sign3A_309 : i32 to vector<128x1xi32>
    %ne3A_311 = arith.cmpi ne, %sign3A_302, %ne3A_310 : vector<128x1xi32>
    %rem3A_312 = vector.broadcast %jit3A_291 : i32 to vector<128x1xi32>
    %rem3A_313 = arith.remsi %broadcast_in_dim3A_263, %rem3A_312 : vector<128x1xi32>
    %ne3A_314 = arith.constant 0 : i32
    %ne3A_315 = vector.broadcast %ne3A_314 : i32 to vector<128x1xi32>
    %ne3A_316 = arith.cmpi ne, %rem3A_313, %ne3A_315 : vector<128x1xi32>
    %and3A_317 = arith.andi %ne3A_311, %ne3A_316 : vector<128x1xi1>
    %sub3A_318 = arith.constant 1 : i32
    %sub3A_319 = vector.broadcast %sub3A_318 : i32 to vector<128x1xi32>
    %sub3A_320 = arith.subi %div3A_293, %sub3A_319 : vector<128x1xi32>
    %select_n3A_321 = arith.select %and3A_317, %sub3A_320, %div3A_293 : vector<128x1xi1>, vector<128x1xi32>
    %jit3A_322 = arith.constant 16 : i32
    %div3A_323 = vector.broadcast %jit3A_322 : i32 to vector<128x1xi32>
    %div3A_324 = arith.divsi %select_n3A_321, %div3A_323 : vector<128x1xi32>
    %sign3A_325 = arith.constant 0 : i32
    %sign3A_326 = vector.broadcast %sign3A_325 : i32 to vector<128x1xi32>
    %sign3A_327 = arith.cmpi sgt, %select_n3A_321, %sign3A_326 : vector<128x1xi32>
    %sign3A_328 = arith.extui %sign3A_327 : vector<128x1xi1> to vector<128x1xi32>
    %sign3A_329 = arith.constant 0 : i32
    %sign3A_330 = vector.broadcast %sign3A_329 : i32 to vector<128x1xi32>
    %sign3A_331 = arith.cmpi slt, %select_n3A_321, %sign3A_330 : vector<128x1xi32>
    %sign3A_332 = arith.extui %sign3A_331 : vector<128x1xi1> to vector<128x1xi32>
    %sign3A_333 = arith.subi %sign3A_328, %sign3A_332 : vector<128x1xi32>
    %sign3A_334 = arith.constant 0 : i32
    %sign3A_335 = arith.cmpi sgt, %jit3A_322, %sign3A_334 : i32
    %sign3A_336 = arith.extui %sign3A_335 : i1 to i32
    %sign3A_337 = arith.constant 0 : i32
    %sign3A_338 = arith.cmpi slt, %jit3A_322, %sign3A_337 : i32
    %sign3A_339 = arith.extui %sign3A_338 : i1 to i32
    %sign3A_340 = arith.subi %sign3A_336, %sign3A_339 : i32
    %ne3A_341 = vector.broadcast %sign3A_340 : i32 to vector<128x1xi32>
    %ne3A_342 = arith.cmpi ne, %sign3A_333, %ne3A_341 : vector<128x1xi32>
    %rem3A_343 = vector.broadcast %jit3A_322 : i32 to vector<128x1xi32>
    %rem3A_344 = arith.remsi %select_n3A_321, %rem3A_343 : vector<128x1xi32>
    %ne3A_345 = arith.constant 0 : i32
    %ne3A_346 = vector.broadcast %ne3A_345 : i32 to vector<128x1xi32>
    %ne3A_347 = arith.cmpi ne, %rem3A_344, %ne3A_346 : vector<128x1xi32>
    %and3A_348 = arith.andi %ne3A_342, %ne3A_347 : vector<128x1xi1>
    %sub3A_349 = arith.constant 1 : i32
    %sub3A_350 = vector.broadcast %sub3A_349 : i32 to vector<128x1xi32>
    %sub3A_351 = arith.subi %div3A_324, %sub3A_350 : vector<128x1xi32>
    %select_n3A_352 = arith.select %and3A_348, %sub3A_351, %div3A_324 : vector<128x1xi1>, vector<128x1xi32>
    %mul3A_353 = arith.constant 16 : i32
    %mul3A_354 = vector.broadcast %mul3A_353 : i32 to vector<128x1xi32>
    %mul3A_355 = arith.muli %select_n3A_352, %mul3A_354 : vector<128x1xi32>
    %sub3A_356 = arith.subi %select_n3A_321, %mul3A_355 : vector<128x1xi32>
    %eq3A_357 = vector.broadcast %select_n3A_352 : vector<128x1xi32> to vector<128x8xi32>
    %eq3A_358 = arith.cmpi eq, %iota3A_125, %eq3A_357 : vector<128x8xi32>
    %jit3A_359 = arith.constant 0 : i32
    %broadcast_in_dim3A_360 = vector.broadcast %jit3A_359 : i32 to vector<128x8xi32>
    %select_n3A_361 = arith.select %eq3A_358, %get3A_7, %broadcast_in_dim3A_360 : vector<128x8xi1>, vector<128x8xi32>
    %reduce_sum3A_362 = arith.constant dense<0> : vector<128xi32>
    %reduce_sum3A_363 = vector.multi_reduction <add>, %select_n3A_361, %reduce_sum3A_362 [1] : vector<128x8xi32> to vector<128xi32>
    %broadcast_in_dim3A_364 = vector.shape_cast %reduce_sum3A_363 : vector<128xi32> to vector<128x1xi32>
    %mul3A_365 = arith.constant 32 : i32
    %mul3A_366 = vector.broadcast %mul3A_365 : i32 to vector<128x1xi32>
    %mul3A_367 = arith.muli %sub3A_356, %mul3A_366 : vector<128x1xi32>
    %add3A_368 = arith.addi %select_n3A_290, %mul3A_367 : vector<128x1xi32>
    %min3A_369 = arith.constant 31 : i32
    %min3A_370 = vector.broadcast %min3A_369 : i32 to vector<128x1xi32>
    %min3A_371 = arith.minsi %broadcast_in_dim3A_364, %min3A_370 : vector<128x1xi32>
    %mul3A_372 = arith.constant 512 : i32
    %mul3A_373 = vector.broadcast %mul3A_372 : i32 to vector<128x1xi32>
    %mul3A_374 = arith.muli %min3A_371, %mul3A_373 : vector<128x1xi32>
    %add3A_375 = arith.addi %add3A_368, %mul3A_374 : vector<128x1xi32>
    %mul3A_376 = arith.constant 512 : i32
    %mul3A_377 = vector.broadcast %mul3A_376 : i32 to vector<128x1xi32>
    %mul3A_378 = arith.muli %broadcast_in_dim3A_364, %mul3A_377 : vector<128x1xi32>
    %mul3A_379 = arith.constant 32 : i32
    %mul3A_380 = vector.broadcast %mul3A_379 : i32 to vector<128x1xi32>
    %mul3A_381 = arith.muli %sub3A_356, %mul3A_380 : vector<128x1xi32>
    %add3A_382 = arith.addi %mul3A_378, %mul3A_381 : vector<128x1xi32>
    %add3A_383 = arith.addi %add3A_382, %select_n3A_290 : vector<128x1xi32>
    %reduce_max3A_384 = arith.constant dense<0xFF800000> : vector<128xf32>
    %reduce_max3A_385 = vector.multi_reduction <maximumf>, %select_n3A_268, %reduce_max3A_384 [1] : vector<128x8192xf32> to vector<128xf32>
    %broadcast_in_dim3A_386 = vector.shape_cast %reduce_max3A_385 : vector<128xf32> to vector<128x1xf32>
    %eq3A_387 = vector.broadcast %broadcast_in_dim3A_386 : vector<128x1xf32> to vector<128x8192xf32>
    %eq3A_388 = arith.cmpf oeq, %select_n3A_268, %eq3A_387 : vector<128x8192xf32>
    %jit3A_389 = arith.constant -1 : i32
    %broadcast_in_dim3A_390 = vector.broadcast %jit3A_389 : i32 to vector<128x8192xi32>
    %select_n3A_391 = arith.select %eq3A_388, %select_n3A_119, %broadcast_in_dim3A_390 : vector<128x8192xi1>, vector<128x8192xi32>
    %reduce_max3A_392 = arith.constant dense<-2147483648> : vector<128xi32>
    %reduce_max3A_393 = vector.multi_reduction <maxsi>, %select_n3A_391, %reduce_max3A_392 [1] : vector<128x8192xi32> to vector<128xi32>
    %broadcast_in_dim3A_394 = vector.shape_cast %reduce_max3A_393 : vector<128xi32> to vector<128x1xi32>
    %eq3A_395 = vector.broadcast %broadcast_in_dim3A_394 : vector<128x1xi32> to vector<128x8192xi32>
    %eq3A_396 = arith.cmpi eq, %select_n3A_391, %eq3A_395 : vector<128x8192xi32>
    %jit3A_397 = arith.constant 0xFF800000 : f32
    %broadcast_in_dim3A_398 = vector.broadcast %jit3A_397 : f32 to vector<128x8192xf32>
    %select_n3A_399 = arith.select %eq3A_396, %broadcast_in_dim3A_398, %select_n3A_268 : vector<128x8192xi1>, vector<128x8192xf32>
    %jit3A_400 = arith.constant 32 : i32
    %eq3A_401 = arith.constant 0 : i32
    %eq3A_402 = arith.cmpi eq, %jit3A_400, %eq3A_401 : i32
    %jit3A_403 = arith.constant 1 : i32
    %select_n3A_404 = arith.select %eq3A_402, %jit3A_403, %jit3A_400 : i32
    %rem3A_405 = vector.broadcast %select_n3A_404 : i32 to vector<128x1xi32>
    %rem3A_406 = arith.remsi %broadcast_in_dim3A_394, %rem3A_405 : vector<128x1xi32>
    %ne3A_407 = arith.constant 0 : i32
    %ne3A_408 = vector.broadcast %ne3A_407 : i32 to vector<128x1xi32>
    %ne3A_409 = arith.cmpi ne, %rem3A_406, %ne3A_408 : vector<128x1xi32>
    %lt3A_410 = arith.constant 0 : i32
    %lt3A_411 = vector.broadcast %lt3A_410 : i32 to vector<128x1xi32>
    %lt3A_412 = arith.cmpi slt, %rem3A_406, %lt3A_411 : vector<128x1xi32>
    %lt3A_413 = arith.constant 0 : i32
    %lt3A_414 = arith.cmpi slt, %select_n3A_404, %lt3A_413 : i32
    %ne3A_415 = vector.broadcast %lt3A_414 : i1 to vector<128x1xi1>
    %ne3A_416 = vector.broadcast %ne3A_415 : vector<128x1xi1> to vector<128x1xi1>
    %ne3A_417 = arith.xori %lt3A_412, %ne3A_416 : vector<128x1xi1>
    %and3A_418 = arith.andi %ne3A_417, %ne3A_409 : vector<128x1xi1>
    %add3A_419 = vector.broadcast %select_n3A_404 : i32 to vector<128x1xi32>
    %add3A_420 = arith.addi %rem3A_406, %add3A_419 : vector<128x1xi32>
    %select_n3A_421 = arith.select %and3A_418, %add3A_420, %rem3A_406 : vector<128x1xi1>, vector<128x1xi32>
    %jit3A_422 = arith.constant 32 : i32
    %div3A_423 = vector.broadcast %jit3A_422 : i32 to vector<128x1xi32>
    %div3A_424 = arith.divsi %broadcast_in_dim3A_394, %div3A_423 : vector<128x1xi32>
    %sign3A_425 = arith.constant 0 : i32
    %sign3A_426 = vector.broadcast %sign3A_425 : i32 to vector<128x1xi32>
    %sign3A_427 = arith.cmpi sgt, %broadcast_in_dim3A_394, %sign3A_426 : vector<128x1xi32>
    %sign3A_428 = arith.extui %sign3A_427 : vector<128x1xi1> to vector<128x1xi32>
    %sign3A_429 = arith.constant 0 : i32
    %sign3A_430 = vector.broadcast %sign3A_429 : i32 to vector<128x1xi32>
    %sign3A_431 = arith.cmpi slt, %broadcast_in_dim3A_394, %sign3A_430 : vector<128x1xi32>
    %sign3A_432 = arith.extui %sign3A_431 : vector<128x1xi1> to vector<128x1xi32>
    %sign3A_433 = arith.subi %sign3A_428, %sign3A_432 : vector<128x1xi32>
    %sign3A_434 = arith.constant 0 : i32
    %sign3A_435 = arith.cmpi sgt, %jit3A_422, %sign3A_434 : i32
    %sign3A_436 = arith.extui %sign3A_435 : i1 to i32
    %sign3A_437 = arith.constant 0 : i32
    %sign3A_438 = arith.cmpi slt, %jit3A_422, %sign3A_437 : i32
    %sign3A_439 = arith.extui %sign3A_438 : i1 to i32
    %sign3A_440 = arith.subi %sign3A_436, %sign3A_439 : i32
    %ne3A_441 = vector.broadcast %sign3A_440 : i32 to vector<128x1xi32>
    %ne3A_442 = arith.cmpi ne, %sign3A_433, %ne3A_441 : vector<128x1xi32>
    %rem3A_443 = vector.broadcast %jit3A_422 : i32 to vector<128x1xi32>
    %rem3A_444 = arith.remsi %broadcast_in_dim3A_394, %rem3A_443 : vector<128x1xi32>
    %ne3A_445 = arith.constant 0 : i32
    %ne3A_446 = vector.broadcast %ne3A_445 : i32 to vector<128x1xi32>
    %ne3A_447 = arith.cmpi ne, %rem3A_444, %ne3A_446 : vector<128x1xi32>
    %and3A_448 = arith.andi %ne3A_442, %ne3A_447 : vector<128x1xi1>
    %sub3A_449 = arith.constant 1 : i32
    %sub3A_450 = vector.broadcast %sub3A_449 : i32 to vector<128x1xi32>
    %sub3A_451 = arith.subi %div3A_424, %sub3A_450 : vector<128x1xi32>
    %select_n3A_452 = arith.select %and3A_448, %sub3A_451, %div3A_424 : vector<128x1xi1>, vector<128x1xi32>
    %jit3A_453 = arith.constant 16 : i32
    %div3A_454 = vector.broadcast %jit3A_453 : i32 to vector<128x1xi32>
    %div3A_455 = arith.divsi %select_n3A_452, %div3A_454 : vector<128x1xi32>
    %sign3A_456 = arith.constant 0 : i32
    %sign3A_457 = vector.broadcast %sign3A_456 : i32 to vector<128x1xi32>
    %sign3A_458 = arith.cmpi sgt, %select_n3A_452, %sign3A_457 : vector<128x1xi32>
    %sign3A_459 = arith.extui %sign3A_458 : vector<128x1xi1> to vector<128x1xi32>
    %sign3A_460 = arith.constant 0 : i32
    %sign3A_461 = vector.broadcast %sign3A_460 : i32 to vector<128x1xi32>
    %sign3A_462 = arith.cmpi slt, %select_n3A_452, %sign3A_461 : vector<128x1xi32>
    %sign3A_463 = arith.extui %sign3A_462 : vector<128x1xi1> to vector<128x1xi32>
    %sign3A_464 = arith.subi %sign3A_459, %sign3A_463 : vector<128x1xi32>
    %sign3A_465 = arith.constant 0 : i32
    %sign3A_466 = arith.cmpi sgt, %jit3A_453, %sign3A_465 : i32
    %sign3A_467 = arith.extui %sign3A_466 : i1 to i32
    %sign3A_468 = arith.constant 0 : i32
    %sign3A_469 = arith.cmpi slt, %jit3A_453, %sign3A_468 : i32
    %sign3A_470 = arith.extui %sign3A_469 : i1 to i32
    %sign3A_471 = arith.subi %sign3A_467, %sign3A_470 : i32
    %ne3A_472 = vector.broadcast %sign3A_471 : i32 to vector<128x1xi32>
    %ne3A_473 = arith.cmpi ne, %sign3A_464, %ne3A_472 : vector<128x1xi32>
    %rem3A_474 = vector.broadcast %jit3A_453 : i32 to vector<128x1xi32>
    %rem3A_475 = arith.remsi %select_n3A_452, %rem3A_474 : vector<128x1xi32>
    %ne3A_476 = arith.constant 0 : i32
    %ne3A_477 = vector.broadcast %ne3A_476 : i32 to vector<128x1xi32>
    %ne3A_478 = arith.cmpi ne, %rem3A_475, %ne3A_477 : vector<128x1xi32>
    %and3A_479 = arith.andi %ne3A_473, %ne3A_478 : vector<128x1xi1>
    %sub3A_480 = arith.constant 1 : i32
    %sub3A_481 = vector.broadcast %sub3A_480 : i32 to vector<128x1xi32>
    %sub3A_482 = arith.subi %div3A_455, %sub3A_481 : vector<128x1xi32>
    %select_n3A_483 = arith.select %and3A_479, %sub3A_482, %div3A_455 : vector<128x1xi1>, vector<128x1xi32>
    %mul3A_484 = arith.constant 16 : i32
    %mul3A_485 = vector.broadcast %mul3A_484 : i32 to vector<128x1xi32>
    %mul3A_486 = arith.muli %select_n3A_483, %mul3A_485 : vector<128x1xi32>
    %sub3A_487 = arith.subi %select_n3A_452, %mul3A_486 : vector<128x1xi32>
    %eq3A_488 = vector.broadcast %select_n3A_483 : vector<128x1xi32> to vector<128x8xi32>
    %eq3A_489 = arith.cmpi eq, %iota3A_125, %eq3A_488 : vector<128x8xi32>
    %jit3A_490 = arith.constant 0 : i32
    %broadcast_in_dim3A_491 = vector.broadcast %jit3A_490 : i32 to vector<128x8xi32>
    %select_n3A_492 = arith.select %eq3A_489, %get3A_7, %broadcast_in_dim3A_491 : vector<128x8xi1>, vector<128x8xi32>
    %reduce_sum3A_493 = arith.constant dense<0> : vector<128xi32>
    %reduce_sum3A_494 = vector.multi_reduction <add>, %select_n3A_492, %reduce_sum3A_493 [1] : vector<128x8xi32> to vector<128xi32>
    %broadcast_in_dim3A_495 = vector.shape_cast %reduce_sum3A_494 : vector<128xi32> to vector<128x1xi32>
    %mul3A_496 = arith.constant 32 : i32
    %mul3A_497 = vector.broadcast %mul3A_496 : i32 to vector<128x1xi32>
    %mul3A_498 = arith.muli %sub3A_487, %mul3A_497 : vector<128x1xi32>
    %add3A_499 = arith.addi %select_n3A_421, %mul3A_498 : vector<128x1xi32>
    %min3A_500 = arith.constant 31 : i32
    %min3A_501 = vector.broadcast %min3A_500 : i32 to vector<128x1xi32>
    %min3A_502 = arith.minsi %broadcast_in_dim3A_495, %min3A_501 : vector<128x1xi32>
    %mul3A_503 = arith.constant 512 : i32
    %mul3A_504 = vector.broadcast %mul3A_503 : i32 to vector<128x1xi32>
    %mul3A_505 = arith.muli %min3A_502, %mul3A_504 : vector<128x1xi32>
    %add3A_506 = arith.addi %add3A_499, %mul3A_505 : vector<128x1xi32>
    %mul3A_507 = arith.constant 512 : i32
    %mul3A_508 = vector.broadcast %mul3A_507 : i32 to vector<128x1xi32>
    %mul3A_509 = arith.muli %broadcast_in_dim3A_495, %mul3A_508 : vector<128x1xi32>
    %mul3A_510 = arith.constant 32 : i32
    %mul3A_511 = vector.broadcast %mul3A_510 : i32 to vector<128x1xi32>
    %mul3A_512 = arith.muli %sub3A_487, %mul3A_511 : vector<128x1xi32>
    %add3A_513 = arith.addi %mul3A_509, %mul3A_512 : vector<128x1xi32>
    %add3A_514 = arith.addi %add3A_513, %select_n3A_421 : vector<128x1xi32>
    %reduce_max3A_515 = arith.constant dense<0xFF800000> : vector<128xf32>
    %reduce_max3A_516 = vector.multi_reduction <maximumf>, %select_n3A_399, %reduce_max3A_515 [1] : vector<128x8192xf32> to vector<128xf32>
    %broadcast_in_dim3A_517 = vector.shape_cast %reduce_max3A_516 : vector<128xf32> to vector<128x1xf32>
    %eq3A_518 = vector.broadcast %broadcast_in_dim3A_517 : vector<128x1xf32> to vector<128x8192xf32>
    %eq3A_519 = arith.cmpf oeq, %select_n3A_399, %eq3A_518 : vector<128x8192xf32>
    %jit3A_520 = arith.constant -1 : i32
    %broadcast_in_dim3A_521 = vector.broadcast %jit3A_520 : i32 to vector<128x8192xi32>
    %select_n3A_522 = arith.select %eq3A_519, %select_n3A_119, %broadcast_in_dim3A_521 : vector<128x8192xi1>, vector<128x8192xi32>
    %reduce_max3A_523 = arith.constant dense<-2147483648> : vector<128xi32>
    %reduce_max3A_524 = vector.multi_reduction <maxsi>, %select_n3A_522, %reduce_max3A_523 [1] : vector<128x8192xi32> to vector<128xi32>
    %broadcast_in_dim3A_525 = vector.shape_cast %reduce_max3A_524 : vector<128xi32> to vector<128x1xi32>
    %eq3A_526 = vector.broadcast %broadcast_in_dim3A_525 : vector<128x1xi32> to vector<128x8192xi32>
    %eq3A_527 = arith.cmpi eq, %select_n3A_522, %eq3A_526 : vector<128x8192xi32>
    %jit3A_528 = arith.constant 0xFF800000 : f32
    %broadcast_in_dim3A_529 = vector.broadcast %jit3A_528 : f32 to vector<128x8192xf32>
    %select_n3A_530 = arith.select %eq3A_527, %broadcast_in_dim3A_529, %select_n3A_399 : vector<128x8192xi1>, vector<128x8192xf32>
    %jit3A_531 = arith.constant 32 : i32
    %eq3A_532 = arith.constant 0 : i32
    %eq3A_533 = arith.cmpi eq, %jit3A_531, %eq3A_532 : i32
    %jit3A_534 = arith.constant 1 : i32
    %select_n3A_535 = arith.select %eq3A_533, %jit3A_534, %jit3A_531 : i32
    %rem3A_536 = vector.broadcast %select_n3A_535 : i32 to vector<128x1xi32>
    %rem3A_537 = arith.remsi %broadcast_in_dim3A_525, %rem3A_536 : vector<128x1xi32>
    %ne3A_538 = arith.constant 0 : i32
    %ne3A_539 = vector.broadcast %ne3A_538 : i32 to vector<128x1xi32>
    %ne3A_540 = arith.cmpi ne, %rem3A_537, %ne3A_539 : vector<128x1xi32>
    %lt3A_541 = arith.constant 0 : i32
    %lt3A_542 = vector.broadcast %lt3A_541 : i32 to vector<128x1xi32>
    %lt3A_543 = arith.cmpi slt, %rem3A_537, %lt3A_542 : vector<128x1xi32>
    %lt3A_544 = arith.constant 0 : i32
    %lt3A_545 = arith.cmpi slt, %select_n3A_535, %lt3A_544 : i32
    %ne3A_546 = vector.broadcast %lt3A_545 : i1 to vector<128x1xi1>
    %ne3A_547 = vector.broadcast %ne3A_546 : vector<128x1xi1> to vector<128x1xi1>
    %ne3A_548 = arith.xori %lt3A_543, %ne3A_547 : vector<128x1xi1>
    %and3A_549 = arith.andi %ne3A_548, %ne3A_540 : vector<128x1xi1>
    %add3A_550 = vector.broadcast %select_n3A_535 : i32 to vector<128x1xi32>
    %add3A_551 = arith.addi %rem3A_537, %add3A_550 : vector<128x1xi32>
    %select_n3A_552 = arith.select %and3A_549, %add3A_551, %rem3A_537 : vector<128x1xi1>, vector<128x1xi32>
    %jit3A_553 = arith.constant 32 : i32
    %div3A_554 = vector.broadcast %jit3A_553 : i32 to vector<128x1xi32>
    %div3A_555 = arith.divsi %broadcast_in_dim3A_525, %div3A_554 : vector<128x1xi32>
    %sign3A_556 = arith.constant 0 : i32
    %sign3A_557 = vector.broadcast %sign3A_556 : i32 to vector<128x1xi32>
    %sign3A_558 = arith.cmpi sgt, %broadcast_in_dim3A_525, %sign3A_557 : vector<128x1xi32>
    %sign3A_559 = arith.extui %sign3A_558 : vector<128x1xi1> to vector<128x1xi32>
    %sign3A_560 = arith.constant 0 : i32
    %sign3A_561 = vector.broadcast %sign3A_560 : i32 to vector<128x1xi32>
    %sign3A_562 = arith.cmpi slt, %broadcast_in_dim3A_525, %sign3A_561 : vector<128x1xi32>
    %sign3A_563 = arith.extui %sign3A_562 : vector<128x1xi1> to vector<128x1xi32>
    %sign3A_564 = arith.subi %sign3A_559, %sign3A_563 : vector<128x1xi32>
    %sign3A_565 = arith.constant 0 : i32
    %sign3A_566 = arith.cmpi sgt, %jit3A_553, %sign3A_565 : i32
    %sign3A_567 = arith.extui %sign3A_566 : i1 to i32
    %sign3A_568 = arith.constant 0 : i32
    %sign3A_569 = arith.cmpi slt, %jit3A_553, %sign3A_568 : i32
    %sign3A_570 = arith.extui %sign3A_569 : i1 to i32
    %sign3A_571 = arith.subi %sign3A_567, %sign3A_570 : i32
    %ne3A_572 = vector.broadcast %sign3A_571 : i32 to vector<128x1xi32>
    %ne3A_573 = arith.cmpi ne, %sign3A_564, %ne3A_572 : vector<128x1xi32>
    %rem3A_574 = vector.broadcast %jit3A_553 : i32 to vector<128x1xi32>
    %rem3A_575 = arith.remsi %broadcast_in_dim3A_525, %rem3A_574 : vector<128x1xi32>
    %ne3A_576 = arith.constant 0 : i32
    %ne3A_577 = vector.broadcast %ne3A_576 : i32 to vector<128x1xi32>
    %ne3A_578 = arith.cmpi ne, %rem3A_575, %ne3A_577 : vector<128x1xi32>
    %and3A_579 = arith.andi %ne3A_573, %ne3A_578 : vector<128x1xi1>
    %sub3A_580 = arith.constant 1 : i32
    %sub3A_581 = vector.broadcast %sub3A_580 : i32 to vector<128x1xi32>
    %sub3A_582 = arith.subi %div3A_555, %sub3A_581 : vector<128x1xi32>
    %select_n3A_583 = arith.select %and3A_579, %sub3A_582, %div3A_555 : vector<128x1xi1>, vector<128x1xi32>
    %jit3A_584 = arith.constant 16 : i32
    %div3A_585 = vector.broadcast %jit3A_584 : i32 to vector<128x1xi32>
    %div3A_586 = arith.divsi %select_n3A_583, %div3A_585 : vector<128x1xi32>
    %sign3A_587 = arith.constant 0 : i32
    %sign3A_588 = vector.broadcast %sign3A_587 : i32 to vector<128x1xi32>
    %sign3A_589 = arith.cmpi sgt, %select_n3A_583, %sign3A_588 : vector<128x1xi32>
    %sign3A_590 = arith.extui %sign3A_589 : vector<128x1xi1> to vector<128x1xi32>
    %sign3A_591 = arith.constant 0 : i32
    %sign3A_592 = vector.broadcast %sign3A_591 : i32 to vector<128x1xi32>
    %sign3A_593 = arith.cmpi slt, %select_n3A_583, %sign3A_592 : vector<128x1xi32>
    %sign3A_594 = arith.extui %sign3A_593 : vector<128x1xi1> to vector<128x1xi32>
    %sign3A_595 = arith.subi %sign3A_590, %sign3A_594 : vector<128x1xi32>
    %sign3A_596 = arith.constant 0 : i32
    %sign3A_597 = arith.cmpi sgt, %jit3A_584, %sign3A_596 : i32
    %sign3A_598 = arith.extui %sign3A_597 : i1 to i32
    %sign3A_599 = arith.constant 0 : i32
    %sign3A_600 = arith.cmpi slt, %jit3A_584, %sign3A_599 : i32
    %sign3A_601 = arith.extui %sign3A_600 : i1 to i32
    %sign3A_602 = arith.subi %sign3A_598, %sign3A_601 : i32
    %ne3A_603 = vector.broadcast %sign3A_602 : i32 to vector<128x1xi32>
    %ne3A_604 = arith.cmpi ne, %sign3A_595, %ne3A_603 : vector<128x1xi32>
    %rem3A_605 = vector.broadcast %jit3A_584 : i32 to vector<128x1xi32>
    %rem3A_606 = arith.remsi %select_n3A_583, %rem3A_605 : vector<128x1xi32>
    %ne3A_607 = arith.constant 0 : i32
    %ne3A_608 = vector.broadcast %ne3A_607 : i32 to vector<128x1xi32>
    %ne3A_609 = arith.cmpi ne, %rem3A_606, %ne3A_608 : vector<128x1xi32>
    %and3A_610 = arith.andi %ne3A_604, %ne3A_609 : vector<128x1xi1>
    %sub3A_611 = arith.constant 1 : i32
    %sub3A_612 = vector.broadcast %sub3A_611 : i32 to vector<128x1xi32>
    %sub3A_613 = arith.subi %div3A_586, %sub3A_612 : vector<128x1xi32>
    %select_n3A_614 = arith.select %and3A_610, %sub3A_613, %div3A_586 : vector<128x1xi1>, vector<128x1xi32>
    %mul3A_615 = arith.constant 16 : i32
    %mul3A_616 = vector.broadcast %mul3A_615 : i32 to vector<128x1xi32>
    %mul3A_617 = arith.muli %select_n3A_614, %mul3A_616 : vector<128x1xi32>
    %sub3A_618 = arith.subi %select_n3A_583, %mul3A_617 : vector<128x1xi32>
    %eq3A_619 = vector.broadcast %select_n3A_614 : vector<128x1xi32> to vector<128x8xi32>
    %eq3A_620 = arith.cmpi eq, %iota3A_125, %eq3A_619 : vector<128x8xi32>
    %jit3A_621 = arith.constant 0 : i32
    %broadcast_in_dim3A_622 = vector.broadcast %jit3A_621 : i32 to vector<128x8xi32>
    %select_n3A_623 = arith.select %eq3A_620, %get3A_7, %broadcast_in_dim3A_622 : vector<128x8xi1>, vector<128x8xi32>
    %reduce_sum3A_624 = arith.constant dense<0> : vector<128xi32>
    %reduce_sum3A_625 = vector.multi_reduction <add>, %select_n3A_623, %reduce_sum3A_624 [1] : vector<128x8xi32> to vector<128xi32>
    %broadcast_in_dim3A_626 = vector.shape_cast %reduce_sum3A_625 : vector<128xi32> to vector<128x1xi32>
    %mul3A_627 = arith.constant 32 : i32
    %mul3A_628 = vector.broadcast %mul3A_627 : i32 to vector<128x1xi32>
    %mul3A_629 = arith.muli %sub3A_618, %mul3A_628 : vector<128x1xi32>
    %add3A_630 = arith.addi %select_n3A_552, %mul3A_629 : vector<128x1xi32>
    %min3A_631 = arith.constant 31 : i32
    %min3A_632 = vector.broadcast %min3A_631 : i32 to vector<128x1xi32>
    %min3A_633 = arith.minsi %broadcast_in_dim3A_626, %min3A_632 : vector<128x1xi32>
    %mul3A_634 = arith.constant 512 : i32
    %mul3A_635 = vector.broadcast %mul3A_634 : i32 to vector<128x1xi32>
    %mul3A_636 = arith.muli %min3A_633, %mul3A_635 : vector<128x1xi32>
    %add3A_637 = arith.addi %add3A_630, %mul3A_636 : vector<128x1xi32>
    %mul3A_638 = arith.constant 512 : i32
    %mul3A_639 = vector.broadcast %mul3A_638 : i32 to vector<128x1xi32>
    %mul3A_640 = arith.muli %broadcast_in_dim3A_626, %mul3A_639 : vector<128x1xi32>
    %mul3A_641 = arith.constant 32 : i32
    %mul3A_642 = vector.broadcast %mul3A_641 : i32 to vector<128x1xi32>
    %mul3A_643 = arith.muli %sub3A_618, %mul3A_642 : vector<128x1xi32>
    %add3A_644 = arith.addi %mul3A_640, %mul3A_643 : vector<128x1xi32>
    %add3A_645 = arith.addi %add3A_644, %select_n3A_552 : vector<128x1xi32>
    %reduce_max3A_646 = arith.constant dense<0xFF800000> : vector<128xf32>
    %reduce_max3A_647 = vector.multi_reduction <maximumf>, %select_n3A_530, %reduce_max3A_646 [1] : vector<128x8192xf32> to vector<128xf32>
    %broadcast_in_dim3A_648 = vector.shape_cast %reduce_max3A_647 : vector<128xf32> to vector<128x1xf32>
    %eq3A_649 = vector.broadcast %broadcast_in_dim3A_648 : vector<128x1xf32> to vector<128x8192xf32>
    %eq3A_650 = arith.cmpf oeq, %select_n3A_530, %eq3A_649 : vector<128x8192xf32>
    %jit3A_651 = arith.constant -1 : i32
    %broadcast_in_dim3A_652 = vector.broadcast %jit3A_651 : i32 to vector<128x8192xi32>
    %select_n3A_653 = arith.select %eq3A_650, %select_n3A_119, %broadcast_in_dim3A_652 : vector<128x8192xi1>, vector<128x8192xi32>
    %reduce_max3A_654 = arith.constant dense<-2147483648> : vector<128xi32>
    %reduce_max3A_655 = vector.multi_reduction <maxsi>, %select_n3A_653, %reduce_max3A_654 [1] : vector<128x8192xi32> to vector<128xi32>
    %broadcast_in_dim3A_656 = vector.shape_cast %reduce_max3A_655 : vector<128xi32> to vector<128x1xi32>
    %eq3A_657 = vector.broadcast %broadcast_in_dim3A_656 : vector<128x1xi32> to vector<128x8192xi32>
    %eq3A_658 = arith.cmpi eq, %select_n3A_653, %eq3A_657 : vector<128x8192xi32>
    %jit3A_659 = arith.constant 0xFF800000 : f32
    %broadcast_in_dim3A_660 = vector.broadcast %jit3A_659 : f32 to vector<128x8192xf32>
    %select_n3A_661 = arith.select %eq3A_658, %broadcast_in_dim3A_660, %select_n3A_530 : vector<128x8192xi1>, vector<128x8192xf32>
    %jit3A_662 = arith.constant 32 : i32
    %eq3A_663 = arith.constant 0 : i32
    %eq3A_664 = arith.cmpi eq, %jit3A_662, %eq3A_663 : i32
    %jit3A_665 = arith.constant 1 : i32
    %select_n3A_666 = arith.select %eq3A_664, %jit3A_665, %jit3A_662 : i32
    %rem3A_667 = vector.broadcast %select_n3A_666 : i32 to vector<128x1xi32>
    %rem3A_668 = arith.remsi %broadcast_in_dim3A_656, %rem3A_667 : vector<128x1xi32>
    %ne3A_669 = arith.constant 0 : i32
    %ne3A_670 = vector.broadcast %ne3A_669 : i32 to vector<128x1xi32>
    %ne3A_671 = arith.cmpi ne, %rem3A_668, %ne3A_670 : vector<128x1xi32>
    %lt3A_672 = arith.constant 0 : i32
    %lt3A_673 = vector.broadcast %lt3A_672 : i32 to vector<128x1xi32>
    %lt3A_674 = arith.cmpi slt, %rem3A_668, %lt3A_673 : vector<128x1xi32>
    %lt3A_675 = arith.constant 0 : i32
    %lt3A_676 = arith.cmpi slt, %select_n3A_666, %lt3A_675 : i32
    %ne3A_677 = vector.broadcast %lt3A_676 : i1 to vector<128x1xi1>
    %ne3A_678 = vector.broadcast %ne3A_677 : vector<128x1xi1> to vector<128x1xi1>
    %ne3A_679 = arith.xori %lt3A_674, %ne3A_678 : vector<128x1xi1>
    %and3A_680 = arith.andi %ne3A_679, %ne3A_671 : vector<128x1xi1>
    %add3A_681 = vector.broadcast %select_n3A_666 : i32 to vector<128x1xi32>
    %add3A_682 = arith.addi %rem3A_668, %add3A_681 : vector<128x1xi32>
    %select_n3A_683 = arith.select %and3A_680, %add3A_682, %rem3A_668 : vector<128x1xi1>, vector<128x1xi32>
    %jit3A_684 = arith.constant 32 : i32
    %div3A_685 = vector.broadcast %jit3A_684 : i32 to vector<128x1xi32>
    %div3A_686 = arith.divsi %broadcast_in_dim3A_656, %div3A_685 : vector<128x1xi32>
    %sign3A_687 = arith.constant 0 : i32
    %sign3A_688 = vector.broadcast %sign3A_687 : i32 to vector<128x1xi32>
    %sign3A_689 = arith.cmpi sgt, %broadcast_in_dim3A_656, %sign3A_688 : vector<128x1xi32>
    %sign3A_690 = arith.extui %sign3A_689 : vector<128x1xi1> to vector<128x1xi32>
    %sign3A_691 = arith.constant 0 : i32
    %sign3A_692 = vector.broadcast %sign3A_691 : i32 to vector<128x1xi32>
    %sign3A_693 = arith.cmpi slt, %broadcast_in_dim3A_656, %sign3A_692 : vector<128x1xi32>
    %sign3A_694 = arith.extui %sign3A_693 : vector<128x1xi1> to vector<128x1xi32>
    %sign3A_695 = arith.subi %sign3A_690, %sign3A_694 : vector<128x1xi32>
    %sign3A_696 = arith.constant 0 : i32
    %sign3A_697 = arith.cmpi sgt, %jit3A_684, %sign3A_696 : i32
    %sign3A_698 = arith.extui %sign3A_697 : i1 to i32
    %sign3A_699 = arith.constant 0 : i32
    %sign3A_700 = arith.cmpi slt, %jit3A_684, %sign3A_699 : i32
    %sign3A_701 = arith.extui %sign3A_700 : i1 to i32
    %sign3A_702 = arith.subi %sign3A_698, %sign3A_701 : i32
    %ne3A_703 = vector.broadcast %sign3A_702 : i32 to vector<128x1xi32>
    %ne3A_704 = arith.cmpi ne, %sign3A_695, %ne3A_703 : vector<128x1xi32>
    %rem3A_705 = vector.broadcast %jit3A_684 : i32 to vector<128x1xi32>
    %rem3A_706 = arith.remsi %broadcast_in_dim3A_656, %rem3A_705 : vector<128x1xi32>
    %ne3A_707 = arith.constant 0 : i32
    %ne3A_708 = vector.broadcast %ne3A_707 : i32 to vector<128x1xi32>
    %ne3A_709 = arith.cmpi ne, %rem3A_706, %ne3A_708 : vector<128x1xi32>
    %and3A_710 = arith.andi %ne3A_704, %ne3A_709 : vector<128x1xi1>
    %sub3A_711 = arith.constant 1 : i32
    %sub3A_712 = vector.broadcast %sub3A_711 : i32 to vector<128x1xi32>
    %sub3A_713 = arith.subi %div3A_686, %sub3A_712 : vector<128x1xi32>
    %select_n3A_714 = arith.select %and3A_710, %sub3A_713, %div3A_686 : vector<128x1xi1>, vector<128x1xi32>
    %jit3A_715 = arith.constant 16 : i32
    %div3A_716 = vector.broadcast %jit3A_715 : i32 to vector<128x1xi32>
    %div3A_717 = arith.divsi %select_n3A_714, %div3A_716 : vector<128x1xi32>
    %sign3A_718 = arith.constant 0 : i32
    %sign3A_719 = vector.broadcast %sign3A_718 : i32 to vector<128x1xi32>
    %sign3A_720 = arith.cmpi sgt, %select_n3A_714, %sign3A_719 : vector<128x1xi32>
    %sign3A_721 = arith.extui %sign3A_720 : vector<128x1xi1> to vector<128x1xi32>
    %sign3A_722 = arith.constant 0 : i32
    %sign3A_723 = vector.broadcast %sign3A_722 : i32 to vector<128x1xi32>
    %sign3A_724 = arith.cmpi slt, %select_n3A_714, %sign3A_723 : vector<128x1xi32>
    %sign3A_725 = arith.extui %sign3A_724 : vector<128x1xi1> to vector<128x1xi32>
    %sign3A_726 = arith.subi %sign3A_721, %sign3A_725 : vector<128x1xi32>
    %sign3A_727 = arith.constant 0 : i32
    %sign3A_728 = arith.cmpi sgt, %jit3A_715, %sign3A_727 : i32
    %sign3A_729 = arith.extui %sign3A_728 : i1 to i32
    %sign3A_730 = arith.constant 0 : i32
    %sign3A_731 = arith.cmpi slt, %jit3A_715, %sign3A_730 : i32
    %sign3A_732 = arith.extui %sign3A_731 : i1 to i32
    %sign3A_733 = arith.subi %sign3A_729, %sign3A_732 : i32
    %ne3A_734 = vector.broadcast %sign3A_733 : i32 to vector<128x1xi32>
    %ne3A_735 = arith.cmpi ne, %sign3A_726, %ne3A_734 : vector<128x1xi32>
    %rem3A_736 = vector.broadcast %jit3A_715 : i32 to vector<128x1xi32>
    %rem3A_737 = arith.remsi %select_n3A_714, %rem3A_736 : vector<128x1xi32>
    %ne3A_738 = arith.constant 0 : i32
    %ne3A_739 = vector.broadcast %ne3A_738 : i32 to vector<128x1xi32>
    %ne3A_740 = arith.cmpi ne, %rem3A_737, %ne3A_739 : vector<128x1xi32>
    %and3A_741 = arith.andi %ne3A_735, %ne3A_740 : vector<128x1xi1>
    %sub3A_742 = arith.constant 1 : i32
    %sub3A_743 = vector.broadcast %sub3A_742 : i32 to vector<128x1xi32>
    %sub3A_744 = arith.subi %div3A_717, %sub3A_743 : vector<128x1xi32>
    %select_n3A_745 = arith.select %and3A_741, %sub3A_744, %div3A_717 : vector<128x1xi1>, vector<128x1xi32>
    %mul3A_746 = arith.constant 16 : i32
    %mul3A_747 = vector.broadcast %mul3A_746 : i32 to vector<128x1xi32>
    %mul3A_748 = arith.muli %select_n3A_745, %mul3A_747 : vector<128x1xi32>
    %sub3A_749 = arith.subi %select_n3A_714, %mul3A_748 : vector<128x1xi32>
    %eq3A_750 = vector.broadcast %select_n3A_745 : vector<128x1xi32> to vector<128x8xi32>
    %eq3A_751 = arith.cmpi eq, %iota3A_125, %eq3A_750 : vector<128x8xi32>
    %jit3A_752 = arith.constant 0 : i32
    %broadcast_in_dim3A_753 = vector.broadcast %jit3A_752 : i32 to vector<128x8xi32>
    %select_n3A_754 = arith.select %eq3A_751, %get3A_7, %broadcast_in_dim3A_753 : vector<128x8xi1>, vector<128x8xi32>
    %reduce_sum3A_755 = arith.constant dense<0> : vector<128xi32>
    %reduce_sum3A_756 = vector.multi_reduction <add>, %select_n3A_754, %reduce_sum3A_755 [1] : vector<128x8xi32> to vector<128xi32>
    %broadcast_in_dim3A_757 = vector.shape_cast %reduce_sum3A_756 : vector<128xi32> to vector<128x1xi32>
    %mul3A_758 = arith.constant 32 : i32
    %mul3A_759 = vector.broadcast %mul3A_758 : i32 to vector<128x1xi32>
    %mul3A_760 = arith.muli %sub3A_749, %mul3A_759 : vector<128x1xi32>
    %add3A_761 = arith.addi %select_n3A_683, %mul3A_760 : vector<128x1xi32>
    %min3A_762 = arith.constant 31 : i32
    %min3A_763 = vector.broadcast %min3A_762 : i32 to vector<128x1xi32>
    %min3A_764 = arith.minsi %broadcast_in_dim3A_757, %min3A_763 : vector<128x1xi32>
    %mul3A_765 = arith.constant 512 : i32
    %mul3A_766 = vector.broadcast %mul3A_765 : i32 to vector<128x1xi32>
    %mul3A_767 = arith.muli %min3A_764, %mul3A_766 : vector<128x1xi32>
    %add3A_768 = arith.addi %add3A_761, %mul3A_767 : vector<128x1xi32>
    %mul3A_769 = arith.constant 512 : i32
    %mul3A_770 = vector.broadcast %mul3A_769 : i32 to vector<128x1xi32>
    %mul3A_771 = arith.muli %broadcast_in_dim3A_757, %mul3A_770 : vector<128x1xi32>
    %mul3A_772 = arith.constant 32 : i32
    %mul3A_773 = vector.broadcast %mul3A_772 : i32 to vector<128x1xi32>
    %mul3A_774 = arith.muli %sub3A_749, %mul3A_773 : vector<128x1xi32>
    %add3A_775 = arith.addi %mul3A_771, %mul3A_774 : vector<128x1xi32>
    %add3A_776 = arith.addi %add3A_775, %select_n3A_683 : vector<128x1xi32>
    %reduce_max3A_777 = arith.constant dense<0xFF800000> : vector<128xf32>
    %reduce_max3A_778 = vector.multi_reduction <maximumf>, %select_n3A_661, %reduce_max3A_777 [1] : vector<128x8192xf32> to vector<128xf32>
    %broadcast_in_dim3A_779 = vector.shape_cast %reduce_max3A_778 : vector<128xf32> to vector<128x1xf32>
    %eq3A_780 = vector.broadcast %broadcast_in_dim3A_779 : vector<128x1xf32> to vector<128x8192xf32>
    %eq3A_781 = arith.cmpf oeq, %select_n3A_661, %eq3A_780 : vector<128x8192xf32>
    %jit3A_782 = arith.constant -1 : i32
    %broadcast_in_dim3A_783 = vector.broadcast %jit3A_782 : i32 to vector<128x8192xi32>
    %select_n3A_784 = arith.select %eq3A_781, %select_n3A_119, %broadcast_in_dim3A_783 : vector<128x8192xi1>, vector<128x8192xi32>
    %reduce_max3A_785 = arith.constant dense<-2147483648> : vector<128xi32>
    %reduce_max3A_786 = vector.multi_reduction <maxsi>, %select_n3A_784, %reduce_max3A_785 [1] : vector<128x8192xi32> to vector<128xi32>
    %broadcast_in_dim3A_787 = vector.shape_cast %reduce_max3A_786 : vector<128xi32> to vector<128x1xi32>
    %eq3A_788 = vector.broadcast %broadcast_in_dim3A_787 : vector<128x1xi32> to vector<128x8192xi32>
    %eq3A_789 = arith.cmpi eq, %select_n3A_784, %eq3A_788 : vector<128x8192xi32>
    %jit3A_790 = arith.constant 0xFF800000 : f32
    %broadcast_in_dim3A_791 = vector.broadcast %jit3A_790 : f32 to vector<128x8192xf32>
    %select_n3A_792 = arith.select %eq3A_789, %broadcast_in_dim3A_791, %select_n3A_661 : vector<128x8192xi1>, vector<128x8192xf32>
    %jit3A_793 = arith.constant 32 : i32
    %eq3A_794 = arith.constant 0 : i32
    %eq3A_795 = arith.cmpi eq, %jit3A_793, %eq3A_794 : i32
    %jit3A_796 = arith.constant 1 : i32
    %select_n3A_797 = arith.select %eq3A_795, %jit3A_796, %jit3A_793 : i32
    %rem3A_798 = vector.broadcast %select_n3A_797 : i32 to vector<128x1xi32>
    %rem3A_799 = arith.remsi %broadcast_in_dim3A_787, %rem3A_798 : vector<128x1xi32>
    %ne3A_800 = arith.constant 0 : i32
    %ne3A_801 = vector.broadcast %ne3A_800 : i32 to vector<128x1xi32>
    %ne3A_802 = arith.cmpi ne, %rem3A_799, %ne3A_801 : vector<128x1xi32>
    %lt3A_803 = arith.constant 0 : i32
    %lt3A_804 = vector.broadcast %lt3A_803 : i32 to vector<128x1xi32>
    %lt3A_805 = arith.cmpi slt, %rem3A_799, %lt3A_804 : vector<128x1xi32>
    %lt3A_806 = arith.constant 0 : i32
    %lt3A_807 = arith.cmpi slt, %select_n3A_797, %lt3A_806 : i32
    %ne3A_808 = vector.broadcast %lt3A_807 : i1 to vector<128x1xi1>
    %ne3A_809 = vector.broadcast %ne3A_808 : vector<128x1xi1> to vector<128x1xi1>
    %ne3A_810 = arith.xori %lt3A_805, %ne3A_809 : vector<128x1xi1>
    %and3A_811 = arith.andi %ne3A_810, %ne3A_802 : vector<128x1xi1>
    %add3A_812 = vector.broadcast %select_n3A_797 : i32 to vector<128x1xi32>
    %add3A_813 = arith.addi %rem3A_799, %add3A_812 : vector<128x1xi32>
    %select_n3A_814 = arith.select %and3A_811, %add3A_813, %rem3A_799 : vector<128x1xi1>, vector<128x1xi32>
    %jit3A_815 = arith.constant 32 : i32
    %div3A_816 = vector.broadcast %jit3A_815 : i32 to vector<128x1xi32>
    %div3A_817 = arith.divsi %broadcast_in_dim3A_787, %div3A_816 : vector<128x1xi32>
    %sign3A_818 = arith.constant 0 : i32
    %sign3A_819 = vector.broadcast %sign3A_818 : i32 to vector<128x1xi32>
    %sign3A_820 = arith.cmpi sgt, %broadcast_in_dim3A_787, %sign3A_819 : vector<128x1xi32>
    %sign3A_821 = arith.extui %sign3A_820 : vector<128x1xi1> to vector<128x1xi32>
    %sign3A_822 = arith.constant 0 : i32
    %sign3A_823 = vector.broadcast %sign3A_822 : i32 to vector<128x1xi32>
    %sign3A_824 = arith.cmpi slt, %broadcast_in_dim3A_787, %sign3A_823 : vector<128x1xi32>
    %sign3A_825 = arith.extui %sign3A_824 : vector<128x1xi1> to vector<128x1xi32>
    %sign3A_826 = arith.subi %sign3A_821, %sign3A_825 : vector<128x1xi32>
    %sign3A_827 = arith.constant 0 : i32
    %sign3A_828 = arith.cmpi sgt, %jit3A_815, %sign3A_827 : i32
    %sign3A_829 = arith.extui %sign3A_828 : i1 to i32
    %sign3A_830 = arith.constant 0 : i32
    %sign3A_831 = arith.cmpi slt, %jit3A_815, %sign3A_830 : i32
    %sign3A_832 = arith.extui %sign3A_831 : i1 to i32
    %sign3A_833 = arith.subi %sign3A_829, %sign3A_832 : i32
    %ne3A_834 = vector.broadcast %sign3A_833 : i32 to vector<128x1xi32>
    %ne3A_835 = arith.cmpi ne, %sign3A_826, %ne3A_834 : vector<128x1xi32>
    %rem3A_836 = vector.broadcast %jit3A_815 : i32 to vector<128x1xi32>
    %rem3A_837 = arith.remsi %broadcast_in_dim3A_787, %rem3A_836 : vector<128x1xi32>
    %ne3A_838 = arith.constant 0 : i32
    %ne3A_839 = vector.broadcast %ne3A_838 : i32 to vector<128x1xi32>
    %ne3A_840 = arith.cmpi ne, %rem3A_837, %ne3A_839 : vector<128x1xi32>
    %and3A_841 = arith.andi %ne3A_835, %ne3A_840 : vector<128x1xi1>
    %sub3A_842 = arith.constant 1 : i32
    %sub3A_843 = vector.broadcast %sub3A_842 : i32 to vector<128x1xi32>
    %sub3A_844 = arith.subi %div3A_817, %sub3A_843 : vector<128x1xi32>
    %select_n3A_845 = arith.select %and3A_841, %sub3A_844, %div3A_817 : vector<128x1xi1>, vector<128x1xi32>
    %jit3A_846 = arith.constant 16 : i32
    %div3A_847 = vector.broadcast %jit3A_846 : i32 to vector<128x1xi32>
    %div3A_848 = arith.divsi %select_n3A_845, %div3A_847 : vector<128x1xi32>
    %sign3A_849 = arith.constant 0 : i32
    %sign3A_850 = vector.broadcast %sign3A_849 : i32 to vector<128x1xi32>
    %sign3A_851 = arith.cmpi sgt, %select_n3A_845, %sign3A_850 : vector<128x1xi32>
    %sign3A_852 = arith.extui %sign3A_851 : vector<128x1xi1> to vector<128x1xi32>
    %sign3A_853 = arith.constant 0 : i32
    %sign3A_854 = vector.broadcast %sign3A_853 : i32 to vector<128x1xi32>
    %sign3A_855 = arith.cmpi slt, %select_n3A_845, %sign3A_854 : vector<128x1xi32>
    %sign3A_856 = arith.extui %sign3A_855 : vector<128x1xi1> to vector<128x1xi32>
    %sign3A_857 = arith.subi %sign3A_852, %sign3A_856 : vector<128x1xi32>
    %sign3A_858 = arith.constant 0 : i32
    %sign3A_859 = arith.cmpi sgt, %jit3A_846, %sign3A_858 : i32
    %sign3A_860 = arith.extui %sign3A_859 : i1 to i32
    %sign3A_861 = arith.constant 0 : i32
    %sign3A_862 = arith.cmpi slt, %jit3A_846, %sign3A_861 : i32
    %sign3A_863 = arith.extui %sign3A_862 : i1 to i32
    %sign3A_864 = arith.subi %sign3A_860, %sign3A_863 : i32
    %ne3A_865 = vector.broadcast %sign3A_864 : i32 to vector<128x1xi32>
    %ne3A_866 = arith.cmpi ne, %sign3A_857, %ne3A_865 : vector<128x1xi32>
    %rem3A_867 = vector.broadcast %jit3A_846 : i32 to vector<128x1xi32>
    %rem3A_868 = arith.remsi %select_n3A_845, %rem3A_867 : vector<128x1xi32>
    %ne3A_869 = arith.constant 0 : i32
    %ne3A_870 = vector.broadcast %ne3A_869 : i32 to vector<128x1xi32>
    %ne3A_871 = arith.cmpi ne, %rem3A_868, %ne3A_870 : vector<128x1xi32>
    %and3A_872 = arith.andi %ne3A_866, %ne3A_871 : vector<128x1xi1>
    %sub3A_873 = arith.constant 1 : i32
    %sub3A_874 = vector.broadcast %sub3A_873 : i32 to vector<128x1xi32>
    %sub3A_875 = arith.subi %div3A_848, %sub3A_874 : vector<128x1xi32>
    %select_n3A_876 = arith.select %and3A_872, %sub3A_875, %div3A_848 : vector<128x1xi1>, vector<128x1xi32>
    %mul3A_877 = arith.constant 16 : i32
    %mul3A_878 = vector.broadcast %mul3A_877 : i32 to vector<128x1xi32>
    %mul3A_879 = arith.muli %select_n3A_876, %mul3A_878 : vector<128x1xi32>
    %sub3A_880 = arith.subi %select_n3A_845, %mul3A_879 : vector<128x1xi32>
    %eq3A_881 = vector.broadcast %select_n3A_876 : vector<128x1xi32> to vector<128x8xi32>
    %eq3A_882 = arith.cmpi eq, %iota3A_125, %eq3A_881 : vector<128x8xi32>
    %jit3A_883 = arith.constant 0 : i32
    %broadcast_in_dim3A_884 = vector.broadcast %jit3A_883 : i32 to vector<128x8xi32>
    %select_n3A_885 = arith.select %eq3A_882, %get3A_7, %broadcast_in_dim3A_884 : vector<128x8xi1>, vector<128x8xi32>
    %reduce_sum3A_886 = arith.constant dense<0> : vector<128xi32>
    %reduce_sum3A_887 = vector.multi_reduction <add>, %select_n3A_885, %reduce_sum3A_886 [1] : vector<128x8xi32> to vector<128xi32>
    %broadcast_in_dim3A_888 = vector.shape_cast %reduce_sum3A_887 : vector<128xi32> to vector<128x1xi32>
    %mul3A_889 = arith.constant 32 : i32
    %mul3A_890 = vector.broadcast %mul3A_889 : i32 to vector<128x1xi32>
    %mul3A_891 = arith.muli %sub3A_880, %mul3A_890 : vector<128x1xi32>
    %add3A_892 = arith.addi %select_n3A_814, %mul3A_891 : vector<128x1xi32>
    %min3A_893 = arith.constant 31 : i32
    %min3A_894 = vector.broadcast %min3A_893 : i32 to vector<128x1xi32>
    %min3A_895 = arith.minsi %broadcast_in_dim3A_888, %min3A_894 : vector<128x1xi32>
    %mul3A_896 = arith.constant 512 : i32
    %mul3A_897 = vector.broadcast %mul3A_896 : i32 to vector<128x1xi32>
    %mul3A_898 = arith.muli %min3A_895, %mul3A_897 : vector<128x1xi32>
    %add3A_899 = arith.addi %add3A_892, %mul3A_898 : vector<128x1xi32>
    %mul3A_900 = arith.constant 512 : i32
    %mul3A_901 = vector.broadcast %mul3A_900 : i32 to vector<128x1xi32>
    %mul3A_902 = arith.muli %broadcast_in_dim3A_888, %mul3A_901 : vector<128x1xi32>
    %mul3A_903 = arith.constant 32 : i32
    %mul3A_904 = vector.broadcast %mul3A_903 : i32 to vector<128x1xi32>
    %mul3A_905 = arith.muli %sub3A_880, %mul3A_904 : vector<128x1xi32>
    %add3A_906 = arith.addi %mul3A_902, %mul3A_905 : vector<128x1xi32>
    %add3A_907 = arith.addi %add3A_906, %select_n3A_814 : vector<128x1xi32>
    %reduce_max3A_908 = arith.constant dense<0xFF800000> : vector<128xf32>
    %reduce_max3A_909 = vector.multi_reduction <maximumf>, %select_n3A_792, %reduce_max3A_908 [1] : vector<128x8192xf32> to vector<128xf32>
    %broadcast_in_dim3A_910 = vector.shape_cast %reduce_max3A_909 : vector<128xf32> to vector<128x1xf32>
    %eq3A_911 = vector.broadcast %broadcast_in_dim3A_910 : vector<128x1xf32> to vector<128x8192xf32>
    %eq3A_912 = arith.cmpf oeq, %select_n3A_792, %eq3A_911 : vector<128x8192xf32>
    %jit3A_913 = arith.constant -1 : i32
    %broadcast_in_dim3A_914 = vector.broadcast %jit3A_913 : i32 to vector<128x8192xi32>
    %select_n3A_915 = arith.select %eq3A_912, %select_n3A_119, %broadcast_in_dim3A_914 : vector<128x8192xi1>, vector<128x8192xi32>
    %reduce_max3A_916 = arith.constant dense<-2147483648> : vector<128xi32>
    %reduce_max3A_917 = vector.multi_reduction <maxsi>, %select_n3A_915, %reduce_max3A_916 [1] : vector<128x8192xi32> to vector<128xi32>
    %broadcast_in_dim3A_918 = vector.shape_cast %reduce_max3A_917 : vector<128xi32> to vector<128x1xi32>
    %eq3A_919 = vector.broadcast %broadcast_in_dim3A_918 : vector<128x1xi32> to vector<128x8192xi32>
    %eq3A_920 = arith.cmpi eq, %select_n3A_915, %eq3A_919 : vector<128x8192xi32>
    %jit3A_921 = arith.constant 0xFF800000 : f32
    %broadcast_in_dim3A_922 = vector.broadcast %jit3A_921 : f32 to vector<128x8192xf32>
    %select_n3A_923 = arith.select %eq3A_920, %broadcast_in_dim3A_922, %select_n3A_792 : vector<128x8192xi1>, vector<128x8192xf32>
    %jit3A_924 = arith.constant 32 : i32
    %eq3A_925 = arith.constant 0 : i32
    %eq3A_926 = arith.cmpi eq, %jit3A_924, %eq3A_925 : i32
    %jit3A_927 = arith.constant 1 : i32
    %select_n3A_928 = arith.select %eq3A_926, %jit3A_927, %jit3A_924 : i32
    %rem3A_929 = vector.broadcast %select_n3A_928 : i32 to vector<128x1xi32>
    %rem3A_930 = arith.remsi %broadcast_in_dim3A_918, %rem3A_929 : vector<128x1xi32>
    %ne3A_931 = arith.constant 0 : i32
    %ne3A_932 = vector.broadcast %ne3A_931 : i32 to vector<128x1xi32>
    %ne3A_933 = arith.cmpi ne, %rem3A_930, %ne3A_932 : vector<128x1xi32>
    %lt3A_934 = arith.constant 0 : i32
    %lt3A_935 = vector.broadcast %lt3A_934 : i32 to vector<128x1xi32>
    %lt3A_936 = arith.cmpi slt, %rem3A_930, %lt3A_935 : vector<128x1xi32>
    %lt3A_937 = arith.constant 0 : i32
    %lt3A_938 = arith.cmpi slt, %select_n3A_928, %lt3A_937 : i32
    %ne3A_939 = vector.broadcast %lt3A_938 : i1 to vector<128x1xi1>
    %ne3A_940 = vector.broadcast %ne3A_939 : vector<128x1xi1> to vector<128x1xi1>
    %ne3A_941 = arith.xori %lt3A_936, %ne3A_940 : vector<128x1xi1>
    %and3A_942 = arith.andi %ne3A_941, %ne3A_933 : vector<128x1xi1>
    %add3A_943 = vector.broadcast %select_n3A_928 : i32 to vector<128x1xi32>
    %add3A_944 = arith.addi %rem3A_930, %add3A_943 : vector<128x1xi32>
    %select_n3A_945 = arith.select %and3A_942, %add3A_944, %rem3A_930 : vector<128x1xi1>, vector<128x1xi32>
    %jit3A_946 = arith.constant 32 : i32
    %div3A_947 = vector.broadcast %jit3A_946 : i32 to vector<128x1xi32>
    %div3A_948 = arith.divsi %broadcast_in_dim3A_918, %div3A_947 : vector<128x1xi32>
    %sign3A_949 = arith.constant 0 : i32
    %sign3A_950 = vector.broadcast %sign3A_949 : i32 to vector<128x1xi32>
    %sign3A_951 = arith.cmpi sgt, %broadcast_in_dim3A_918, %sign3A_950 : vector<128x1xi32>
    %sign3A_952 = arith.extui %sign3A_951 : vector<128x1xi1> to vector<128x1xi32>
    %sign3A_953 = arith.constant 0 : i32
    %sign3A_954 = vector.broadcast %sign3A_953 : i32 to vector<128x1xi32>
    %sign3A_955 = arith.cmpi slt, %broadcast_in_dim3A_918, %sign3A_954 : vector<128x1xi32>
    %sign3A_956 = arith.extui %sign3A_955 : vector<128x1xi1> to vector<128x1xi32>
    %sign3A_957 = arith.subi %sign3A_952, %sign3A_956 : vector<128x1xi32>
    %sign3A_958 = arith.constant 0 : i32
    %sign3A_959 = arith.cmpi sgt, %jit3A_946, %sign3A_958 : i32
    %sign3A_960 = arith.extui %sign3A_959 : i1 to i32
    %sign3A_961 = arith.constant 0 : i32
    %sign3A_962 = arith.cmpi slt, %jit3A_946, %sign3A_961 : i32
    %sign3A_963 = arith.extui %sign3A_962 : i1 to i32
    %sign3A_964 = arith.subi %sign3A_960, %sign3A_963 : i32
    %ne3A_965 = vector.broadcast %sign3A_964 : i32 to vector<128x1xi32>
    %ne3A_966 = arith.cmpi ne, %sign3A_957, %ne3A_965 : vector<128x1xi32>
    %rem3A_967 = vector.broadcast %jit3A_946 : i32 to vector<128x1xi32>
    %rem3A_968 = arith.remsi %broadcast_in_dim3A_918, %rem3A_967 : vector<128x1xi32>
    %ne3A_969 = arith.constant 0 : i32
    %ne3A_970 = vector.broadcast %ne3A_969 : i32 to vector<128x1xi32>
    %ne3A_971 = arith.cmpi ne, %rem3A_968, %ne3A_970 : vector<128x1xi32>
    %and3A_972 = arith.andi %ne3A_966, %ne3A_971 : vector<128x1xi1>
    %sub3A_973 = arith.constant 1 : i32
    %sub3A_974 = vector.broadcast %sub3A_973 : i32 to vector<128x1xi32>
    %sub3A_975 = arith.subi %div3A_948, %sub3A_974 : vector<128x1xi32>
    %select_n3A_976 = arith.select %and3A_972, %sub3A_975, %div3A_948 : vector<128x1xi1>, vector<128x1xi32>
    %jit3A_977 = arith.constant 16 : i32
    %div3A_978 = vector.broadcast %jit3A_977 : i32 to vector<128x1xi32>
    %div3A_979 = arith.divsi %select_n3A_976, %div3A_978 : vector<128x1xi32>
    %sign3A_980 = arith.constant 0 : i32
    %sign3A_981 = vector.broadcast %sign3A_980 : i32 to vector<128x1xi32>
    %sign3A_982 = arith.cmpi sgt, %select_n3A_976, %sign3A_981 : vector<128x1xi32>
    %sign3A_983 = arith.extui %sign3A_982 : vector<128x1xi1> to vector<128x1xi32>
    %sign3A_984 = arith.constant 0 : i32
    %sign3A_985 = vector.broadcast %sign3A_984 : i32 to vector<128x1xi32>
    %sign3A_986 = arith.cmpi slt, %select_n3A_976, %sign3A_985 : vector<128x1xi32>
    %sign3A_987 = arith.extui %sign3A_986 : vector<128x1xi1> to vector<128x1xi32>
    %sign3A_988 = arith.subi %sign3A_983, %sign3A_987 : vector<128x1xi32>
    %sign3A_989 = arith.constant 0 : i32
    %sign3A_990 = arith.cmpi sgt, %jit3A_977, %sign3A_989 : i32
    %sign3A_991 = arith.extui %sign3A_990 : i1 to i32
    %sign3A_992 = arith.constant 0 : i32
    %sign3A_993 = arith.cmpi slt, %jit3A_977, %sign3A_992 : i32
    %sign3A_994 = arith.extui %sign3A_993 : i1 to i32
    %sign3A_995 = arith.subi %sign3A_991, %sign3A_994 : i32
    %ne3A_996 = vector.broadcast %sign3A_995 : i32 to vector<128x1xi32>
    %ne3A_997 = arith.cmpi ne, %sign3A_988, %ne3A_996 : vector<128x1xi32>
    %rem3A_998 = vector.broadcast %jit3A_977 : i32 to vector<128x1xi32>
    %rem3A_999 = arith.remsi %select_n3A_976, %rem3A_998 : vector<128x1xi32>
    %ne3A_1000 = arith.constant 0 : i32
    %ne3A_1001 = vector.broadcast %ne3A_1000 : i32 to vector<128x1xi32>
    %ne3A_1002 = arith.cmpi ne, %rem3A_999, %ne3A_1001 : vector<128x1xi32>
    %and3A_1003 = arith.andi %ne3A_997, %ne3A_1002 : vector<128x1xi1>
    %sub3A_1004 = arith.constant 1 : i32
    %sub3A_1005 = vector.broadcast %sub3A_1004 : i32 to vector<128x1xi32>
    %sub3A_1006 = arith.subi %div3A_979, %sub3A_1005 : vector<128x1xi32>
    %select_n3A_1007 = arith.select %and3A_1003, %sub3A_1006, %div3A_979 : vector<128x1xi1>, vector<128x1xi32>
    %mul3A_1008 = arith.constant 16 : i32
    %mul3A_1009 = vector.broadcast %mul3A_1008 : i32 to vector<128x1xi32>
    %mul3A_1010 = arith.muli %select_n3A_1007, %mul3A_1009 : vector<128x1xi32>
    %sub3A_1011 = arith.subi %select_n3A_976, %mul3A_1010 : vector<128x1xi32>
    %eq3A_1012 = vector.broadcast %select_n3A_1007 : vector<128x1xi32> to vector<128x8xi32>
    %eq3A_1013 = arith.cmpi eq, %iota3A_125, %eq3A_1012 : vector<128x8xi32>
    %jit3A_1014 = arith.constant 0 : i32
    %broadcast_in_dim3A_1015 = vector.broadcast %jit3A_1014 : i32 to vector<128x8xi32>
    %select_n3A_1016 = arith.select %eq3A_1013, %get3A_7, %broadcast_in_dim3A_1015 : vector<128x8xi1>, vector<128x8xi32>
    %reduce_sum3A_1017 = arith.constant dense<0> : vector<128xi32>
    %reduce_sum3A_1018 = vector.multi_reduction <add>, %select_n3A_1016, %reduce_sum3A_1017 [1] : vector<128x8xi32> to vector<128xi32>
    %broadcast_in_dim3A_1019 = vector.shape_cast %reduce_sum3A_1018 : vector<128xi32> to vector<128x1xi32>
    %mul3A_1020 = arith.constant 32 : i32
    %mul3A_1021 = vector.broadcast %mul3A_1020 : i32 to vector<128x1xi32>
    %mul3A_1022 = arith.muli %sub3A_1011, %mul3A_1021 : vector<128x1xi32>
    %add3A_1023 = arith.addi %select_n3A_945, %mul3A_1022 : vector<128x1xi32>
    %min3A_1024 = arith.constant 31 : i32
    %min3A_1025 = vector.broadcast %min3A_1024 : i32 to vector<128x1xi32>
    %min3A_1026 = arith.minsi %broadcast_in_dim3A_1019, %min3A_1025 : vector<128x1xi32>
    %mul3A_1027 = arith.constant 512 : i32
    %mul3A_1028 = vector.broadcast %mul3A_1027 : i32 to vector<128x1xi32>
    %mul3A_1029 = arith.muli %min3A_1026, %mul3A_1028 : vector<128x1xi32>
    %add3A_1030 = arith.addi %add3A_1023, %mul3A_1029 : vector<128x1xi32>
    %mul3A_1031 = arith.constant 512 : i32
    %mul3A_1032 = vector.broadcast %mul3A_1031 : i32 to vector<128x1xi32>
    %mul3A_1033 = arith.muli %broadcast_in_dim3A_1019, %mul3A_1032 : vector<128x1xi32>
    %mul3A_1034 = arith.constant 32 : i32
    %mul3A_1035 = vector.broadcast %mul3A_1034 : i32 to vector<128x1xi32>
    %mul3A_1036 = arith.muli %sub3A_1011, %mul3A_1035 : vector<128x1xi32>
    %add3A_1037 = arith.addi %mul3A_1033, %mul3A_1036 : vector<128x1xi32>
    %add3A_1038 = arith.addi %add3A_1037, %select_n3A_945 : vector<128x1xi32>
    %reduce_max3A_1039 = arith.constant dense<0xFF800000> : vector<128xf32>
    %reduce_max3A_1040 = vector.multi_reduction <maximumf>, %select_n3A_923, %reduce_max3A_1039 [1] : vector<128x8192xf32> to vector<128xf32>
    %broadcast_in_dim3A_1041 = vector.shape_cast %reduce_max3A_1040 : vector<128xf32> to vector<128x1xf32>
    %eq3A_1042 = vector.broadcast %broadcast_in_dim3A_1041 : vector<128x1xf32> to vector<128x8192xf32>
    %eq3A_1043 = arith.cmpf oeq, %select_n3A_923, %eq3A_1042 : vector<128x8192xf32>
    %jit3A_1044 = arith.constant -1 : i32
    %broadcast_in_dim3A_1045 = vector.broadcast %jit3A_1044 : i32 to vector<128x8192xi32>
    %select_n3A_1046 = arith.select %eq3A_1043, %select_n3A_119, %broadcast_in_dim3A_1045 : vector<128x8192xi1>, vector<128x8192xi32>
    %reduce_max3A_1047 = arith.constant dense<-2147483648> : vector<128xi32>
    %reduce_max3A_1048 = vector.multi_reduction <maxsi>, %select_n3A_1046, %reduce_max3A_1047 [1] : vector<128x8192xi32> to vector<128xi32>
    %broadcast_in_dim3A_1049 = vector.shape_cast %reduce_max3A_1048 : vector<128xi32> to vector<128x1xi32>
    %eq3A_1050 = vector.broadcast %broadcast_in_dim3A_1049 : vector<128x1xi32> to vector<128x8192xi32>
    %eq3A_1051 = arith.cmpi eq, %select_n3A_1046, %eq3A_1050 : vector<128x8192xi32>
    %jit3A_1052 = arith.constant 0xFF800000 : f32
    %broadcast_in_dim3A_1053 = vector.broadcast %jit3A_1052 : f32 to vector<128x8192xf32>
    %select_n3A_1054 = arith.select %eq3A_1051, %broadcast_in_dim3A_1053, %select_n3A_923 : vector<128x8192xi1>, vector<128x8192xf32>
    %jit3A_1055 = arith.constant 32 : i32
    %eq3A_1056 = arith.constant 0 : i32
    %eq3A_1057 = arith.cmpi eq, %jit3A_1055, %eq3A_1056 : i32
    %jit3A_1058 = arith.constant 1 : i32
    %select_n3A_1059 = arith.select %eq3A_1057, %jit3A_1058, %jit3A_1055 : i32
    %rem3A_1060 = vector.broadcast %select_n3A_1059 : i32 to vector<128x1xi32>
    %rem3A_1061 = arith.remsi %broadcast_in_dim3A_1049, %rem3A_1060 : vector<128x1xi32>
    %ne3A_1062 = arith.constant 0 : i32
    %ne3A_1063 = vector.broadcast %ne3A_1062 : i32 to vector<128x1xi32>
    %ne3A_1064 = arith.cmpi ne, %rem3A_1061, %ne3A_1063 : vector<128x1xi32>
    %lt3A_1065 = arith.constant 0 : i32
    %lt3A_1066 = vector.broadcast %lt3A_1065 : i32 to vector<128x1xi32>
    %lt3A_1067 = arith.cmpi slt, %rem3A_1061, %lt3A_1066 : vector<128x1xi32>
    %lt3A_1068 = arith.constant 0 : i32
    %lt3A_1069 = arith.cmpi slt, %select_n3A_1059, %lt3A_1068 : i32
    %ne3A_1070 = vector.broadcast %lt3A_1069 : i1 to vector<128x1xi1>
    %ne3A_1071 = vector.broadcast %ne3A_1070 : vector<128x1xi1> to vector<128x1xi1>
    %ne3A_1072 = arith.xori %lt3A_1067, %ne3A_1071 : vector<128x1xi1>
    %and3A_1073 = arith.andi %ne3A_1072, %ne3A_1064 : vector<128x1xi1>
    %add3A_1074 = vector.broadcast %select_n3A_1059 : i32 to vector<128x1xi32>
    %add3A_1075 = arith.addi %rem3A_1061, %add3A_1074 : vector<128x1xi32>
    %select_n3A_1076 = arith.select %and3A_1073, %add3A_1075, %rem3A_1061 : vector<128x1xi1>, vector<128x1xi32>
    %jit3A_1077 = arith.constant 32 : i32
    %div3A_1078 = vector.broadcast %jit3A_1077 : i32 to vector<128x1xi32>
    %div3A_1079 = arith.divsi %broadcast_in_dim3A_1049, %div3A_1078 : vector<128x1xi32>
    %sign3A_1080 = arith.constant 0 : i32
    %sign3A_1081 = vector.broadcast %sign3A_1080 : i32 to vector<128x1xi32>
    %sign3A_1082 = arith.cmpi sgt, %broadcast_in_dim3A_1049, %sign3A_1081 : vector<128x1xi32>
    %sign3A_1083 = arith.extui %sign3A_1082 : vector<128x1xi1> to vector<128x1xi32>
    %sign3A_1084 = arith.constant 0 : i32
    %sign3A_1085 = vector.broadcast %sign3A_1084 : i32 to vector<128x1xi32>
    %sign3A_1086 = arith.cmpi slt, %broadcast_in_dim3A_1049, %sign3A_1085 : vector<128x1xi32>
    %sign3A_1087 = arith.extui %sign3A_1086 : vector<128x1xi1> to vector<128x1xi32>
    %sign3A_1088 = arith.subi %sign3A_1083, %sign3A_1087 : vector<128x1xi32>
    %sign3A_1089 = arith.constant 0 : i32
    %sign3A_1090 = arith.cmpi sgt, %jit3A_1077, %sign3A_1089 : i32
    %sign3A_1091 = arith.extui %sign3A_1090 : i1 to i32
    %sign3A_1092 = arith.constant 0 : i32
    %sign3A_1093 = arith.cmpi slt, %jit3A_1077, %sign3A_1092 : i32
    %sign3A_1094 = arith.extui %sign3A_1093 : i1 to i32
    %sign3A_1095 = arith.subi %sign3A_1091, %sign3A_1094 : i32
    %ne3A_1096 = vector.broadcast %sign3A_1095 : i32 to vector<128x1xi32>
    %ne3A_1097 = arith.cmpi ne, %sign3A_1088, %ne3A_1096 : vector<128x1xi32>
    %rem3A_1098 = vector.broadcast %jit3A_1077 : i32 to vector<128x1xi32>
    %rem3A_1099 = arith.remsi %broadcast_in_dim3A_1049, %rem3A_1098 : vector<128x1xi32>
    %ne3A_1100 = arith.constant 0 : i32
    %ne3A_1101 = vector.broadcast %ne3A_1100 : i32 to vector<128x1xi32>
    %ne3A_1102 = arith.cmpi ne, %rem3A_1099, %ne3A_1101 : vector<128x1xi32>
    %and3A_1103 = arith.andi %ne3A_1097, %ne3A_1102 : vector<128x1xi1>
    %sub3A_1104 = arith.constant 1 : i32
    %sub3A_1105 = vector.broadcast %sub3A_1104 : i32 to vector<128x1xi32>
    %sub3A_1106 = arith.subi %div3A_1079, %sub3A_1105 : vector<128x1xi32>
    %select_n3A_1107 = arith.select %and3A_1103, %sub3A_1106, %div3A_1079 : vector<128x1xi1>, vector<128x1xi32>
    %jit3A_1108 = arith.constant 16 : i32
    %div3A_1109 = vector.broadcast %jit3A_1108 : i32 to vector<128x1xi32>
    %div3A_1110 = arith.divsi %select_n3A_1107, %div3A_1109 : vector<128x1xi32>
    %sign3A_1111 = arith.constant 0 : i32
    %sign3A_1112 = vector.broadcast %sign3A_1111 : i32 to vector<128x1xi32>
    %sign3A_1113 = arith.cmpi sgt, %select_n3A_1107, %sign3A_1112 : vector<128x1xi32>
    %sign3A_1114 = arith.extui %sign3A_1113 : vector<128x1xi1> to vector<128x1xi32>
    %sign3A_1115 = arith.constant 0 : i32
    %sign3A_1116 = vector.broadcast %sign3A_1115 : i32 to vector<128x1xi32>
    %sign3A_1117 = arith.cmpi slt, %select_n3A_1107, %sign3A_1116 : vector<128x1xi32>
    %sign3A_1118 = arith.extui %sign3A_1117 : vector<128x1xi1> to vector<128x1xi32>
    %sign3A_1119 = arith.subi %sign3A_1114, %sign3A_1118 : vector<128x1xi32>
    %sign3A_1120 = arith.constant 0 : i32
    %sign3A_1121 = arith.cmpi sgt, %jit3A_1108, %sign3A_1120 : i32
    %sign3A_1122 = arith.extui %sign3A_1121 : i1 to i32
    %sign3A_1123 = arith.constant 0 : i32
    %sign3A_1124 = arith.cmpi slt, %jit3A_1108, %sign3A_1123 : i32
    %sign3A_1125 = arith.extui %sign3A_1124 : i1 to i32
    %sign3A_1126 = arith.subi %sign3A_1122, %sign3A_1125 : i32
    %ne3A_1127 = vector.broadcast %sign3A_1126 : i32 to vector<128x1xi32>
    %ne3A_1128 = arith.cmpi ne, %sign3A_1119, %ne3A_1127 : vector<128x1xi32>
    %rem3A_1129 = vector.broadcast %jit3A_1108 : i32 to vector<128x1xi32>
    %rem3A_1130 = arith.remsi %select_n3A_1107, %rem3A_1129 : vector<128x1xi32>
    %ne3A_1131 = arith.constant 0 : i32
    %ne3A_1132 = vector.broadcast %ne3A_1131 : i32 to vector<128x1xi32>
    %ne3A_1133 = arith.cmpi ne, %rem3A_1130, %ne3A_1132 : vector<128x1xi32>
    %and3A_1134 = arith.andi %ne3A_1128, %ne3A_1133 : vector<128x1xi1>
    %sub3A_1135 = arith.constant 1 : i32
    %sub3A_1136 = vector.broadcast %sub3A_1135 : i32 to vector<128x1xi32>
    %sub3A_1137 = arith.subi %div3A_1110, %sub3A_1136 : vector<128x1xi32>
    %select_n3A_1138 = arith.select %and3A_1134, %sub3A_1137, %div3A_1110 : vector<128x1xi1>, vector<128x1xi32>
    %mul3A_1139 = arith.constant 16 : i32
    %mul3A_1140 = vector.broadcast %mul3A_1139 : i32 to vector<128x1xi32>
    %mul3A_1141 = arith.muli %select_n3A_1138, %mul3A_1140 : vector<128x1xi32>
    %sub3A_1142 = arith.subi %select_n3A_1107, %mul3A_1141 : vector<128x1xi32>
    %eq3A_1143 = vector.broadcast %select_n3A_1138 : vector<128x1xi32> to vector<128x8xi32>
    %eq3A_1144 = arith.cmpi eq, %iota3A_125, %eq3A_1143 : vector<128x8xi32>
    %jit3A_1145 = arith.constant 0 : i32
    %broadcast_in_dim3A_1146 = vector.broadcast %jit3A_1145 : i32 to vector<128x8xi32>
    %select_n3A_1147 = arith.select %eq3A_1144, %get3A_7, %broadcast_in_dim3A_1146 : vector<128x8xi1>, vector<128x8xi32>
    %reduce_sum3A_1148 = arith.constant dense<0> : vector<128xi32>
    %reduce_sum3A_1149 = vector.multi_reduction <add>, %select_n3A_1147, %reduce_sum3A_1148 [1] : vector<128x8xi32> to vector<128xi32>
    %broadcast_in_dim3A_1150 = vector.shape_cast %reduce_sum3A_1149 : vector<128xi32> to vector<128x1xi32>
    %mul3A_1151 = arith.constant 32 : i32
    %mul3A_1152 = vector.broadcast %mul3A_1151 : i32 to vector<128x1xi32>
    %mul3A_1153 = arith.muli %sub3A_1142, %mul3A_1152 : vector<128x1xi32>
    %add3A_1154 = arith.addi %select_n3A_1076, %mul3A_1153 : vector<128x1xi32>
    %min3A_1155 = arith.constant 31 : i32
    %min3A_1156 = vector.broadcast %min3A_1155 : i32 to vector<128x1xi32>
    %min3A_1157 = arith.minsi %broadcast_in_dim3A_1150, %min3A_1156 : vector<128x1xi32>
    %mul3A_1158 = arith.constant 512 : i32
    %mul3A_1159 = vector.broadcast %mul3A_1158 : i32 to vector<128x1xi32>
    %mul3A_1160 = arith.muli %min3A_1157, %mul3A_1159 : vector<128x1xi32>
    %add3A_1161 = arith.addi %add3A_1154, %mul3A_1160 : vector<128x1xi32>
    %mul3A_1162 = arith.constant 512 : i32
    %mul3A_1163 = vector.broadcast %mul3A_1162 : i32 to vector<128x1xi32>
    %mul3A_1164 = arith.muli %broadcast_in_dim3A_1150, %mul3A_1163 : vector<128x1xi32>
    %mul3A_1165 = arith.constant 32 : i32
    %mul3A_1166 = vector.broadcast %mul3A_1165 : i32 to vector<128x1xi32>
    %mul3A_1167 = arith.muli %sub3A_1142, %mul3A_1166 : vector<128x1xi32>
    %add3A_1168 = arith.addi %mul3A_1164, %mul3A_1167 : vector<128x1xi32>
    %add3A_1169 = arith.addi %add3A_1168, %select_n3A_1076 : vector<128x1xi32>
    %reduce_max3A_1170 = arith.constant dense<0xFF800000> : vector<128xf32>
    %reduce_max3A_1171 = vector.multi_reduction <maximumf>, %select_n3A_1054, %reduce_max3A_1170 [1] : vector<128x8192xf32> to vector<128xf32>
    %broadcast_in_dim3A_1172 = vector.shape_cast %reduce_max3A_1171 : vector<128xf32> to vector<128x1xf32>
    %eq3A_1173 = vector.broadcast %broadcast_in_dim3A_1172 : vector<128x1xf32> to vector<128x8192xf32>
    %eq3A_1174 = arith.cmpf oeq, %select_n3A_1054, %eq3A_1173 : vector<128x8192xf32>
    %jit3A_1175 = arith.constant -1 : i32
    %broadcast_in_dim3A_1176 = vector.broadcast %jit3A_1175 : i32 to vector<128x8192xi32>
    %select_n3A_1177 = arith.select %eq3A_1174, %select_n3A_119, %broadcast_in_dim3A_1176 : vector<128x8192xi1>, vector<128x8192xi32>
    %reduce_max3A_1178 = arith.constant dense<-2147483648> : vector<128xi32>
    %reduce_max3A_1179 = vector.multi_reduction <maxsi>, %select_n3A_1177, %reduce_max3A_1178 [1] : vector<128x8192xi32> to vector<128xi32>
    %broadcast_in_dim3A_1180 = vector.shape_cast %reduce_max3A_1179 : vector<128xi32> to vector<128x1xi32>
    %eq3A_1181 = vector.broadcast %broadcast_in_dim3A_1180 : vector<128x1xi32> to vector<128x8192xi32>
    %eq3A_1182 = arith.cmpi eq, %select_n3A_1177, %eq3A_1181 : vector<128x8192xi32>
    %jit3A_1183 = arith.constant 0xFF800000 : f32
    %broadcast_in_dim3A_1184 = vector.broadcast %jit3A_1183 : f32 to vector<128x8192xf32>
    %select_n3A_1185 = arith.select %eq3A_1182, %broadcast_in_dim3A_1184, %select_n3A_1054 : vector<128x8192xi1>, vector<128x8192xf32>
    %jit3A_1186 = arith.constant 32 : i32
    %eq3A_1187 = arith.constant 0 : i32
    %eq3A_1188 = arith.cmpi eq, %jit3A_1186, %eq3A_1187 : i32
    %jit3A_1189 = arith.constant 1 : i32
    %select_n3A_1190 = arith.select %eq3A_1188, %jit3A_1189, %jit3A_1186 : i32
    %rem3A_1191 = vector.broadcast %select_n3A_1190 : i32 to vector<128x1xi32>
    %rem3A_1192 = arith.remsi %broadcast_in_dim3A_1180, %rem3A_1191 : vector<128x1xi32>
    %ne3A_1193 = arith.constant 0 : i32
    %ne3A_1194 = vector.broadcast %ne3A_1193 : i32 to vector<128x1xi32>
    %ne3A_1195 = arith.cmpi ne, %rem3A_1192, %ne3A_1194 : vector<128x1xi32>
    %lt3A_1196 = arith.constant 0 : i32
    %lt3A_1197 = vector.broadcast %lt3A_1196 : i32 to vector<128x1xi32>
    %lt3A_1198 = arith.cmpi slt, %rem3A_1192, %lt3A_1197 : vector<128x1xi32>
    %lt3A_1199 = arith.constant 0 : i32
    %lt3A_1200 = arith.cmpi slt, %select_n3A_1190, %lt3A_1199 : i32
    %ne3A_1201 = vector.broadcast %lt3A_1200 : i1 to vector<128x1xi1>
    %ne3A_1202 = vector.broadcast %ne3A_1201 : vector<128x1xi1> to vector<128x1xi1>
    %ne3A_1203 = arith.xori %lt3A_1198, %ne3A_1202 : vector<128x1xi1>
    %and3A_1204 = arith.andi %ne3A_1203, %ne3A_1195 : vector<128x1xi1>
    %add3A_1205 = vector.broadcast %select_n3A_1190 : i32 to vector<128x1xi32>
    %add3A_1206 = arith.addi %rem3A_1192, %add3A_1205 : vector<128x1xi32>
    %select_n3A_1207 = arith.select %and3A_1204, %add3A_1206, %rem3A_1192 : vector<128x1xi1>, vector<128x1xi32>
    %jit3A_1208 = arith.constant 32 : i32
    %div3A_1209 = vector.broadcast %jit3A_1208 : i32 to vector<128x1xi32>
    %div3A_1210 = arith.divsi %broadcast_in_dim3A_1180, %div3A_1209 : vector<128x1xi32>
    %sign3A_1211 = arith.constant 0 : i32
    %sign3A_1212 = vector.broadcast %sign3A_1211 : i32 to vector<128x1xi32>
    %sign3A_1213 = arith.cmpi sgt, %broadcast_in_dim3A_1180, %sign3A_1212 : vector<128x1xi32>
    %sign3A_1214 = arith.extui %sign3A_1213 : vector<128x1xi1> to vector<128x1xi32>
    %sign3A_1215 = arith.constant 0 : i32
    %sign3A_1216 = vector.broadcast %sign3A_1215 : i32 to vector<128x1xi32>
    %sign3A_1217 = arith.cmpi slt, %broadcast_in_dim3A_1180, %sign3A_1216 : vector<128x1xi32>
    %sign3A_1218 = arith.extui %sign3A_1217 : vector<128x1xi1> to vector<128x1xi32>
    %sign3A_1219 = arith.subi %sign3A_1214, %sign3A_1218 : vector<128x1xi32>
    %sign3A_1220 = arith.constant 0 : i32
    %sign3A_1221 = arith.cmpi sgt, %jit3A_1208, %sign3A_1220 : i32
    %sign3A_1222 = arith.extui %sign3A_1221 : i1 to i32
    %sign3A_1223 = arith.constant 0 : i32
    %sign3A_1224 = arith.cmpi slt, %jit3A_1208, %sign3A_1223 : i32
    %sign3A_1225 = arith.extui %sign3A_1224 : i1 to i32
    %sign3A_1226 = arith.subi %sign3A_1222, %sign3A_1225 : i32
    %ne3A_1227 = vector.broadcast %sign3A_1226 : i32 to vector<128x1xi32>
    %ne3A_1228 = arith.cmpi ne, %sign3A_1219, %ne3A_1227 : vector<128x1xi32>
    %rem3A_1229 = vector.broadcast %jit3A_1208 : i32 to vector<128x1xi32>
    %rem3A_1230 = arith.remsi %broadcast_in_dim3A_1180, %rem3A_1229 : vector<128x1xi32>
    %ne3A_1231 = arith.constant 0 : i32
    %ne3A_1232 = vector.broadcast %ne3A_1231 : i32 to vector<128x1xi32>
    %ne3A_1233 = arith.cmpi ne, %rem3A_1230, %ne3A_1232 : vector<128x1xi32>
    %and3A_1234 = arith.andi %ne3A_1228, %ne3A_1233 : vector<128x1xi1>
    %sub3A_1235 = arith.constant 1 : i32
    %sub3A_1236 = vector.broadcast %sub3A_1235 : i32 to vector<128x1xi32>
    %sub3A_1237 = arith.subi %div3A_1210, %sub3A_1236 : vector<128x1xi32>
    %select_n3A_1238 = arith.select %and3A_1234, %sub3A_1237, %div3A_1210 : vector<128x1xi1>, vector<128x1xi32>
    %jit3A_1239 = arith.constant 16 : i32
    %div3A_1240 = vector.broadcast %jit3A_1239 : i32 to vector<128x1xi32>
    %div3A_1241 = arith.divsi %select_n3A_1238, %div3A_1240 : vector<128x1xi32>
    %sign3A_1242 = arith.constant 0 : i32
    %sign3A_1243 = vector.broadcast %sign3A_1242 : i32 to vector<128x1xi32>
    %sign3A_1244 = arith.cmpi sgt, %select_n3A_1238, %sign3A_1243 : vector<128x1xi32>
    %sign3A_1245 = arith.extui %sign3A_1244 : vector<128x1xi1> to vector<128x1xi32>
    %sign3A_1246 = arith.constant 0 : i32
    %sign3A_1247 = vector.broadcast %sign3A_1246 : i32 to vector<128x1xi32>
    %sign3A_1248 = arith.cmpi slt, %select_n3A_1238, %sign3A_1247 : vector<128x1xi32>
    %sign3A_1249 = arith.extui %sign3A_1248 : vector<128x1xi1> to vector<128x1xi32>
    %sign3A_1250 = arith.subi %sign3A_1245, %sign3A_1249 : vector<128x1xi32>
    %sign3A_1251 = arith.constant 0 : i32
    %sign3A_1252 = arith.cmpi sgt, %jit3A_1239, %sign3A_1251 : i32
    %sign3A_1253 = arith.extui %sign3A_1252 : i1 to i32
    %sign3A_1254 = arith.constant 0 : i32
    %sign3A_1255 = arith.cmpi slt, %jit3A_1239, %sign3A_1254 : i32
    %sign3A_1256 = arith.extui %sign3A_1255 : i1 to i32
    %sign3A_1257 = arith.subi %sign3A_1253, %sign3A_1256 : i32
    %ne3A_1258 = vector.broadcast %sign3A_1257 : i32 to vector<128x1xi32>
    %ne3A_1259 = arith.cmpi ne, %sign3A_1250, %ne3A_1258 : vector<128x1xi32>
    %rem3A_1260 = vector.broadcast %jit3A_1239 : i32 to vector<128x1xi32>
    %rem3A_1261 = arith.remsi %select_n3A_1238, %rem3A_1260 : vector<128x1xi32>
    %ne3A_1262 = arith.constant 0 : i32
    %ne3A_1263 = vector.broadcast %ne3A_1262 : i32 to vector<128x1xi32>
    %ne3A_1264 = arith.cmpi ne, %rem3A_1261, %ne3A_1263 : vector<128x1xi32>
    %and3A_1265 = arith.andi %ne3A_1259, %ne3A_1264 : vector<128x1xi1>
    %sub3A_1266 = arith.constant 1 : i32
    %sub3A_1267 = vector.broadcast %sub3A_1266 : i32 to vector<128x1xi32>
    %sub3A_1268 = arith.subi %div3A_1241, %sub3A_1267 : vector<128x1xi32>
    %select_n3A_1269 = arith.select %and3A_1265, %sub3A_1268, %div3A_1241 : vector<128x1xi1>, vector<128x1xi32>
    %mul3A_1270 = arith.constant 16 : i32
    %mul3A_1271 = vector.broadcast %mul3A_1270 : i32 to vector<128x1xi32>
    %mul3A_1272 = arith.muli %select_n3A_1269, %mul3A_1271 : vector<128x1xi32>
    %sub3A_1273 = arith.subi %select_n3A_1238, %mul3A_1272 : vector<128x1xi32>
    %eq3A_1274 = vector.broadcast %select_n3A_1269 : vector<128x1xi32> to vector<128x8xi32>
    %eq3A_1275 = arith.cmpi eq, %iota3A_125, %eq3A_1274 : vector<128x8xi32>
    %jit3A_1276 = arith.constant 0 : i32
    %broadcast_in_dim3A_1277 = vector.broadcast %jit3A_1276 : i32 to vector<128x8xi32>
    %select_n3A_1278 = arith.select %eq3A_1275, %get3A_7, %broadcast_in_dim3A_1277 : vector<128x8xi1>, vector<128x8xi32>
    %reduce_sum3A_1279 = arith.constant dense<0> : vector<128xi32>
    %reduce_sum3A_1280 = vector.multi_reduction <add>, %select_n3A_1278, %reduce_sum3A_1279 [1] : vector<128x8xi32> to vector<128xi32>
    %broadcast_in_dim3A_1281 = vector.shape_cast %reduce_sum3A_1280 : vector<128xi32> to vector<128x1xi32>
    %mul3A_1282 = arith.constant 32 : i32
    %mul3A_1283 = vector.broadcast %mul3A_1282 : i32 to vector<128x1xi32>
    %mul3A_1284 = arith.muli %sub3A_1273, %mul3A_1283 : vector<128x1xi32>
    %add3A_1285 = arith.addi %select_n3A_1207, %mul3A_1284 : vector<128x1xi32>
    %min3A_1286 = arith.constant 31 : i32
    %min3A_1287 = vector.broadcast %min3A_1286 : i32 to vector<128x1xi32>
    %min3A_1288 = arith.minsi %broadcast_in_dim3A_1281, %min3A_1287 : vector<128x1xi32>
    %mul3A_1289 = arith.constant 512 : i32
    %mul3A_1290 = vector.broadcast %mul3A_1289 : i32 to vector<128x1xi32>
    %mul3A_1291 = arith.muli %min3A_1288, %mul3A_1290 : vector<128x1xi32>
    %add3A_1292 = arith.addi %add3A_1285, %mul3A_1291 : vector<128x1xi32>
    %mul3A_1293 = arith.constant 512 : i32
    %mul3A_1294 = vector.broadcast %mul3A_1293 : i32 to vector<128x1xi32>
    %mul3A_1295 = arith.muli %broadcast_in_dim3A_1281, %mul3A_1294 : vector<128x1xi32>
    %mul3A_1296 = arith.constant 32 : i32
    %mul3A_1297 = vector.broadcast %mul3A_1296 : i32 to vector<128x1xi32>
    %mul3A_1298 = arith.muli %sub3A_1273, %mul3A_1297 : vector<128x1xi32>
    %add3A_1299 = arith.addi %mul3A_1295, %mul3A_1298 : vector<128x1xi32>
    %add3A_1300 = arith.addi %add3A_1299, %select_n3A_1207 : vector<128x1xi32>
    %reduce_max3A_1301 = arith.constant dense<0xFF800000> : vector<128xf32>
    %reduce_max3A_1302 = vector.multi_reduction <maximumf>, %select_n3A_1185, %reduce_max3A_1301 [1] : vector<128x8192xf32> to vector<128xf32>
    %broadcast_in_dim3A_1303 = vector.shape_cast %reduce_max3A_1302 : vector<128xf32> to vector<128x1xf32>
    %eq3A_1304 = vector.broadcast %broadcast_in_dim3A_1303 : vector<128x1xf32> to vector<128x8192xf32>
    %eq3A_1305 = arith.cmpf oeq, %select_n3A_1185, %eq3A_1304 : vector<128x8192xf32>
    %jit3A_1306 = arith.constant -1 : i32
    %broadcast_in_dim3A_1307 = vector.broadcast %jit3A_1306 : i32 to vector<128x8192xi32>
    %select_n3A_1308 = arith.select %eq3A_1305, %select_n3A_119, %broadcast_in_dim3A_1307 : vector<128x8192xi1>, vector<128x8192xi32>
    %reduce_max3A_1309 = arith.constant dense<-2147483648> : vector<128xi32>
    %reduce_max3A_1310 = vector.multi_reduction <maxsi>, %select_n3A_1308, %reduce_max3A_1309 [1] : vector<128x8192xi32> to vector<128xi32>
    %broadcast_in_dim3A_1311 = vector.shape_cast %reduce_max3A_1310 : vector<128xi32> to vector<128x1xi32>
    %eq3A_1312 = vector.broadcast %broadcast_in_dim3A_1311 : vector<128x1xi32> to vector<128x8192xi32>
    %eq3A_1313 = arith.cmpi eq, %select_n3A_1308, %eq3A_1312 : vector<128x8192xi32>
    %jit3A_1314 = arith.constant 0xFF800000 : f32
    %broadcast_in_dim3A_1315 = vector.broadcast %jit3A_1314 : f32 to vector<128x8192xf32>
    %select_n3A_1316 = arith.select %eq3A_1313, %broadcast_in_dim3A_1315, %select_n3A_1185 : vector<128x8192xi1>, vector<128x8192xf32>
    %jit3A_1317 = arith.constant 32 : i32
    %eq3A_1318 = arith.constant 0 : i32
    %eq3A_1319 = arith.cmpi eq, %jit3A_1317, %eq3A_1318 : i32
    %jit3A_1320 = arith.constant 1 : i32
    %select_n3A_1321 = arith.select %eq3A_1319, %jit3A_1320, %jit3A_1317 : i32
    %rem3A_1322 = vector.broadcast %select_n3A_1321 : i32 to vector<128x1xi32>
    %rem3A_1323 = arith.remsi %broadcast_in_dim3A_1311, %rem3A_1322 : vector<128x1xi32>
    %ne3A_1324 = arith.constant 0 : i32
    %ne3A_1325 = vector.broadcast %ne3A_1324 : i32 to vector<128x1xi32>
    %ne3A_1326 = arith.cmpi ne, %rem3A_1323, %ne3A_1325 : vector<128x1xi32>
    %lt3A_1327 = arith.constant 0 : i32
    %lt3A_1328 = vector.broadcast %lt3A_1327 : i32 to vector<128x1xi32>
    %lt3A_1329 = arith.cmpi slt, %rem3A_1323, %lt3A_1328 : vector<128x1xi32>
    %lt3A_1330 = arith.constant 0 : i32
    %lt3A_1331 = arith.cmpi slt, %select_n3A_1321, %lt3A_1330 : i32
    %ne3A_1332 = vector.broadcast %lt3A_1331 : i1 to vector<128x1xi1>
    %ne3A_1333 = vector.broadcast %ne3A_1332 : vector<128x1xi1> to vector<128x1xi1>
    %ne3A_1334 = arith.xori %lt3A_1329, %ne3A_1333 : vector<128x1xi1>
    %and3A_1335 = arith.andi %ne3A_1334, %ne3A_1326 : vector<128x1xi1>
    %add3A_1336 = vector.broadcast %select_n3A_1321 : i32 to vector<128x1xi32>
    %add3A_1337 = arith.addi %rem3A_1323, %add3A_1336 : vector<128x1xi32>
    %select_n3A_1338 = arith.select %and3A_1335, %add3A_1337, %rem3A_1323 : vector<128x1xi1>, vector<128x1xi32>
    %jit3A_1339 = arith.constant 32 : i32
    %div3A_1340 = vector.broadcast %jit3A_1339 : i32 to vector<128x1xi32>
    %div3A_1341 = arith.divsi %broadcast_in_dim3A_1311, %div3A_1340 : vector<128x1xi32>
    %sign3A_1342 = arith.constant 0 : i32
    %sign3A_1343 = vector.broadcast %sign3A_1342 : i32 to vector<128x1xi32>
    %sign3A_1344 = arith.cmpi sgt, %broadcast_in_dim3A_1311, %sign3A_1343 : vector<128x1xi32>
    %sign3A_1345 = arith.extui %sign3A_1344 : vector<128x1xi1> to vector<128x1xi32>
    %sign3A_1346 = arith.constant 0 : i32
    %sign3A_1347 = vector.broadcast %sign3A_1346 : i32 to vector<128x1xi32>
    %sign3A_1348 = arith.cmpi slt, %broadcast_in_dim3A_1311, %sign3A_1347 : vector<128x1xi32>
    %sign3A_1349 = arith.extui %sign3A_1348 : vector<128x1xi1> to vector<128x1xi32>
    %sign3A_1350 = arith.subi %sign3A_1345, %sign3A_1349 : vector<128x1xi32>
    %sign3A_1351 = arith.constant 0 : i32
    %sign3A_1352 = arith.cmpi sgt, %jit3A_1339, %sign3A_1351 : i32
    %sign3A_1353 = arith.extui %sign3A_1352 : i1 to i32
    %sign3A_1354 = arith.constant 0 : i32
    %sign3A_1355 = arith.cmpi slt, %jit3A_1339, %sign3A_1354 : i32
    %sign3A_1356 = arith.extui %sign3A_1355 : i1 to i32
    %sign3A_1357 = arith.subi %sign3A_1353, %sign3A_1356 : i32
    %ne3A_1358 = vector.broadcast %sign3A_1357 : i32 to vector<128x1xi32>
    %ne3A_1359 = arith.cmpi ne, %sign3A_1350, %ne3A_1358 : vector<128x1xi32>
    %rem3A_1360 = vector.broadcast %jit3A_1339 : i32 to vector<128x1xi32>
    %rem3A_1361 = arith.remsi %broadcast_in_dim3A_1311, %rem3A_1360 : vector<128x1xi32>
    %ne3A_1362 = arith.constant 0 : i32
    %ne3A_1363 = vector.broadcast %ne3A_1362 : i32 to vector<128x1xi32>
    %ne3A_1364 = arith.cmpi ne, %rem3A_1361, %ne3A_1363 : vector<128x1xi32>
    %and3A_1365 = arith.andi %ne3A_1359, %ne3A_1364 : vector<128x1xi1>
    %sub3A_1366 = arith.constant 1 : i32
    %sub3A_1367 = vector.broadcast %sub3A_1366 : i32 to vector<128x1xi32>
    %sub3A_1368 = arith.subi %div3A_1341, %sub3A_1367 : vector<128x1xi32>
    %select_n3A_1369 = arith.select %and3A_1365, %sub3A_1368, %div3A_1341 : vector<128x1xi1>, vector<128x1xi32>
    %jit3A_1370 = arith.constant 16 : i32
    %div3A_1371 = vector.broadcast %jit3A_1370 : i32 to vector<128x1xi32>
    %div3A_1372 = arith.divsi %select_n3A_1369, %div3A_1371 : vector<128x1xi32>
    %sign3A_1373 = arith.constant 0 : i32
    %sign3A_1374 = vector.broadcast %sign3A_1373 : i32 to vector<128x1xi32>
    %sign3A_1375 = arith.cmpi sgt, %select_n3A_1369, %sign3A_1374 : vector<128x1xi32>
    %sign3A_1376 = arith.extui %sign3A_1375 : vector<128x1xi1> to vector<128x1xi32>
    %sign3A_1377 = arith.constant 0 : i32
    %sign3A_1378 = vector.broadcast %sign3A_1377 : i32 to vector<128x1xi32>
    %sign3A_1379 = arith.cmpi slt, %select_n3A_1369, %sign3A_1378 : vector<128x1xi32>
    %sign3A_1380 = arith.extui %sign3A_1379 : vector<128x1xi1> to vector<128x1xi32>
    %sign3A_1381 = arith.subi %sign3A_1376, %sign3A_1380 : vector<128x1xi32>
    %sign3A_1382 = arith.constant 0 : i32
    %sign3A_1383 = arith.cmpi sgt, %jit3A_1370, %sign3A_1382 : i32
    %sign3A_1384 = arith.extui %sign3A_1383 : i1 to i32
    %sign3A_1385 = arith.constant 0 : i32
    %sign3A_1386 = arith.cmpi slt, %jit3A_1370, %sign3A_1385 : i32
    %sign3A_1387 = arith.extui %sign3A_1386 : i1 to i32
    %sign3A_1388 = arith.subi %sign3A_1384, %sign3A_1387 : i32
    %ne3A_1389 = vector.broadcast %sign3A_1388 : i32 to vector<128x1xi32>
    %ne3A_1390 = arith.cmpi ne, %sign3A_1381, %ne3A_1389 : vector<128x1xi32>
    %rem3A_1391 = vector.broadcast %jit3A_1370 : i32 to vector<128x1xi32>
    %rem3A_1392 = arith.remsi %select_n3A_1369, %rem3A_1391 : vector<128x1xi32>
    %ne3A_1393 = arith.constant 0 : i32
    %ne3A_1394 = vector.broadcast %ne3A_1393 : i32 to vector<128x1xi32>
    %ne3A_1395 = arith.cmpi ne, %rem3A_1392, %ne3A_1394 : vector<128x1xi32>
    %and3A_1396 = arith.andi %ne3A_1390, %ne3A_1395 : vector<128x1xi1>
    %sub3A_1397 = arith.constant 1 : i32
    %sub3A_1398 = vector.broadcast %sub3A_1397 : i32 to vector<128x1xi32>
    %sub3A_1399 = arith.subi %div3A_1372, %sub3A_1398 : vector<128x1xi32>
    %select_n3A_1400 = arith.select %and3A_1396, %sub3A_1399, %div3A_1372 : vector<128x1xi1>, vector<128x1xi32>
    %mul3A_1401 = arith.constant 16 : i32
    %mul3A_1402 = vector.broadcast %mul3A_1401 : i32 to vector<128x1xi32>
    %mul3A_1403 = arith.muli %select_n3A_1400, %mul3A_1402 : vector<128x1xi32>
    %sub3A_1404 = arith.subi %select_n3A_1369, %mul3A_1403 : vector<128x1xi32>
    %eq3A_1405 = vector.broadcast %select_n3A_1400 : vector<128x1xi32> to vector<128x8xi32>
    %eq3A_1406 = arith.cmpi eq, %iota3A_125, %eq3A_1405 : vector<128x8xi32>
    %jit3A_1407 = arith.constant 0 : i32
    %broadcast_in_dim3A_1408 = vector.broadcast %jit3A_1407 : i32 to vector<128x8xi32>
    %select_n3A_1409 = arith.select %eq3A_1406, %get3A_7, %broadcast_in_dim3A_1408 : vector<128x8xi1>, vector<128x8xi32>
    %reduce_sum3A_1410 = arith.constant dense<0> : vector<128xi32>
    %reduce_sum3A_1411 = vector.multi_reduction <add>, %select_n3A_1409, %reduce_sum3A_1410 [1] : vector<128x8xi32> to vector<128xi32>
    %broadcast_in_dim3A_1412 = vector.shape_cast %reduce_sum3A_1411 : vector<128xi32> to vector<128x1xi32>
    %mul3A_1413 = arith.constant 32 : i32
    %mul3A_1414 = vector.broadcast %mul3A_1413 : i32 to vector<128x1xi32>
    %mul3A_1415 = arith.muli %sub3A_1404, %mul3A_1414 : vector<128x1xi32>
    %add3A_1416 = arith.addi %select_n3A_1338, %mul3A_1415 : vector<128x1xi32>
    %min3A_1417 = arith.constant 31 : i32
    %min3A_1418 = vector.broadcast %min3A_1417 : i32 to vector<128x1xi32>
    %min3A_1419 = arith.minsi %broadcast_in_dim3A_1412, %min3A_1418 : vector<128x1xi32>
    %mul3A_1420 = arith.constant 512 : i32
    %mul3A_1421 = vector.broadcast %mul3A_1420 : i32 to vector<128x1xi32>
    %mul3A_1422 = arith.muli %min3A_1419, %mul3A_1421 : vector<128x1xi32>
    %add3A_1423 = arith.addi %add3A_1416, %mul3A_1422 : vector<128x1xi32>
    %mul3A_1424 = arith.constant 512 : i32
    %mul3A_1425 = vector.broadcast %mul3A_1424 : i32 to vector<128x1xi32>
    %mul3A_1426 = arith.muli %broadcast_in_dim3A_1412, %mul3A_1425 : vector<128x1xi32>
    %mul3A_1427 = arith.constant 32 : i32
    %mul3A_1428 = vector.broadcast %mul3A_1427 : i32 to vector<128x1xi32>
    %mul3A_1429 = arith.muli %sub3A_1404, %mul3A_1428 : vector<128x1xi32>
    %add3A_1430 = arith.addi %mul3A_1426, %mul3A_1429 : vector<128x1xi32>
    %add3A_1431 = arith.addi %add3A_1430, %select_n3A_1338 : vector<128x1xi32>
    %reduce_max3A_1432 = arith.constant dense<0xFF800000> : vector<128xf32>
    %reduce_max3A_1433 = vector.multi_reduction <maximumf>, %select_n3A_1316, %reduce_max3A_1432 [1] : vector<128x8192xf32> to vector<128xf32>
    %broadcast_in_dim3A_1434 = vector.shape_cast %reduce_max3A_1433 : vector<128xf32> to vector<128x1xf32>
    %eq3A_1435 = vector.broadcast %broadcast_in_dim3A_1434 : vector<128x1xf32> to vector<128x8192xf32>
    %eq3A_1436 = arith.cmpf oeq, %select_n3A_1316, %eq3A_1435 : vector<128x8192xf32>
    %jit3A_1437 = arith.constant -1 : i32
    %broadcast_in_dim3A_1438 = vector.broadcast %jit3A_1437 : i32 to vector<128x8192xi32>
    %select_n3A_1439 = arith.select %eq3A_1436, %select_n3A_119, %broadcast_in_dim3A_1438 : vector<128x8192xi1>, vector<128x8192xi32>
    %reduce_max3A_1440 = arith.constant dense<-2147483648> : vector<128xi32>
    %reduce_max3A_1441 = vector.multi_reduction <maxsi>, %select_n3A_1439, %reduce_max3A_1440 [1] : vector<128x8192xi32> to vector<128xi32>
    %broadcast_in_dim3A_1442 = vector.shape_cast %reduce_max3A_1441 : vector<128xi32> to vector<128x1xi32>
    %eq3A_1443 = vector.broadcast %broadcast_in_dim3A_1442 : vector<128x1xi32> to vector<128x8192xi32>
    %eq3A_1444 = arith.cmpi eq, %select_n3A_1439, %eq3A_1443 : vector<128x8192xi32>
    %jit3A_1445 = arith.constant 0xFF800000 : f32
    %broadcast_in_dim3A_1446 = vector.broadcast %jit3A_1445 : f32 to vector<128x8192xf32>
    %select_n3A_1447 = arith.select %eq3A_1444, %broadcast_in_dim3A_1446, %select_n3A_1316 : vector<128x8192xi1>, vector<128x8192xf32>
    %jit3A_1448 = arith.constant 32 : i32
    %eq3A_1449 = arith.constant 0 : i32
    %eq3A_1450 = arith.cmpi eq, %jit3A_1448, %eq3A_1449 : i32
    %jit3A_1451 = arith.constant 1 : i32
    %select_n3A_1452 = arith.select %eq3A_1450, %jit3A_1451, %jit3A_1448 : i32
    %rem3A_1453 = vector.broadcast %select_n3A_1452 : i32 to vector<128x1xi32>
    %rem3A_1454 = arith.remsi %broadcast_in_dim3A_1442, %rem3A_1453 : vector<128x1xi32>
    %ne3A_1455 = arith.constant 0 : i32
    %ne3A_1456 = vector.broadcast %ne3A_1455 : i32 to vector<128x1xi32>
    %ne3A_1457 = arith.cmpi ne, %rem3A_1454, %ne3A_1456 : vector<128x1xi32>
    %lt3A_1458 = arith.constant 0 : i32
    %lt3A_1459 = vector.broadcast %lt3A_1458 : i32 to vector<128x1xi32>
    %lt3A_1460 = arith.cmpi slt, %rem3A_1454, %lt3A_1459 : vector<128x1xi32>
    %lt3A_1461 = arith.constant 0 : i32
    %lt3A_1462 = arith.cmpi slt, %select_n3A_1452, %lt3A_1461 : i32
    %ne3A_1463 = vector.broadcast %lt3A_1462 : i1 to vector<128x1xi1>
    %ne3A_1464 = vector.broadcast %ne3A_1463 : vector<128x1xi1> to vector<128x1xi1>
    %ne3A_1465 = arith.xori %lt3A_1460, %ne3A_1464 : vector<128x1xi1>
    %and3A_1466 = arith.andi %ne3A_1465, %ne3A_1457 : vector<128x1xi1>
    %add3A_1467 = vector.broadcast %select_n3A_1452 : i32 to vector<128x1xi32>
    %add3A_1468 = arith.addi %rem3A_1454, %add3A_1467 : vector<128x1xi32>
    %select_n3A_1469 = arith.select %and3A_1466, %add3A_1468, %rem3A_1454 : vector<128x1xi1>, vector<128x1xi32>
    %jit3A_1470 = arith.constant 32 : i32
    %div3A_1471 = vector.broadcast %jit3A_1470 : i32 to vector<128x1xi32>
    %div3A_1472 = arith.divsi %broadcast_in_dim3A_1442, %div3A_1471 : vector<128x1xi32>
    %sign3A_1473 = arith.constant 0 : i32
    %sign3A_1474 = vector.broadcast %sign3A_1473 : i32 to vector<128x1xi32>
    %sign3A_1475 = arith.cmpi sgt, %broadcast_in_dim3A_1442, %sign3A_1474 : vector<128x1xi32>
    %sign3A_1476 = arith.extui %sign3A_1475 : vector<128x1xi1> to vector<128x1xi32>
    %sign3A_1477 = arith.constant 0 : i32
    %sign3A_1478 = vector.broadcast %sign3A_1477 : i32 to vector<128x1xi32>
    %sign3A_1479 = arith.cmpi slt, %broadcast_in_dim3A_1442, %sign3A_1478 : vector<128x1xi32>
    %sign3A_1480 = arith.extui %sign3A_1479 : vector<128x1xi1> to vector<128x1xi32>
    %sign3A_1481 = arith.subi %sign3A_1476, %sign3A_1480 : vector<128x1xi32>
    %sign3A_1482 = arith.constant 0 : i32
    %sign3A_1483 = arith.cmpi sgt, %jit3A_1470, %sign3A_1482 : i32
    %sign3A_1484 = arith.extui %sign3A_1483 : i1 to i32
    %sign3A_1485 = arith.constant 0 : i32
    %sign3A_1486 = arith.cmpi slt, %jit3A_1470, %sign3A_1485 : i32
    %sign3A_1487 = arith.extui %sign3A_1486 : i1 to i32
    %sign3A_1488 = arith.subi %sign3A_1484, %sign3A_1487 : i32
    %ne3A_1489 = vector.broadcast %sign3A_1488 : i32 to vector<128x1xi32>
    %ne3A_1490 = arith.cmpi ne, %sign3A_1481, %ne3A_1489 : vector<128x1xi32>
    %rem3A_1491 = vector.broadcast %jit3A_1470 : i32 to vector<128x1xi32>
    %rem3A_1492 = arith.remsi %broadcast_in_dim3A_1442, %rem3A_1491 : vector<128x1xi32>
    %ne3A_1493 = arith.constant 0 : i32
    %ne3A_1494 = vector.broadcast %ne3A_1493 : i32 to vector<128x1xi32>
    %ne3A_1495 = arith.cmpi ne, %rem3A_1492, %ne3A_1494 : vector<128x1xi32>
    %and3A_1496 = arith.andi %ne3A_1490, %ne3A_1495 : vector<128x1xi1>
    %sub3A_1497 = arith.constant 1 : i32
    %sub3A_1498 = vector.broadcast %sub3A_1497 : i32 to vector<128x1xi32>
    %sub3A_1499 = arith.subi %div3A_1472, %sub3A_1498 : vector<128x1xi32>
    %select_n3A_1500 = arith.select %and3A_1496, %sub3A_1499, %div3A_1472 : vector<128x1xi1>, vector<128x1xi32>
    %jit3A_1501 = arith.constant 16 : i32
    %div3A_1502 = vector.broadcast %jit3A_1501 : i32 to vector<128x1xi32>
    %div3A_1503 = arith.divsi %select_n3A_1500, %div3A_1502 : vector<128x1xi32>
    %sign3A_1504 = arith.constant 0 : i32
    %sign3A_1505 = vector.broadcast %sign3A_1504 : i32 to vector<128x1xi32>
    %sign3A_1506 = arith.cmpi sgt, %select_n3A_1500, %sign3A_1505 : vector<128x1xi32>
    %sign3A_1507 = arith.extui %sign3A_1506 : vector<128x1xi1> to vector<128x1xi32>
    %sign3A_1508 = arith.constant 0 : i32
    %sign3A_1509 = vector.broadcast %sign3A_1508 : i32 to vector<128x1xi32>
    %sign3A_1510 = arith.cmpi slt, %select_n3A_1500, %sign3A_1509 : vector<128x1xi32>
    %sign3A_1511 = arith.extui %sign3A_1510 : vector<128x1xi1> to vector<128x1xi32>
    %sign3A_1512 = arith.subi %sign3A_1507, %sign3A_1511 : vector<128x1xi32>
    %sign3A_1513 = arith.constant 0 : i32
    %sign3A_1514 = arith.cmpi sgt, %jit3A_1501, %sign3A_1513 : i32
    %sign3A_1515 = arith.extui %sign3A_1514 : i1 to i32
    %sign3A_1516 = arith.constant 0 : i32
    %sign3A_1517 = arith.cmpi slt, %jit3A_1501, %sign3A_1516 : i32
    %sign3A_1518 = arith.extui %sign3A_1517 : i1 to i32
    %sign3A_1519 = arith.subi %sign3A_1515, %sign3A_1518 : i32
    %ne3A_1520 = vector.broadcast %sign3A_1519 : i32 to vector<128x1xi32>
    %ne3A_1521 = arith.cmpi ne, %sign3A_1512, %ne3A_1520 : vector<128x1xi32>
    %rem3A_1522 = vector.broadcast %jit3A_1501 : i32 to vector<128x1xi32>
    %rem3A_1523 = arith.remsi %select_n3A_1500, %rem3A_1522 : vector<128x1xi32>
    %ne3A_1524 = arith.constant 0 : i32
    %ne3A_1525 = vector.broadcast %ne3A_1524 : i32 to vector<128x1xi32>
    %ne3A_1526 = arith.cmpi ne, %rem3A_1523, %ne3A_1525 : vector<128x1xi32>
    %and3A_1527 = arith.andi %ne3A_1521, %ne3A_1526 : vector<128x1xi1>
    %sub3A_1528 = arith.constant 1 : i32
    %sub3A_1529 = vector.broadcast %sub3A_1528 : i32 to vector<128x1xi32>
    %sub3A_1530 = arith.subi %div3A_1503, %sub3A_1529 : vector<128x1xi32>
    %select_n3A_1531 = arith.select %and3A_1527, %sub3A_1530, %div3A_1503 : vector<128x1xi1>, vector<128x1xi32>
    %mul3A_1532 = arith.constant 16 : i32
    %mul3A_1533 = vector.broadcast %mul3A_1532 : i32 to vector<128x1xi32>
    %mul3A_1534 = arith.muli %select_n3A_1531, %mul3A_1533 : vector<128x1xi32>
    %sub3A_1535 = arith.subi %select_n3A_1500, %mul3A_1534 : vector<128x1xi32>
    %eq3A_1536 = vector.broadcast %select_n3A_1531 : vector<128x1xi32> to vector<128x8xi32>
    %eq3A_1537 = arith.cmpi eq, %iota3A_125, %eq3A_1536 : vector<128x8xi32>
    %jit3A_1538 = arith.constant 0 : i32
    %broadcast_in_dim3A_1539 = vector.broadcast %jit3A_1538 : i32 to vector<128x8xi32>
    %select_n3A_1540 = arith.select %eq3A_1537, %get3A_7, %broadcast_in_dim3A_1539 : vector<128x8xi1>, vector<128x8xi32>
    %reduce_sum3A_1541 = arith.constant dense<0> : vector<128xi32>
    %reduce_sum3A_1542 = vector.multi_reduction <add>, %select_n3A_1540, %reduce_sum3A_1541 [1] : vector<128x8xi32> to vector<128xi32>
    %broadcast_in_dim3A_1543 = vector.shape_cast %reduce_sum3A_1542 : vector<128xi32> to vector<128x1xi32>
    %mul3A_1544 = arith.constant 32 : i32
    %mul3A_1545 = vector.broadcast %mul3A_1544 : i32 to vector<128x1xi32>
    %mul3A_1546 = arith.muli %sub3A_1535, %mul3A_1545 : vector<128x1xi32>
    %add3A_1547 = arith.addi %select_n3A_1469, %mul3A_1546 : vector<128x1xi32>
    %min3A_1548 = arith.constant 31 : i32
    %min3A_1549 = vector.broadcast %min3A_1548 : i32 to vector<128x1xi32>
    %min3A_1550 = arith.minsi %broadcast_in_dim3A_1543, %min3A_1549 : vector<128x1xi32>
    %mul3A_1551 = arith.constant 512 : i32
    %mul3A_1552 = vector.broadcast %mul3A_1551 : i32 to vector<128x1xi32>
    %mul3A_1553 = arith.muli %min3A_1550, %mul3A_1552 : vector<128x1xi32>
    %add3A_1554 = arith.addi %add3A_1547, %mul3A_1553 : vector<128x1xi32>
    %mul3A_1555 = arith.constant 512 : i32
    %mul3A_1556 = vector.broadcast %mul3A_1555 : i32 to vector<128x1xi32>
    %mul3A_1557 = arith.muli %broadcast_in_dim3A_1543, %mul3A_1556 : vector<128x1xi32>
    %mul3A_1558 = arith.constant 32 : i32
    %mul3A_1559 = vector.broadcast %mul3A_1558 : i32 to vector<128x1xi32>
    %mul3A_1560 = arith.muli %sub3A_1535, %mul3A_1559 : vector<128x1xi32>
    %add3A_1561 = arith.addi %mul3A_1557, %mul3A_1560 : vector<128x1xi32>
    %add3A_1562 = arith.addi %add3A_1561, %select_n3A_1469 : vector<128x1xi32>
    %reduce_max3A_1563 = arith.constant dense<0xFF800000> : vector<128xf32>
    %reduce_max3A_1564 = vector.multi_reduction <maximumf>, %select_n3A_1447, %reduce_max3A_1563 [1] : vector<128x8192xf32> to vector<128xf32>
    %broadcast_in_dim3A_1565 = vector.shape_cast %reduce_max3A_1564 : vector<128xf32> to vector<128x1xf32>
    %eq3A_1566 = vector.broadcast %broadcast_in_dim3A_1565 : vector<128x1xf32> to vector<128x8192xf32>
    %eq3A_1567 = arith.cmpf oeq, %select_n3A_1447, %eq3A_1566 : vector<128x8192xf32>
    %jit3A_1568 = arith.constant -1 : i32
    %broadcast_in_dim3A_1569 = vector.broadcast %jit3A_1568 : i32 to vector<128x8192xi32>
    %select_n3A_1570 = arith.select %eq3A_1567, %select_n3A_119, %broadcast_in_dim3A_1569 : vector<128x8192xi1>, vector<128x8192xi32>
    %reduce_max3A_1571 = arith.constant dense<-2147483648> : vector<128xi32>
    %reduce_max3A_1572 = vector.multi_reduction <maxsi>, %select_n3A_1570, %reduce_max3A_1571 [1] : vector<128x8192xi32> to vector<128xi32>
    %broadcast_in_dim3A_1573 = vector.shape_cast %reduce_max3A_1572 : vector<128xi32> to vector<128x1xi32>
    %eq3A_1574 = vector.broadcast %broadcast_in_dim3A_1573 : vector<128x1xi32> to vector<128x8192xi32>
    %eq3A_1575 = arith.cmpi eq, %select_n3A_1570, %eq3A_1574 : vector<128x8192xi32>
    %jit3A_1576 = arith.constant 0xFF800000 : f32
    %broadcast_in_dim3A_1577 = vector.broadcast %jit3A_1576 : f32 to vector<128x8192xf32>
    %select_n3A_1578 = arith.select %eq3A_1575, %broadcast_in_dim3A_1577, %select_n3A_1447 : vector<128x8192xi1>, vector<128x8192xf32>
    %jit3A_1579 = arith.constant 32 : i32
    %eq3A_1580 = arith.constant 0 : i32
    %eq3A_1581 = arith.cmpi eq, %jit3A_1579, %eq3A_1580 : i32
    %jit3A_1582 = arith.constant 1 : i32
    %select_n3A_1583 = arith.select %eq3A_1581, %jit3A_1582, %jit3A_1579 : i32
    %rem3A_1584 = vector.broadcast %select_n3A_1583 : i32 to vector<128x1xi32>
    %rem3A_1585 = arith.remsi %broadcast_in_dim3A_1573, %rem3A_1584 : vector<128x1xi32>
    %ne3A_1586 = arith.constant 0 : i32
    %ne3A_1587 = vector.broadcast %ne3A_1586 : i32 to vector<128x1xi32>
    %ne3A_1588 = arith.cmpi ne, %rem3A_1585, %ne3A_1587 : vector<128x1xi32>
    %lt3A_1589 = arith.constant 0 : i32
    %lt3A_1590 = vector.broadcast %lt3A_1589 : i32 to vector<128x1xi32>
    %lt3A_1591 = arith.cmpi slt, %rem3A_1585, %lt3A_1590 : vector<128x1xi32>
    %lt3A_1592 = arith.constant 0 : i32
    %lt3A_1593 = arith.cmpi slt, %select_n3A_1583, %lt3A_1592 : i32
    %ne3A_1594 = vector.broadcast %lt3A_1593 : i1 to vector<128x1xi1>
    %ne3A_1595 = vector.broadcast %ne3A_1594 : vector<128x1xi1> to vector<128x1xi1>
    %ne3A_1596 = arith.xori %lt3A_1591, %ne3A_1595 : vector<128x1xi1>
    %and3A_1597 = arith.andi %ne3A_1596, %ne3A_1588 : vector<128x1xi1>
    %add3A_1598 = vector.broadcast %select_n3A_1583 : i32 to vector<128x1xi32>
    %add3A_1599 = arith.addi %rem3A_1585, %add3A_1598 : vector<128x1xi32>
    %select_n3A_1600 = arith.select %and3A_1597, %add3A_1599, %rem3A_1585 : vector<128x1xi1>, vector<128x1xi32>
    %jit3A_1601 = arith.constant 32 : i32
    %div3A_1602 = vector.broadcast %jit3A_1601 : i32 to vector<128x1xi32>
    %div3A_1603 = arith.divsi %broadcast_in_dim3A_1573, %div3A_1602 : vector<128x1xi32>
    %sign3A_1604 = arith.constant 0 : i32
    %sign3A_1605 = vector.broadcast %sign3A_1604 : i32 to vector<128x1xi32>
    %sign3A_1606 = arith.cmpi sgt, %broadcast_in_dim3A_1573, %sign3A_1605 : vector<128x1xi32>
    %sign3A_1607 = arith.extui %sign3A_1606 : vector<128x1xi1> to vector<128x1xi32>
    %sign3A_1608 = arith.constant 0 : i32
    %sign3A_1609 = vector.broadcast %sign3A_1608 : i32 to vector<128x1xi32>
    %sign3A_1610 = arith.cmpi slt, %broadcast_in_dim3A_1573, %sign3A_1609 : vector<128x1xi32>
    %sign3A_1611 = arith.extui %sign3A_1610 : vector<128x1xi1> to vector<128x1xi32>
    %sign3A_1612 = arith.subi %sign3A_1607, %sign3A_1611 : vector<128x1xi32>
    %sign3A_1613 = arith.constant 0 : i32
    %sign3A_1614 = arith.cmpi sgt, %jit3A_1601, %sign3A_1613 : i32
    %sign3A_1615 = arith.extui %sign3A_1614 : i1 to i32
    %sign3A_1616 = arith.constant 0 : i32
    %sign3A_1617 = arith.cmpi slt, %jit3A_1601, %sign3A_1616 : i32
    %sign3A_1618 = arith.extui %sign3A_1617 : i1 to i32
    %sign3A_1619 = arith.subi %sign3A_1615, %sign3A_1618 : i32
    %ne3A_1620 = vector.broadcast %sign3A_1619 : i32 to vector<128x1xi32>
    %ne3A_1621 = arith.cmpi ne, %sign3A_1612, %ne3A_1620 : vector<128x1xi32>
    %rem3A_1622 = vector.broadcast %jit3A_1601 : i32 to vector<128x1xi32>
    %rem3A_1623 = arith.remsi %broadcast_in_dim3A_1573, %rem3A_1622 : vector<128x1xi32>
    %ne3A_1624 = arith.constant 0 : i32
    %ne3A_1625 = vector.broadcast %ne3A_1624 : i32 to vector<128x1xi32>
    %ne3A_1626 = arith.cmpi ne, %rem3A_1623, %ne3A_1625 : vector<128x1xi32>
    %and3A_1627 = arith.andi %ne3A_1621, %ne3A_1626 : vector<128x1xi1>
    %sub3A_1628 = arith.constant 1 : i32
    %sub3A_1629 = vector.broadcast %sub3A_1628 : i32 to vector<128x1xi32>
    %sub3A_1630 = arith.subi %div3A_1603, %sub3A_1629 : vector<128x1xi32>
    %select_n3A_1631 = arith.select %and3A_1627, %sub3A_1630, %div3A_1603 : vector<128x1xi1>, vector<128x1xi32>
    %jit3A_1632 = arith.constant 16 : i32
    %div3A_1633 = vector.broadcast %jit3A_1632 : i32 to vector<128x1xi32>
    %div3A_1634 = arith.divsi %select_n3A_1631, %div3A_1633 : vector<128x1xi32>
    %sign3A_1635 = arith.constant 0 : i32
    %sign3A_1636 = vector.broadcast %sign3A_1635 : i32 to vector<128x1xi32>
    %sign3A_1637 = arith.cmpi sgt, %select_n3A_1631, %sign3A_1636 : vector<128x1xi32>
    %sign3A_1638 = arith.extui %sign3A_1637 : vector<128x1xi1> to vector<128x1xi32>
    %sign3A_1639 = arith.constant 0 : i32
    %sign3A_1640 = vector.broadcast %sign3A_1639 : i32 to vector<128x1xi32>
    %sign3A_1641 = arith.cmpi slt, %select_n3A_1631, %sign3A_1640 : vector<128x1xi32>
    %sign3A_1642 = arith.extui %sign3A_1641 : vector<128x1xi1> to vector<128x1xi32>
    %sign3A_1643 = arith.subi %sign3A_1638, %sign3A_1642 : vector<128x1xi32>
    %sign3A_1644 = arith.constant 0 : i32
    %sign3A_1645 = arith.cmpi sgt, %jit3A_1632, %sign3A_1644 : i32
    %sign3A_1646 = arith.extui %sign3A_1645 : i1 to i32
    %sign3A_1647 = arith.constant 0 : i32
    %sign3A_1648 = arith.cmpi slt, %jit3A_1632, %sign3A_1647 : i32
    %sign3A_1649 = arith.extui %sign3A_1648 : i1 to i32
    %sign3A_1650 = arith.subi %sign3A_1646, %sign3A_1649 : i32
    %ne3A_1651 = vector.broadcast %sign3A_1650 : i32 to vector<128x1xi32>
    %ne3A_1652 = arith.cmpi ne, %sign3A_1643, %ne3A_1651 : vector<128x1xi32>
    %rem3A_1653 = vector.broadcast %jit3A_1632 : i32 to vector<128x1xi32>
    %rem3A_1654 = arith.remsi %select_n3A_1631, %rem3A_1653 : vector<128x1xi32>
    %ne3A_1655 = arith.constant 0 : i32
    %ne3A_1656 = vector.broadcast %ne3A_1655 : i32 to vector<128x1xi32>
    %ne3A_1657 = arith.cmpi ne, %rem3A_1654, %ne3A_1656 : vector<128x1xi32>
    %and3A_1658 = arith.andi %ne3A_1652, %ne3A_1657 : vector<128x1xi1>
    %sub3A_1659 = arith.constant 1 : i32
    %sub3A_1660 = vector.broadcast %sub3A_1659 : i32 to vector<128x1xi32>
    %sub3A_1661 = arith.subi %div3A_1634, %sub3A_1660 : vector<128x1xi32>
    %select_n3A_1662 = arith.select %and3A_1658, %sub3A_1661, %div3A_1634 : vector<128x1xi1>, vector<128x1xi32>
    %mul3A_1663 = arith.constant 16 : i32
    %mul3A_1664 = vector.broadcast %mul3A_1663 : i32 to vector<128x1xi32>
    %mul3A_1665 = arith.muli %select_n3A_1662, %mul3A_1664 : vector<128x1xi32>
    %sub3A_1666 = arith.subi %select_n3A_1631, %mul3A_1665 : vector<128x1xi32>
    %eq3A_1667 = vector.broadcast %select_n3A_1662 : vector<128x1xi32> to vector<128x8xi32>
    %eq3A_1668 = arith.cmpi eq, %iota3A_125, %eq3A_1667 : vector<128x8xi32>
    %jit3A_1669 = arith.constant 0 : i32
    %broadcast_in_dim3A_1670 = vector.broadcast %jit3A_1669 : i32 to vector<128x8xi32>
    %select_n3A_1671 = arith.select %eq3A_1668, %get3A_7, %broadcast_in_dim3A_1670 : vector<128x8xi1>, vector<128x8xi32>
    %reduce_sum3A_1672 = arith.constant dense<0> : vector<128xi32>
    %reduce_sum3A_1673 = vector.multi_reduction <add>, %select_n3A_1671, %reduce_sum3A_1672 [1] : vector<128x8xi32> to vector<128xi32>
    %broadcast_in_dim3A_1674 = vector.shape_cast %reduce_sum3A_1673 : vector<128xi32> to vector<128x1xi32>
    %mul3A_1675 = arith.constant 32 : i32
    %mul3A_1676 = vector.broadcast %mul3A_1675 : i32 to vector<128x1xi32>
    %mul3A_1677 = arith.muli %sub3A_1666, %mul3A_1676 : vector<128x1xi32>
    %add3A_1678 = arith.addi %select_n3A_1600, %mul3A_1677 : vector<128x1xi32>
    %min3A_1679 = arith.constant 31 : i32
    %min3A_1680 = vector.broadcast %min3A_1679 : i32 to vector<128x1xi32>
    %min3A_1681 = arith.minsi %broadcast_in_dim3A_1674, %min3A_1680 : vector<128x1xi32>
    %mul3A_1682 = arith.constant 512 : i32
    %mul3A_1683 = vector.broadcast %mul3A_1682 : i32 to vector<128x1xi32>
    %mul3A_1684 = arith.muli %min3A_1681, %mul3A_1683 : vector<128x1xi32>
    %add3A_1685 = arith.addi %add3A_1678, %mul3A_1684 : vector<128x1xi32>
    %mul3A_1686 = arith.constant 512 : i32
    %mul3A_1687 = vector.broadcast %mul3A_1686 : i32 to vector<128x1xi32>
    %mul3A_1688 = arith.muli %broadcast_in_dim3A_1674, %mul3A_1687 : vector<128x1xi32>
    %mul3A_1689 = arith.constant 32 : i32
    %mul3A_1690 = vector.broadcast %mul3A_1689 : i32 to vector<128x1xi32>
    %mul3A_1691 = arith.muli %sub3A_1666, %mul3A_1690 : vector<128x1xi32>
    %add3A_1692 = arith.addi %mul3A_1688, %mul3A_1691 : vector<128x1xi32>
    %add3A_1693 = arith.addi %add3A_1692, %select_n3A_1600 : vector<128x1xi32>
    %reduce_max3A_1694 = arith.constant dense<0xFF800000> : vector<128xf32>
    %reduce_max3A_1695 = vector.multi_reduction <maximumf>, %select_n3A_1578, %reduce_max3A_1694 [1] : vector<128x8192xf32> to vector<128xf32>
    %broadcast_in_dim3A_1696 = vector.shape_cast %reduce_max3A_1695 : vector<128xf32> to vector<128x1xf32>
    %eq3A_1697 = vector.broadcast %broadcast_in_dim3A_1696 : vector<128x1xf32> to vector<128x8192xf32>
    %eq3A_1698 = arith.cmpf oeq, %select_n3A_1578, %eq3A_1697 : vector<128x8192xf32>
    %jit3A_1699 = arith.constant -1 : i32
    %broadcast_in_dim3A_1700 = vector.broadcast %jit3A_1699 : i32 to vector<128x8192xi32>
    %select_n3A_1701 = arith.select %eq3A_1698, %select_n3A_119, %broadcast_in_dim3A_1700 : vector<128x8192xi1>, vector<128x8192xi32>
    %reduce_max3A_1702 = arith.constant dense<-2147483648> : vector<128xi32>
    %reduce_max3A_1703 = vector.multi_reduction <maxsi>, %select_n3A_1701, %reduce_max3A_1702 [1] : vector<128x8192xi32> to vector<128xi32>
    %broadcast_in_dim3A_1704 = vector.shape_cast %reduce_max3A_1703 : vector<128xi32> to vector<128x1xi32>
    %eq3A_1705 = vector.broadcast %broadcast_in_dim3A_1704 : vector<128x1xi32> to vector<128x8192xi32>
    %eq3A_1706 = arith.cmpi eq, %select_n3A_1701, %eq3A_1705 : vector<128x8192xi32>
    %jit3A_1707 = arith.constant 0xFF800000 : f32
    %broadcast_in_dim3A_1708 = vector.broadcast %jit3A_1707 : f32 to vector<128x8192xf32>
    %select_n3A_1709 = arith.select %eq3A_1706, %broadcast_in_dim3A_1708, %select_n3A_1578 : vector<128x8192xi1>, vector<128x8192xf32>
    %jit3A_1710 = arith.constant 32 : i32
    %eq3A_1711 = arith.constant 0 : i32
    %eq3A_1712 = arith.cmpi eq, %jit3A_1710, %eq3A_1711 : i32
    %jit3A_1713 = arith.constant 1 : i32
    %select_n3A_1714 = arith.select %eq3A_1712, %jit3A_1713, %jit3A_1710 : i32
    %rem3A_1715 = vector.broadcast %select_n3A_1714 : i32 to vector<128x1xi32>
    %rem3A_1716 = arith.remsi %broadcast_in_dim3A_1704, %rem3A_1715 : vector<128x1xi32>
    %ne3A_1717 = arith.constant 0 : i32
    %ne3A_1718 = vector.broadcast %ne3A_1717 : i32 to vector<128x1xi32>
    %ne3A_1719 = arith.cmpi ne, %rem3A_1716, %ne3A_1718 : vector<128x1xi32>
    %lt3A_1720 = arith.constant 0 : i32
    %lt3A_1721 = vector.broadcast %lt3A_1720 : i32 to vector<128x1xi32>
    %lt3A_1722 = arith.cmpi slt, %rem3A_1716, %lt3A_1721 : vector<128x1xi32>
    %lt3A_1723 = arith.constant 0 : i32
    %lt3A_1724 = arith.cmpi slt, %select_n3A_1714, %lt3A_1723 : i32
    %ne3A_1725 = vector.broadcast %lt3A_1724 : i1 to vector<128x1xi1>
    %ne3A_1726 = vector.broadcast %ne3A_1725 : vector<128x1xi1> to vector<128x1xi1>
    %ne3A_1727 = arith.xori %lt3A_1722, %ne3A_1726 : vector<128x1xi1>
    %and3A_1728 = arith.andi %ne3A_1727, %ne3A_1719 : vector<128x1xi1>
    %add3A_1729 = vector.broadcast %select_n3A_1714 : i32 to vector<128x1xi32>
    %add3A_1730 = arith.addi %rem3A_1716, %add3A_1729 : vector<128x1xi32>
    %select_n3A_1731 = arith.select %and3A_1728, %add3A_1730, %rem3A_1716 : vector<128x1xi1>, vector<128x1xi32>
    %jit3A_1732 = arith.constant 32 : i32
    %div3A_1733 = vector.broadcast %jit3A_1732 : i32 to vector<128x1xi32>
    %div3A_1734 = arith.divsi %broadcast_in_dim3A_1704, %div3A_1733 : vector<128x1xi32>
    %sign3A_1735 = arith.constant 0 : i32
    %sign3A_1736 = vector.broadcast %sign3A_1735 : i32 to vector<128x1xi32>
    %sign3A_1737 = arith.cmpi sgt, %broadcast_in_dim3A_1704, %sign3A_1736 : vector<128x1xi32>
    %sign3A_1738 = arith.extui %sign3A_1737 : vector<128x1xi1> to vector<128x1xi32>
    %sign3A_1739 = arith.constant 0 : i32
    %sign3A_1740 = vector.broadcast %sign3A_1739 : i32 to vector<128x1xi32>
    %sign3A_1741 = arith.cmpi slt, %broadcast_in_dim3A_1704, %sign3A_1740 : vector<128x1xi32>
    %sign3A_1742 = arith.extui %sign3A_1741 : vector<128x1xi1> to vector<128x1xi32>
    %sign3A_1743 = arith.subi %sign3A_1738, %sign3A_1742 : vector<128x1xi32>
    %sign3A_1744 = arith.constant 0 : i32
    %sign3A_1745 = arith.cmpi sgt, %jit3A_1732, %sign3A_1744 : i32
    %sign3A_1746 = arith.extui %sign3A_1745 : i1 to i32
    %sign3A_1747 = arith.constant 0 : i32
    %sign3A_1748 = arith.cmpi slt, %jit3A_1732, %sign3A_1747 : i32
    %sign3A_1749 = arith.extui %sign3A_1748 : i1 to i32
    %sign3A_1750 = arith.subi %sign3A_1746, %sign3A_1749 : i32
    %ne3A_1751 = vector.broadcast %sign3A_1750 : i32 to vector<128x1xi32>
    %ne3A_1752 = arith.cmpi ne, %sign3A_1743, %ne3A_1751 : vector<128x1xi32>
    %rem3A_1753 = vector.broadcast %jit3A_1732 : i32 to vector<128x1xi32>
    %rem3A_1754 = arith.remsi %broadcast_in_dim3A_1704, %rem3A_1753 : vector<128x1xi32>
    %ne3A_1755 = arith.constant 0 : i32
    %ne3A_1756 = vector.broadcast %ne3A_1755 : i32 to vector<128x1xi32>
    %ne3A_1757 = arith.cmpi ne, %rem3A_1754, %ne3A_1756 : vector<128x1xi32>
    %and3A_1758 = arith.andi %ne3A_1752, %ne3A_1757 : vector<128x1xi1>
    %sub3A_1759 = arith.constant 1 : i32
    %sub3A_1760 = vector.broadcast %sub3A_1759 : i32 to vector<128x1xi32>
    %sub3A_1761 = arith.subi %div3A_1734, %sub3A_1760 : vector<128x1xi32>
    %select_n3A_1762 = arith.select %and3A_1758, %sub3A_1761, %div3A_1734 : vector<128x1xi1>, vector<128x1xi32>
    %jit3A_1763 = arith.constant 16 : i32
    %div3A_1764 = vector.broadcast %jit3A_1763 : i32 to vector<128x1xi32>
    %div3A_1765 = arith.divsi %select_n3A_1762, %div3A_1764 : vector<128x1xi32>
    %sign3A_1766 = arith.constant 0 : i32
    %sign3A_1767 = vector.broadcast %sign3A_1766 : i32 to vector<128x1xi32>
    %sign3A_1768 = arith.cmpi sgt, %select_n3A_1762, %sign3A_1767 : vector<128x1xi32>
    %sign3A_1769 = arith.extui %sign3A_1768 : vector<128x1xi1> to vector<128x1xi32>
    %sign3A_1770 = arith.constant 0 : i32
    %sign3A_1771 = vector.broadcast %sign3A_1770 : i32 to vector<128x1xi32>
    %sign3A_1772 = arith.cmpi slt, %select_n3A_1762, %sign3A_1771 : vector<128x1xi32>
    %sign3A_1773 = arith.extui %sign3A_1772 : vector<128x1xi1> to vector<128x1xi32>
    %sign3A_1774 = arith.subi %sign3A_1769, %sign3A_1773 : vector<128x1xi32>
    %sign3A_1775 = arith.constant 0 : i32
    %sign3A_1776 = arith.cmpi sgt, %jit3A_1763, %sign3A_1775 : i32
    %sign3A_1777 = arith.extui %sign3A_1776 : i1 to i32
    %sign3A_1778 = arith.constant 0 : i32
    %sign3A_1779 = arith.cmpi slt, %jit3A_1763, %sign3A_1778 : i32
    %sign3A_1780 = arith.extui %sign3A_1779 : i1 to i32
    %sign3A_1781 = arith.subi %sign3A_1777, %sign3A_1780 : i32
    %ne3A_1782 = vector.broadcast %sign3A_1781 : i32 to vector<128x1xi32>
    %ne3A_1783 = arith.cmpi ne, %sign3A_1774, %ne3A_1782 : vector<128x1xi32>
    %rem3A_1784 = vector.broadcast %jit3A_1763 : i32 to vector<128x1xi32>
    %rem3A_1785 = arith.remsi %select_n3A_1762, %rem3A_1784 : vector<128x1xi32>
    %ne3A_1786 = arith.constant 0 : i32
    %ne3A_1787 = vector.broadcast %ne3A_1786 : i32 to vector<128x1xi32>
    %ne3A_1788 = arith.cmpi ne, %rem3A_1785, %ne3A_1787 : vector<128x1xi32>
    %and3A_1789 = arith.andi %ne3A_1783, %ne3A_1788 : vector<128x1xi1>
    %sub3A_1790 = arith.constant 1 : i32
    %sub3A_1791 = vector.broadcast %sub3A_1790 : i32 to vector<128x1xi32>
    %sub3A_1792 = arith.subi %div3A_1765, %sub3A_1791 : vector<128x1xi32>
    %select_n3A_1793 = arith.select %and3A_1789, %sub3A_1792, %div3A_1765 : vector<128x1xi1>, vector<128x1xi32>
    %mul3A_1794 = arith.constant 16 : i32
    %mul3A_1795 = vector.broadcast %mul3A_1794 : i32 to vector<128x1xi32>
    %mul3A_1796 = arith.muli %select_n3A_1793, %mul3A_1795 : vector<128x1xi32>
    %sub3A_1797 = arith.subi %select_n3A_1762, %mul3A_1796 : vector<128x1xi32>
    %eq3A_1798 = vector.broadcast %select_n3A_1793 : vector<128x1xi32> to vector<128x8xi32>
    %eq3A_1799 = arith.cmpi eq, %iota3A_125, %eq3A_1798 : vector<128x8xi32>
    %jit3A_1800 = arith.constant 0 : i32
    %broadcast_in_dim3A_1801 = vector.broadcast %jit3A_1800 : i32 to vector<128x8xi32>
    %select_n3A_1802 = arith.select %eq3A_1799, %get3A_7, %broadcast_in_dim3A_1801 : vector<128x8xi1>, vector<128x8xi32>
    %reduce_sum3A_1803 = arith.constant dense<0> : vector<128xi32>
    %reduce_sum3A_1804 = vector.multi_reduction <add>, %select_n3A_1802, %reduce_sum3A_1803 [1] : vector<128x8xi32> to vector<128xi32>
    %broadcast_in_dim3A_1805 = vector.shape_cast %reduce_sum3A_1804 : vector<128xi32> to vector<128x1xi32>
    %mul3A_1806 = arith.constant 32 : i32
    %mul3A_1807 = vector.broadcast %mul3A_1806 : i32 to vector<128x1xi32>
    %mul3A_1808 = arith.muli %sub3A_1797, %mul3A_1807 : vector<128x1xi32>
    %add3A_1809 = arith.addi %select_n3A_1731, %mul3A_1808 : vector<128x1xi32>
    %min3A_1810 = arith.constant 31 : i32
    %min3A_1811 = vector.broadcast %min3A_1810 : i32 to vector<128x1xi32>
    %min3A_1812 = arith.minsi %broadcast_in_dim3A_1805, %min3A_1811 : vector<128x1xi32>
    %mul3A_1813 = arith.constant 512 : i32
    %mul3A_1814 = vector.broadcast %mul3A_1813 : i32 to vector<128x1xi32>
    %mul3A_1815 = arith.muli %min3A_1812, %mul3A_1814 : vector<128x1xi32>
    %add3A_1816 = arith.addi %add3A_1809, %mul3A_1815 : vector<128x1xi32>
    %mul3A_1817 = arith.constant 512 : i32
    %mul3A_1818 = vector.broadcast %mul3A_1817 : i32 to vector<128x1xi32>
    %mul3A_1819 = arith.muli %broadcast_in_dim3A_1805, %mul3A_1818 : vector<128x1xi32>
    %mul3A_1820 = arith.constant 32 : i32
    %mul3A_1821 = vector.broadcast %mul3A_1820 : i32 to vector<128x1xi32>
    %mul3A_1822 = arith.muli %sub3A_1797, %mul3A_1821 : vector<128x1xi32>
    %add3A_1823 = arith.addi %mul3A_1819, %mul3A_1822 : vector<128x1xi32>
    %add3A_1824 = arith.addi %add3A_1823, %select_n3A_1731 : vector<128x1xi32>
    %reduce_max3A_1825 = arith.constant dense<0xFF800000> : vector<128xf32>
    %reduce_max3A_1826 = vector.multi_reduction <maximumf>, %select_n3A_1709, %reduce_max3A_1825 [1] : vector<128x8192xf32> to vector<128xf32>
    %broadcast_in_dim3A_1827 = vector.shape_cast %reduce_max3A_1826 : vector<128xf32> to vector<128x1xf32>
    %eq3A_1828 = vector.broadcast %broadcast_in_dim3A_1827 : vector<128x1xf32> to vector<128x8192xf32>
    %eq3A_1829 = arith.cmpf oeq, %select_n3A_1709, %eq3A_1828 : vector<128x8192xf32>
    %jit3A_1830 = arith.constant -1 : i32
    %broadcast_in_dim3A_1831 = vector.broadcast %jit3A_1830 : i32 to vector<128x8192xi32>
    %select_n3A_1832 = arith.select %eq3A_1829, %select_n3A_119, %broadcast_in_dim3A_1831 : vector<128x8192xi1>, vector<128x8192xi32>
    %reduce_max3A_1833 = arith.constant dense<-2147483648> : vector<128xi32>
    %reduce_max3A_1834 = vector.multi_reduction <maxsi>, %select_n3A_1832, %reduce_max3A_1833 [1] : vector<128x8192xi32> to vector<128xi32>
    %broadcast_in_dim3A_1835 = vector.shape_cast %reduce_max3A_1834 : vector<128xi32> to vector<128x1xi32>
    %eq3A_1836 = vector.broadcast %broadcast_in_dim3A_1835 : vector<128x1xi32> to vector<128x8192xi32>
    %eq3A_1837 = arith.cmpi eq, %select_n3A_1832, %eq3A_1836 : vector<128x8192xi32>
    %jit3A_1838 = arith.constant 0xFF800000 : f32
    %broadcast_in_dim3A_1839 = vector.broadcast %jit3A_1838 : f32 to vector<128x8192xf32>
    %select_n3A_1840 = arith.select %eq3A_1837, %broadcast_in_dim3A_1839, %select_n3A_1709 : vector<128x8192xi1>, vector<128x8192xf32>
    %jit3A_1841 = arith.constant 32 : i32
    %eq3A_1842 = arith.constant 0 : i32
    %eq3A_1843 = arith.cmpi eq, %jit3A_1841, %eq3A_1842 : i32
    %jit3A_1844 = arith.constant 1 : i32
    %select_n3A_1845 = arith.select %eq3A_1843, %jit3A_1844, %jit3A_1841 : i32
    %rem3A_1846 = vector.broadcast %select_n3A_1845 : i32 to vector<128x1xi32>
    %rem3A_1847 = arith.remsi %broadcast_in_dim3A_1835, %rem3A_1846 : vector<128x1xi32>
    %ne3A_1848 = arith.constant 0 : i32
    %ne3A_1849 = vector.broadcast %ne3A_1848 : i32 to vector<128x1xi32>
    %ne3A_1850 = arith.cmpi ne, %rem3A_1847, %ne3A_1849 : vector<128x1xi32>
    %lt3A_1851 = arith.constant 0 : i32
    %lt3A_1852 = vector.broadcast %lt3A_1851 : i32 to vector<128x1xi32>
    %lt3A_1853 = arith.cmpi slt, %rem3A_1847, %lt3A_1852 : vector<128x1xi32>
    %lt3A_1854 = arith.constant 0 : i32
    %lt3A_1855 = arith.cmpi slt, %select_n3A_1845, %lt3A_1854 : i32
    %ne3A_1856 = vector.broadcast %lt3A_1855 : i1 to vector<128x1xi1>
    %ne3A_1857 = vector.broadcast %ne3A_1856 : vector<128x1xi1> to vector<128x1xi1>
    %ne3A_1858 = arith.xori %lt3A_1853, %ne3A_1857 : vector<128x1xi1>
    %and3A_1859 = arith.andi %ne3A_1858, %ne3A_1850 : vector<128x1xi1>
    %add3A_1860 = vector.broadcast %select_n3A_1845 : i32 to vector<128x1xi32>
    %add3A_1861 = arith.addi %rem3A_1847, %add3A_1860 : vector<128x1xi32>
    %select_n3A_1862 = arith.select %and3A_1859, %add3A_1861, %rem3A_1847 : vector<128x1xi1>, vector<128x1xi32>
    %jit3A_1863 = arith.constant 32 : i32
    %div3A_1864 = vector.broadcast %jit3A_1863 : i32 to vector<128x1xi32>
    %div3A_1865 = arith.divsi %broadcast_in_dim3A_1835, %div3A_1864 : vector<128x1xi32>
    %sign3A_1866 = arith.constant 0 : i32
    %sign3A_1867 = vector.broadcast %sign3A_1866 : i32 to vector<128x1xi32>
    %sign3A_1868 = arith.cmpi sgt, %broadcast_in_dim3A_1835, %sign3A_1867 : vector<128x1xi32>
    %sign3A_1869 = arith.extui %sign3A_1868 : vector<128x1xi1> to vector<128x1xi32>
    %sign3A_1870 = arith.constant 0 : i32
    %sign3A_1871 = vector.broadcast %sign3A_1870 : i32 to vector<128x1xi32>
    %sign3A_1872 = arith.cmpi slt, %broadcast_in_dim3A_1835, %sign3A_1871 : vector<128x1xi32>
    %sign3A_1873 = arith.extui %sign3A_1872 : vector<128x1xi1> to vector<128x1xi32>
    %sign3A_1874 = arith.subi %sign3A_1869, %sign3A_1873 : vector<128x1xi32>
    %sign3A_1875 = arith.constant 0 : i32
    %sign3A_1876 = arith.cmpi sgt, %jit3A_1863, %sign3A_1875 : i32
    %sign3A_1877 = arith.extui %sign3A_1876 : i1 to i32
    %sign3A_1878 = arith.constant 0 : i32
    %sign3A_1879 = arith.cmpi slt, %jit3A_1863, %sign3A_1878 : i32
    %sign3A_1880 = arith.extui %sign3A_1879 : i1 to i32
    %sign3A_1881 = arith.subi %sign3A_1877, %sign3A_1880 : i32
    %ne3A_1882 = vector.broadcast %sign3A_1881 : i32 to vector<128x1xi32>
    %ne3A_1883 = arith.cmpi ne, %sign3A_1874, %ne3A_1882 : vector<128x1xi32>
    %rem3A_1884 = vector.broadcast %jit3A_1863 : i32 to vector<128x1xi32>
    %rem3A_1885 = arith.remsi %broadcast_in_dim3A_1835, %rem3A_1884 : vector<128x1xi32>
    %ne3A_1886 = arith.constant 0 : i32
    %ne3A_1887 = vector.broadcast %ne3A_1886 : i32 to vector<128x1xi32>
    %ne3A_1888 = arith.cmpi ne, %rem3A_1885, %ne3A_1887 : vector<128x1xi32>
    %and3A_1889 = arith.andi %ne3A_1883, %ne3A_1888 : vector<128x1xi1>
    %sub3A_1890 = arith.constant 1 : i32
    %sub3A_1891 = vector.broadcast %sub3A_1890 : i32 to vector<128x1xi32>
    %sub3A_1892 = arith.subi %div3A_1865, %sub3A_1891 : vector<128x1xi32>
    %select_n3A_1893 = arith.select %and3A_1889, %sub3A_1892, %div3A_1865 : vector<128x1xi1>, vector<128x1xi32>
    %jit3A_1894 = arith.constant 16 : i32
    %div3A_1895 = vector.broadcast %jit3A_1894 : i32 to vector<128x1xi32>
    %div3A_1896 = arith.divsi %select_n3A_1893, %div3A_1895 : vector<128x1xi32>
    %sign3A_1897 = arith.constant 0 : i32
    %sign3A_1898 = vector.broadcast %sign3A_1897 : i32 to vector<128x1xi32>
    %sign3A_1899 = arith.cmpi sgt, %select_n3A_1893, %sign3A_1898 : vector<128x1xi32>
    %sign3A_1900 = arith.extui %sign3A_1899 : vector<128x1xi1> to vector<128x1xi32>
    %sign3A_1901 = arith.constant 0 : i32
    %sign3A_1902 = vector.broadcast %sign3A_1901 : i32 to vector<128x1xi32>
    %sign3A_1903 = arith.cmpi slt, %select_n3A_1893, %sign3A_1902 : vector<128x1xi32>
    %sign3A_1904 = arith.extui %sign3A_1903 : vector<128x1xi1> to vector<128x1xi32>
    %sign3A_1905 = arith.subi %sign3A_1900, %sign3A_1904 : vector<128x1xi32>
    %sign3A_1906 = arith.constant 0 : i32
    %sign3A_1907 = arith.cmpi sgt, %jit3A_1894, %sign3A_1906 : i32
    %sign3A_1908 = arith.extui %sign3A_1907 : i1 to i32
    %sign3A_1909 = arith.constant 0 : i32
    %sign3A_1910 = arith.cmpi slt, %jit3A_1894, %sign3A_1909 : i32
    %sign3A_1911 = arith.extui %sign3A_1910 : i1 to i32
    %sign3A_1912 = arith.subi %sign3A_1908, %sign3A_1911 : i32
    %ne3A_1913 = vector.broadcast %sign3A_1912 : i32 to vector<128x1xi32>
    %ne3A_1914 = arith.cmpi ne, %sign3A_1905, %ne3A_1913 : vector<128x1xi32>
    %rem3A_1915 = vector.broadcast %jit3A_1894 : i32 to vector<128x1xi32>
    %rem3A_1916 = arith.remsi %select_n3A_1893, %rem3A_1915 : vector<128x1xi32>
    %ne3A_1917 = arith.constant 0 : i32
    %ne3A_1918 = vector.broadcast %ne3A_1917 : i32 to vector<128x1xi32>
    %ne3A_1919 = arith.cmpi ne, %rem3A_1916, %ne3A_1918 : vector<128x1xi32>
    %and3A_1920 = arith.andi %ne3A_1914, %ne3A_1919 : vector<128x1xi1>
    %sub3A_1921 = arith.constant 1 : i32
    %sub3A_1922 = vector.broadcast %sub3A_1921 : i32 to vector<128x1xi32>
    %sub3A_1923 = arith.subi %div3A_1896, %sub3A_1922 : vector<128x1xi32>
    %select_n3A_1924 = arith.select %and3A_1920, %sub3A_1923, %div3A_1896 : vector<128x1xi1>, vector<128x1xi32>
    %mul3A_1925 = arith.constant 16 : i32
    %mul3A_1926 = vector.broadcast %mul3A_1925 : i32 to vector<128x1xi32>
    %mul3A_1927 = arith.muli %select_n3A_1924, %mul3A_1926 : vector<128x1xi32>
    %sub3A_1928 = arith.subi %select_n3A_1893, %mul3A_1927 : vector<128x1xi32>
    %eq3A_1929 = vector.broadcast %select_n3A_1924 : vector<128x1xi32> to vector<128x8xi32>
    %eq3A_1930 = arith.cmpi eq, %iota3A_125, %eq3A_1929 : vector<128x8xi32>
    %jit3A_1931 = arith.constant 0 : i32
    %broadcast_in_dim3A_1932 = vector.broadcast %jit3A_1931 : i32 to vector<128x8xi32>
    %select_n3A_1933 = arith.select %eq3A_1930, %get3A_7, %broadcast_in_dim3A_1932 : vector<128x8xi1>, vector<128x8xi32>
    %reduce_sum3A_1934 = arith.constant dense<0> : vector<128xi32>
    %reduce_sum3A_1935 = vector.multi_reduction <add>, %select_n3A_1933, %reduce_sum3A_1934 [1] : vector<128x8xi32> to vector<128xi32>
    %broadcast_in_dim3A_1936 = vector.shape_cast %reduce_sum3A_1935 : vector<128xi32> to vector<128x1xi32>
    %mul3A_1937 = arith.constant 32 : i32
    %mul3A_1938 = vector.broadcast %mul3A_1937 : i32 to vector<128x1xi32>
    %mul3A_1939 = arith.muli %sub3A_1928, %mul3A_1938 : vector<128x1xi32>
    %add3A_1940 = arith.addi %select_n3A_1862, %mul3A_1939 : vector<128x1xi32>
    %min3A_1941 = arith.constant 31 : i32
    %min3A_1942 = vector.broadcast %min3A_1941 : i32 to vector<128x1xi32>
    %min3A_1943 = arith.minsi %broadcast_in_dim3A_1936, %min3A_1942 : vector<128x1xi32>
    %mul3A_1944 = arith.constant 512 : i32
    %mul3A_1945 = vector.broadcast %mul3A_1944 : i32 to vector<128x1xi32>
    %mul3A_1946 = arith.muli %min3A_1943, %mul3A_1945 : vector<128x1xi32>
    %add3A_1947 = arith.addi %add3A_1940, %mul3A_1946 : vector<128x1xi32>
    %mul3A_1948 = arith.constant 512 : i32
    %mul3A_1949 = vector.broadcast %mul3A_1948 : i32 to vector<128x1xi32>
    %mul3A_1950 = arith.muli %broadcast_in_dim3A_1936, %mul3A_1949 : vector<128x1xi32>
    %mul3A_1951 = arith.constant 32 : i32
    %mul3A_1952 = vector.broadcast %mul3A_1951 : i32 to vector<128x1xi32>
    %mul3A_1953 = arith.muli %sub3A_1928, %mul3A_1952 : vector<128x1xi32>
    %add3A_1954 = arith.addi %mul3A_1950, %mul3A_1953 : vector<128x1xi32>
    %add3A_1955 = arith.addi %add3A_1954, %select_n3A_1862 : vector<128x1xi32>
    %reduce_max3A_1956 = arith.constant dense<0xFF800000> : vector<128xf32>
    %reduce_max3A_1957 = vector.multi_reduction <maximumf>, %select_n3A_1840, %reduce_max3A_1956 [1] : vector<128x8192xf32> to vector<128xf32>
    %broadcast_in_dim3A_1958 = vector.shape_cast %reduce_max3A_1957 : vector<128xf32> to vector<128x1xf32>
    %eq3A_1959 = vector.broadcast %broadcast_in_dim3A_1958 : vector<128x1xf32> to vector<128x8192xf32>
    %eq3A_1960 = arith.cmpf oeq, %select_n3A_1840, %eq3A_1959 : vector<128x8192xf32>
    %jit3A_1961 = arith.constant -1 : i32
    %broadcast_in_dim3A_1962 = vector.broadcast %jit3A_1961 : i32 to vector<128x8192xi32>
    %select_n3A_1963 = arith.select %eq3A_1960, %select_n3A_119, %broadcast_in_dim3A_1962 : vector<128x8192xi1>, vector<128x8192xi32>
    %reduce_max3A_1964 = arith.constant dense<-2147483648> : vector<128xi32>
    %reduce_max3A_1965 = vector.multi_reduction <maxsi>, %select_n3A_1963, %reduce_max3A_1964 [1] : vector<128x8192xi32> to vector<128xi32>
    %broadcast_in_dim3A_1966 = vector.shape_cast %reduce_max3A_1965 : vector<128xi32> to vector<128x1xi32>
    %eq3A_1967 = vector.broadcast %broadcast_in_dim3A_1966 : vector<128x1xi32> to vector<128x8192xi32>
    %eq3A_1968 = arith.cmpi eq, %select_n3A_1963, %eq3A_1967 : vector<128x8192xi32>
    %jit3A_1969 = arith.constant 0xFF800000 : f32
    %broadcast_in_dim3A_1970 = vector.broadcast %jit3A_1969 : f32 to vector<128x8192xf32>
    %select_n3A_1971 = arith.select %eq3A_1968, %broadcast_in_dim3A_1970, %select_n3A_1840 : vector<128x8192xi1>, vector<128x8192xf32>
    %jit3A_1972 = arith.constant 32 : i32
    %eq3A_1973 = arith.constant 0 : i32
    %eq3A_1974 = arith.cmpi eq, %jit3A_1972, %eq3A_1973 : i32
    %jit3A_1975 = arith.constant 1 : i32
    %select_n3A_1976 = arith.select %eq3A_1974, %jit3A_1975, %jit3A_1972 : i32
    %rem3A_1977 = vector.broadcast %select_n3A_1976 : i32 to vector<128x1xi32>
    %rem3A_1978 = arith.remsi %broadcast_in_dim3A_1966, %rem3A_1977 : vector<128x1xi32>
    %ne3A_1979 = arith.constant 0 : i32
    %ne3A_1980 = vector.broadcast %ne3A_1979 : i32 to vector<128x1xi32>
    %ne3A_1981 = arith.cmpi ne, %rem3A_1978, %ne3A_1980 : vector<128x1xi32>
    %lt3A_1982 = arith.constant 0 : i32
    %lt3A_1983 = vector.broadcast %lt3A_1982 : i32 to vector<128x1xi32>
    %lt3A_1984 = arith.cmpi slt, %rem3A_1978, %lt3A_1983 : vector<128x1xi32>
    %lt3A_1985 = arith.constant 0 : i32
    %lt3A_1986 = arith.cmpi slt, %select_n3A_1976, %lt3A_1985 : i32
    %ne3A_1987 = vector.broadcast %lt3A_1986 : i1 to vector<128x1xi1>
    %ne3A_1988 = vector.broadcast %ne3A_1987 : vector<128x1xi1> to vector<128x1xi1>
    %ne3A_1989 = arith.xori %lt3A_1984, %ne3A_1988 : vector<128x1xi1>
    %and3A_1990 = arith.andi %ne3A_1989, %ne3A_1981 : vector<128x1xi1>
    %add3A_1991 = vector.broadcast %select_n3A_1976 : i32 to vector<128x1xi32>
    %add3A_1992 = arith.addi %rem3A_1978, %add3A_1991 : vector<128x1xi32>
    %select_n3A_1993 = arith.select %and3A_1990, %add3A_1992, %rem3A_1978 : vector<128x1xi1>, vector<128x1xi32>
    %jit3A_1994 = arith.constant 32 : i32
    %div3A_1995 = vector.broadcast %jit3A_1994 : i32 to vector<128x1xi32>
    %div3A_1996 = arith.divsi %broadcast_in_dim3A_1966, %div3A_1995 : vector<128x1xi32>
    %sign3A_1997 = arith.constant 0 : i32
    %sign3A_1998 = vector.broadcast %sign3A_1997 : i32 to vector<128x1xi32>
    %sign3A_1999 = arith.cmpi sgt, %broadcast_in_dim3A_1966, %sign3A_1998 : vector<128x1xi32>
    %sign3A_2000 = arith.extui %sign3A_1999 : vector<128x1xi1> to vector<128x1xi32>
    %sign3A_2001 = arith.constant 0 : i32
    %sign3A_2002 = vector.broadcast %sign3A_2001 : i32 to vector<128x1xi32>
    %sign3A_2003 = arith.cmpi slt, %broadcast_in_dim3A_1966, %sign3A_2002 : vector<128x1xi32>
    %sign3A_2004 = arith.extui %sign3A_2003 : vector<128x1xi1> to vector<128x1xi32>
    %sign3A_2005 = arith.subi %sign3A_2000, %sign3A_2004 : vector<128x1xi32>
    %sign3A_2006 = arith.constant 0 : i32
    %sign3A_2007 = arith.cmpi sgt, %jit3A_1994, %sign3A_2006 : i32
    %sign3A_2008 = arith.extui %sign3A_2007 : i1 to i32
    %sign3A_2009 = arith.constant 0 : i32
    %sign3A_2010 = arith.cmpi slt, %jit3A_1994, %sign3A_2009 : i32
    %sign3A_2011 = arith.extui %sign3A_2010 : i1 to i32
    %sign3A_2012 = arith.subi %sign3A_2008, %sign3A_2011 : i32
    %ne3A_2013 = vector.broadcast %sign3A_2012 : i32 to vector<128x1xi32>
    %ne3A_2014 = arith.cmpi ne, %sign3A_2005, %ne3A_2013 : vector<128x1xi32>
    %rem3A_2015 = vector.broadcast %jit3A_1994 : i32 to vector<128x1xi32>
    %rem3A_2016 = arith.remsi %broadcast_in_dim3A_1966, %rem3A_2015 : vector<128x1xi32>
    %ne3A_2017 = arith.constant 0 : i32
    %ne3A_2018 = vector.broadcast %ne3A_2017 : i32 to vector<128x1xi32>
    %ne3A_2019 = arith.cmpi ne, %rem3A_2016, %ne3A_2018 : vector<128x1xi32>
    %and3A_2020 = arith.andi %ne3A_2014, %ne3A_2019 : vector<128x1xi1>
    %sub3A_2021 = arith.constant 1 : i32
    %sub3A_2022 = vector.broadcast %sub3A_2021 : i32 to vector<128x1xi32>
    %sub3A_2023 = arith.subi %div3A_1996, %sub3A_2022 : vector<128x1xi32>
    %select_n3A_2024 = arith.select %and3A_2020, %sub3A_2023, %div3A_1996 : vector<128x1xi1>, vector<128x1xi32>
    %jit3A_2025 = arith.constant 16 : i32
    %div3A_2026 = vector.broadcast %jit3A_2025 : i32 to vector<128x1xi32>
    %div3A_2027 = arith.divsi %select_n3A_2024, %div3A_2026 : vector<128x1xi32>
    %sign3A_2028 = arith.constant 0 : i32
    %sign3A_2029 = vector.broadcast %sign3A_2028 : i32 to vector<128x1xi32>
    %sign3A_2030 = arith.cmpi sgt, %select_n3A_2024, %sign3A_2029 : vector<128x1xi32>
    %sign3A_2031 = arith.extui %sign3A_2030 : vector<128x1xi1> to vector<128x1xi32>
    %sign3A_2032 = arith.constant 0 : i32
    %sign3A_2033 = vector.broadcast %sign3A_2032 : i32 to vector<128x1xi32>
    %sign3A_2034 = arith.cmpi slt, %select_n3A_2024, %sign3A_2033 : vector<128x1xi32>
    %sign3A_2035 = arith.extui %sign3A_2034 : vector<128x1xi1> to vector<128x1xi32>
    %sign3A_2036 = arith.subi %sign3A_2031, %sign3A_2035 : vector<128x1xi32>
    %sign3A_2037 = arith.constant 0 : i32
    %sign3A_2038 = arith.cmpi sgt, %jit3A_2025, %sign3A_2037 : i32
    %sign3A_2039 = arith.extui %sign3A_2038 : i1 to i32
    %sign3A_2040 = arith.constant 0 : i32
    %sign3A_2041 = arith.cmpi slt, %jit3A_2025, %sign3A_2040 : i32
    %sign3A_2042 = arith.extui %sign3A_2041 : i1 to i32
    %sign3A_2043 = arith.subi %sign3A_2039, %sign3A_2042 : i32
    %ne3A_2044 = vector.broadcast %sign3A_2043 : i32 to vector<128x1xi32>
    %ne3A_2045 = arith.cmpi ne, %sign3A_2036, %ne3A_2044 : vector<128x1xi32>
    %rem3A_2046 = vector.broadcast %jit3A_2025 : i32 to vector<128x1xi32>
    %rem3A_2047 = arith.remsi %select_n3A_2024, %rem3A_2046 : vector<128x1xi32>
    %ne3A_2048 = arith.constant 0 : i32
    %ne3A_2049 = vector.broadcast %ne3A_2048 : i32 to vector<128x1xi32>
    %ne3A_2050 = arith.cmpi ne, %rem3A_2047, %ne3A_2049 : vector<128x1xi32>
    %and3A_2051 = arith.andi %ne3A_2045, %ne3A_2050 : vector<128x1xi1>
    %sub3A_2052 = arith.constant 1 : i32
    %sub3A_2053 = vector.broadcast %sub3A_2052 : i32 to vector<128x1xi32>
    %sub3A_2054 = arith.subi %div3A_2027, %sub3A_2053 : vector<128x1xi32>
    %select_n3A_2055 = arith.select %and3A_2051, %sub3A_2054, %div3A_2027 : vector<128x1xi1>, vector<128x1xi32>
    %mul3A_2056 = arith.constant 16 : i32
    %mul3A_2057 = vector.broadcast %mul3A_2056 : i32 to vector<128x1xi32>
    %mul3A_2058 = arith.muli %select_n3A_2055, %mul3A_2057 : vector<128x1xi32>
    %sub3A_2059 = arith.subi %select_n3A_2024, %mul3A_2058 : vector<128x1xi32>
    %eq3A_2060 = vector.broadcast %select_n3A_2055 : vector<128x1xi32> to vector<128x8xi32>
    %eq3A_2061 = arith.cmpi eq, %iota3A_125, %eq3A_2060 : vector<128x8xi32>
    %jit3A_2062 = arith.constant 0 : i32
    %broadcast_in_dim3A_2063 = vector.broadcast %jit3A_2062 : i32 to vector<128x8xi32>
    %select_n3A_2064 = arith.select %eq3A_2061, %get3A_7, %broadcast_in_dim3A_2063 : vector<128x8xi1>, vector<128x8xi32>
    %reduce_sum3A_2065 = arith.constant dense<0> : vector<128xi32>
    %reduce_sum3A_2066 = vector.multi_reduction <add>, %select_n3A_2064, %reduce_sum3A_2065 [1] : vector<128x8xi32> to vector<128xi32>
    %broadcast_in_dim3A_2067 = vector.shape_cast %reduce_sum3A_2066 : vector<128xi32> to vector<128x1xi32>
    %mul3A_2068 = arith.constant 32 : i32
    %mul3A_2069 = vector.broadcast %mul3A_2068 : i32 to vector<128x1xi32>
    %mul3A_2070 = arith.muli %sub3A_2059, %mul3A_2069 : vector<128x1xi32>
    %add3A_2071 = arith.addi %select_n3A_1993, %mul3A_2070 : vector<128x1xi32>
    %min3A_2072 = arith.constant 31 : i32
    %min3A_2073 = vector.broadcast %min3A_2072 : i32 to vector<128x1xi32>
    %min3A_2074 = arith.minsi %broadcast_in_dim3A_2067, %min3A_2073 : vector<128x1xi32>
    %mul3A_2075 = arith.constant 512 : i32
    %mul3A_2076 = vector.broadcast %mul3A_2075 : i32 to vector<128x1xi32>
    %mul3A_2077 = arith.muli %min3A_2074, %mul3A_2076 : vector<128x1xi32>
    %add3A_2078 = arith.addi %add3A_2071, %mul3A_2077 : vector<128x1xi32>
    %mul3A_2079 = arith.constant 512 : i32
    %mul3A_2080 = vector.broadcast %mul3A_2079 : i32 to vector<128x1xi32>
    %mul3A_2081 = arith.muli %broadcast_in_dim3A_2067, %mul3A_2080 : vector<128x1xi32>
    %mul3A_2082 = arith.constant 32 : i32
    %mul3A_2083 = vector.broadcast %mul3A_2082 : i32 to vector<128x1xi32>
    %mul3A_2084 = arith.muli %sub3A_2059, %mul3A_2083 : vector<128x1xi32>
    %add3A_2085 = arith.addi %mul3A_2081, %mul3A_2084 : vector<128x1xi32>
    %add3A_2086 = arith.addi %add3A_2085, %select_n3A_1993 : vector<128x1xi32>
    %reduce_max3A_2087 = arith.constant dense<0xFF800000> : vector<128xf32>
    %reduce_max3A_2088 = vector.multi_reduction <maximumf>, %select_n3A_1971, %reduce_max3A_2087 [1] : vector<128x8192xf32> to vector<128xf32>
    %broadcast_in_dim3A_2089 = vector.shape_cast %reduce_max3A_2088 : vector<128xf32> to vector<128x1xf32>
    %eq3A_2090 = vector.broadcast %broadcast_in_dim3A_2089 : vector<128x1xf32> to vector<128x8192xf32>
    %eq3A_2091 = arith.cmpf oeq, %select_n3A_1971, %eq3A_2090 : vector<128x8192xf32>
    %jit3A_2092 = arith.constant -1 : i32
    %broadcast_in_dim3A_2093 = vector.broadcast %jit3A_2092 : i32 to vector<128x8192xi32>
    %select_n3A_2094 = arith.select %eq3A_2091, %select_n3A_119, %broadcast_in_dim3A_2093 : vector<128x8192xi1>, vector<128x8192xi32>
    %reduce_max3A_2095 = arith.constant dense<-2147483648> : vector<128xi32>
    %reduce_max3A_2096 = vector.multi_reduction <maxsi>, %select_n3A_2094, %reduce_max3A_2095 [1] : vector<128x8192xi32> to vector<128xi32>
    %broadcast_in_dim3A_2097 = vector.shape_cast %reduce_max3A_2096 : vector<128xi32> to vector<128x1xi32>
    %jit3A_2098 = arith.constant 32 : i32
    %eq3A_2099 = arith.constant 0 : i32
    %eq3A_2100 = arith.cmpi eq, %jit3A_2098, %eq3A_2099 : i32
    %jit3A_2101 = arith.constant 1 : i32
    %select_n3A_2102 = arith.select %eq3A_2100, %jit3A_2101, %jit3A_2098 : i32
    %rem3A_2103 = vector.broadcast %select_n3A_2102 : i32 to vector<128x1xi32>
    %rem3A_2104 = arith.remsi %broadcast_in_dim3A_2097, %rem3A_2103 : vector<128x1xi32>
    %ne3A_2105 = arith.constant 0 : i32
    %ne3A_2106 = vector.broadcast %ne3A_2105 : i32 to vector<128x1xi32>
    %ne3A_2107 = arith.cmpi ne, %rem3A_2104, %ne3A_2106 : vector<128x1xi32>
    %lt3A_2108 = arith.constant 0 : i32
    %lt3A_2109 = vector.broadcast %lt3A_2108 : i32 to vector<128x1xi32>
    %lt3A_2110 = arith.cmpi slt, %rem3A_2104, %lt3A_2109 : vector<128x1xi32>
    %lt3A_2111 = arith.constant 0 : i32
    %lt3A_2112 = arith.cmpi slt, %select_n3A_2102, %lt3A_2111 : i32
    %ne3A_2113 = vector.broadcast %lt3A_2112 : i1 to vector<128x1xi1>
    %ne3A_2114 = vector.broadcast %ne3A_2113 : vector<128x1xi1> to vector<128x1xi1>
    %ne3A_2115 = arith.xori %lt3A_2110, %ne3A_2114 : vector<128x1xi1>
    %and3A_2116 = arith.andi %ne3A_2115, %ne3A_2107 : vector<128x1xi1>
    %add3A_2117 = vector.broadcast %select_n3A_2102 : i32 to vector<128x1xi32>
    %add3A_2118 = arith.addi %rem3A_2104, %add3A_2117 : vector<128x1xi32>
    %select_n3A_2119 = arith.select %and3A_2116, %add3A_2118, %rem3A_2104 : vector<128x1xi1>, vector<128x1xi32>
    %jit3A_2120 = arith.constant 32 : i32
    %div3A_2121 = vector.broadcast %jit3A_2120 : i32 to vector<128x1xi32>
    %div3A_2122 = arith.divsi %broadcast_in_dim3A_2097, %div3A_2121 : vector<128x1xi32>
    %sign3A_2123 = arith.constant 0 : i32
    %sign3A_2124 = vector.broadcast %sign3A_2123 : i32 to vector<128x1xi32>
    %sign3A_2125 = arith.cmpi sgt, %broadcast_in_dim3A_2097, %sign3A_2124 : vector<128x1xi32>
    %sign3A_2126 = arith.extui %sign3A_2125 : vector<128x1xi1> to vector<128x1xi32>
    %sign3A_2127 = arith.constant 0 : i32
    %sign3A_2128 = vector.broadcast %sign3A_2127 : i32 to vector<128x1xi32>
    %sign3A_2129 = arith.cmpi slt, %broadcast_in_dim3A_2097, %sign3A_2128 : vector<128x1xi32>
    %sign3A_2130 = arith.extui %sign3A_2129 : vector<128x1xi1> to vector<128x1xi32>
    %sign3A_2131 = arith.subi %sign3A_2126, %sign3A_2130 : vector<128x1xi32>
    %sign3A_2132 = arith.constant 0 : i32
    %sign3A_2133 = arith.cmpi sgt, %jit3A_2120, %sign3A_2132 : i32
    %sign3A_2134 = arith.extui %sign3A_2133 : i1 to i32
    %sign3A_2135 = arith.constant 0 : i32
    %sign3A_2136 = arith.cmpi slt, %jit3A_2120, %sign3A_2135 : i32
    %sign3A_2137 = arith.extui %sign3A_2136 : i1 to i32
    %sign3A_2138 = arith.subi %sign3A_2134, %sign3A_2137 : i32
    %ne3A_2139 = vector.broadcast %sign3A_2138 : i32 to vector<128x1xi32>
    %ne3A_2140 = arith.cmpi ne, %sign3A_2131, %ne3A_2139 : vector<128x1xi32>
    %rem3A_2141 = vector.broadcast %jit3A_2120 : i32 to vector<128x1xi32>
    %rem3A_2142 = arith.remsi %broadcast_in_dim3A_2097, %rem3A_2141 : vector<128x1xi32>
    %ne3A_2143 = arith.constant 0 : i32
    %ne3A_2144 = vector.broadcast %ne3A_2143 : i32 to vector<128x1xi32>
    %ne3A_2145 = arith.cmpi ne, %rem3A_2142, %ne3A_2144 : vector<128x1xi32>
    %and3A_2146 = arith.andi %ne3A_2140, %ne3A_2145 : vector<128x1xi1>
    %sub3A_2147 = arith.constant 1 : i32
    %sub3A_2148 = vector.broadcast %sub3A_2147 : i32 to vector<128x1xi32>
    %sub3A_2149 = arith.subi %div3A_2122, %sub3A_2148 : vector<128x1xi32>
    %select_n3A_2150 = arith.select %and3A_2146, %sub3A_2149, %div3A_2122 : vector<128x1xi1>, vector<128x1xi32>
    %jit3A_2151 = arith.constant 16 : i32
    %div3A_2152 = vector.broadcast %jit3A_2151 : i32 to vector<128x1xi32>
    %div3A_2153 = arith.divsi %select_n3A_2150, %div3A_2152 : vector<128x1xi32>
    %sign3A_2154 = arith.constant 0 : i32
    %sign3A_2155 = vector.broadcast %sign3A_2154 : i32 to vector<128x1xi32>
    %sign3A_2156 = arith.cmpi sgt, %select_n3A_2150, %sign3A_2155 : vector<128x1xi32>
    %sign3A_2157 = arith.extui %sign3A_2156 : vector<128x1xi1> to vector<128x1xi32>
    %sign3A_2158 = arith.constant 0 : i32
    %sign3A_2159 = vector.broadcast %sign3A_2158 : i32 to vector<128x1xi32>
    %sign3A_2160 = arith.cmpi slt, %select_n3A_2150, %sign3A_2159 : vector<128x1xi32>
    %sign3A_2161 = arith.extui %sign3A_2160 : vector<128x1xi1> to vector<128x1xi32>
    %sign3A_2162 = arith.subi %sign3A_2157, %sign3A_2161 : vector<128x1xi32>
    %sign3A_2163 = arith.constant 0 : i32
    %sign3A_2164 = arith.cmpi sgt, %jit3A_2151, %sign3A_2163 : i32
    %sign3A_2165 = arith.extui %sign3A_2164 : i1 to i32
    %sign3A_2166 = arith.constant 0 : i32
    %sign3A_2167 = arith.cmpi slt, %jit3A_2151, %sign3A_2166 : i32
    %sign3A_2168 = arith.extui %sign3A_2167 : i1 to i32
    %sign3A_2169 = arith.subi %sign3A_2165, %sign3A_2168 : i32
    %ne3A_2170 = vector.broadcast %sign3A_2169 : i32 to vector<128x1xi32>
    %ne3A_2171 = arith.cmpi ne, %sign3A_2162, %ne3A_2170 : vector<128x1xi32>
    %rem3A_2172 = vector.broadcast %jit3A_2151 : i32 to vector<128x1xi32>
    %rem3A_2173 = arith.remsi %select_n3A_2150, %rem3A_2172 : vector<128x1xi32>
    %ne3A_2174 = arith.constant 0 : i32
    %ne3A_2175 = vector.broadcast %ne3A_2174 : i32 to vector<128x1xi32>
    %ne3A_2176 = arith.cmpi ne, %rem3A_2173, %ne3A_2175 : vector<128x1xi32>
    %and3A_2177 = arith.andi %ne3A_2171, %ne3A_2176 : vector<128x1xi1>
    %sub3A_2178 = arith.constant 1 : i32
    %sub3A_2179 = vector.broadcast %sub3A_2178 : i32 to vector<128x1xi32>
    %sub3A_2180 = arith.subi %div3A_2153, %sub3A_2179 : vector<128x1xi32>
    %select_n3A_2181 = arith.select %and3A_2177, %sub3A_2180, %div3A_2153 : vector<128x1xi1>, vector<128x1xi32>
    %mul3A_2182 = arith.constant 16 : i32
    %mul3A_2183 = vector.broadcast %mul3A_2182 : i32 to vector<128x1xi32>
    %mul3A_2184 = arith.muli %select_n3A_2181, %mul3A_2183 : vector<128x1xi32>
    %sub3A_2185 = arith.subi %select_n3A_2150, %mul3A_2184 : vector<128x1xi32>
    %eq3A_2186 = vector.broadcast %select_n3A_2181 : vector<128x1xi32> to vector<128x8xi32>
    %eq3A_2187 = arith.cmpi eq, %iota3A_125, %eq3A_2186 : vector<128x8xi32>
    %jit3A_2188 = arith.constant 0 : i32
    %broadcast_in_dim3A_2189 = vector.broadcast %jit3A_2188 : i32 to vector<128x8xi32>
    %select_n3A_2190 = arith.select %eq3A_2187, %get3A_7, %broadcast_in_dim3A_2189 : vector<128x8xi1>, vector<128x8xi32>
    %reduce_sum3A_2191 = arith.constant dense<0> : vector<128xi32>
    %reduce_sum3A_2192 = vector.multi_reduction <add>, %select_n3A_2190, %reduce_sum3A_2191 [1] : vector<128x8xi32> to vector<128xi32>
    %broadcast_in_dim3A_2193 = vector.shape_cast %reduce_sum3A_2192 : vector<128xi32> to vector<128x1xi32>
    %mul3A_2194 = arith.constant 32 : i32
    %mul3A_2195 = vector.broadcast %mul3A_2194 : i32 to vector<128x1xi32>
    %mul3A_2196 = arith.muli %sub3A_2185, %mul3A_2195 : vector<128x1xi32>
    %add3A_2197 = arith.addi %select_n3A_2119, %mul3A_2196 : vector<128x1xi32>
    %min3A_2198 = arith.constant 31 : i32
    %min3A_2199 = vector.broadcast %min3A_2198 : i32 to vector<128x1xi32>
    %min3A_2200 = arith.minsi %broadcast_in_dim3A_2193, %min3A_2199 : vector<128x1xi32>
    %mul3A_2201 = arith.constant 512 : i32
    %mul3A_2202 = vector.broadcast %mul3A_2201 : i32 to vector<128x1xi32>
    %mul3A_2203 = arith.muli %min3A_2200, %mul3A_2202 : vector<128x1xi32>
    %add3A_2204 = arith.addi %add3A_2197, %mul3A_2203 : vector<128x1xi32>
    %mul3A_2205 = arith.constant 512 : i32
    %mul3A_2206 = vector.broadcast %mul3A_2205 : i32 to vector<128x1xi32>
    %mul3A_2207 = arith.muli %broadcast_in_dim3A_2193, %mul3A_2206 : vector<128x1xi32>
    %mul3A_2208 = arith.constant 32 : i32
    %mul3A_2209 = vector.broadcast %mul3A_2208 : i32 to vector<128x1xi32>
    %mul3A_2210 = arith.muli %sub3A_2185, %mul3A_2209 : vector<128x1xi32>
    %add3A_2211 = arith.addi %mul3A_2207, %mul3A_2210 : vector<128x1xi32>
    %add3A_2212 = arith.addi %add3A_2211, %select_n3A_2119 : vector<128x1xi32>
    %concatenate3A = tpu.concatenate %broadcast_in_dim3A_127, %broadcast_in_dim3A_255, %broadcast_in_dim3A_386, %broadcast_in_dim3A_517, %broadcast_in_dim3A_648, %broadcast_in_dim3A_779, %broadcast_in_dim3A_910, %broadcast_in_dim3A_1041, %broadcast_in_dim3A_1172, %broadcast_in_dim3A_1303, %broadcast_in_dim3A_1434, %broadcast_in_dim3A_1565, %broadcast_in_dim3A_1696, %broadcast_in_dim3A_1827, %broadcast_in_dim3A_1958, %broadcast_in_dim3A_2089 in 1 : vector<128x1xf32>, vector<128x1xf32>, vector<128x1xf32>, vector<128x1xf32>, vector<128x1xf32>, vector<128x1xf32>, vector<128x1xf32>, vector<128x1xf32>, vector<128x1xf32>, vector<128x1xf32>, vector<128x1xf32>, vector<128x1xf32>, vector<128x1xf32>, vector<128x1xf32>, vector<128x1xf32>, vector<128x1xf32> -> vector<128x16xf32>
    %swap3A = arith.constant 0 : index
    %swap3A_2213 = arith.constant 0 : index
    %swap3A_2214 = vector.load %arg4[%swap3A, %swap3A_2213] : memref<128x16xf32, #tpu.memory_space<vmem>>, vector<128x16xf32>
    tpu.vector_store %arg4[%swap3A, %swap3A_2213], %concatenate3A {strides = array<i32>} : memref<128x16xf32, #tpu.memory_space<vmem>>, vector<128x16xf32>,
    %concatenate3A_2215 = tpu.concatenate %add3A_244, %add3A_375, %add3A_506, %add3A_637, %add3A_768, %add3A_899, %add3A_1030, %add3A_1161, %add3A_1292, %add3A_1423, %add3A_1554, %add3A_1685, %add3A_1816, %add3A_1947, %add3A_2078, %add3A_2204 in 1 : vector<128x1xi32>, vector<128x1xi32>, vector<128x1xi32>, vector<128x1xi32>, vector<128x1xi32>, vector<128x1xi32>, vector<128x1xi32>, vector<128x1xi32>, vector<128x1xi32>, vector<128x1xi32>, vector<128x1xi32>, vector<128x1xi32>, vector<128x1xi32>, vector<128x1xi32>, vector<128x1xi32>, vector<128x1xi32> -> vector<128x16xi32>
    %swap3A_2216 = arith.constant 0 : index
    %swap3A_2217 = arith.constant 0 : index
    %swap3A_2218 = vector.load %arg5[%swap3A_2216, %swap3A_2217] : memref<128x16xi32, #tpu.memory_space<vmem>>, vector<128x16xi32>
    tpu.vector_store %arg5[%swap3A_2216, %swap3A_2217], %concatenate3A_2215 {strides = array<i32>} : memref<128x16xi32, #tpu.memory_space<vmem>>, vector<128x16xi32>,
    %concatenate3A_2219 = tpu.concatenate %add3A_252, %add3A_383, %add3A_514, %add3A_645, %add3A_776, %add3A_907, %add3A_1038, %add3A_1169, %add3A_1300, %add3A_1431, %add3A_1562, %add3A_1693, %add3A_1824, %add3A_1955, %add3A_2086, %add3A_2212 in 1 : vector<128x1xi32>, vector<128x1xi32>, vector<128x1xi32>, vector<128x1xi32>, vector<128x1xi32>, vector<128x1xi32>, vector<128x1xi32>, vector<128x1xi32>, vector<128x1xi32>, vector<128x1xi32>, vector<128x1xi32>, vector<128x1xi32>, vector<128x1xi32>, vector<128x1xi32>, vector<128x1xi32>, vector<128x1xi32> -> vector<128x16xi32>
    %swap3A_2220 = arith.constant 0 : index
    %swap3A_2221 = arith.constant 0 : index
    %swap3A_2222 = vector.load %arg6[%swap3A_2220, %swap3A_2221] : memref<128x16xi32, #tpu.memory_space<vmem>>, vector<128x16xi32>
    tpu.vector_store %arg6[%swap3A_2220, %swap3A_2221], %concatenate3A_2219 {strides = array<i32>} : memref<128x16xi32, #tpu.memory_space<vmem>>, vector<128x16xi32>,
    return
  }
  func.func @transform_0(%arg0: i32) -> (i32, i32) {
    %c0_i32 = arith.constant 0 : i32
    %c0_i32_0 = arith.constant 0 : i32
    return %arg0, %c0_i32 : i32, i32
  }
  func.func @transform_1(%arg0: i32) -> (i32, i32) {
    %c0_i32 = arith.constant 0 : i32
    %c0_i32_0 = arith.constant 0 : i32
    return %arg0, %c0_i32 : i32, i32
  }
  func.func @transform_2(%arg0: i32) -> (i32, i32) {
    %c0_i32 = arith.constant 0 : i32
    %c0_i32_0 = arith.constant 0 : i32
    return %arg0, %c0_i32 : i32, i32
  }
  func.func @transform_3(%arg0: i32) -> (i32, i32) {
    %c0_i32 = arith.constant 0 : i32
    %c0_i32_0 = arith.constant 0 : i32
    return %arg0, %c0_i32 : i32, i32
  }
  func.func @transform_4(%arg0: i32) -> (i32, i32) {
    %c0_i32 = arith.constant 0 : i32
    %c0_i32_0 = arith.constant 0 : i32
    return %arg0, %c0_i32 : i32, i32
  }
  func.func @transform_5(%arg0: i32) -> (i32, i32) {
    %c0_i32 = arith.constant 0 : i32
    %c0_i32_0 = arith.constant 0 : i32
    return %arg0, %c0_i32 : i32, i32
  }
}

module attributes {stable_mosaic.version = 14 : i64} {
  func.func @_k6_body(%arg0: memref<16384x128xf32, #tpu.memory_space<vmem>>, %arg1: memref<16384x1xi32, #tpu.memory_space<vmem>>, %arg2: memref<16384x64xf32, #tpu.memory_space<vmem>>) attributes {dimension_semantics = [], scalar_prefetch = 0 : i64, scratch_operands = 0 : i64, tpu.core_type = #tpu.core_type<tc>} {
    %get3A = arith.constant 0 : index
    %get3A_0 = arith.constant 0 : index
    %get3A_1 = vector.load %arg0[%get3A, %get3A_0] : memref<16384x128xf32, #tpu.memory_space<vmem>>, vector<16384x128xf32>
    %get3A_2 = arith.constant 0 : index
    %get3A_3 = arith.constant 0 : index
    %get3A_4 = vector.load %arg1[%get3A_2, %get3A_3] : memref<16384x1xi32, #tpu.memory_space<vmem>>, vector<16384x1xi32>
    %eq3A = arith.constant 1 : i32
    %eq3A_5 = vector.broadcast %eq3A : i32 to vector<16384x1xi32>
    %eq3A_6 = arith.cmpi eq, %get3A_4, %eq3A_5 : vector<16384x1xi32>
    %slice3A = vector.extract_strided_slice %get3A_1 {offsets = [0, 64], sizes = [16384, 64], strides = [1, 1]} : vector<16384x128xf32> to vector<16384x64xf32>
    %slice3A_7 = vector.extract_strided_slice %get3A_1 {offsets = [0, 0], sizes = [16384, 64], strides = [1, 1]} : vector<16384x128xf32> to vector<16384x64xf32>
    %broadcast_in_dim3A = vector.shape_cast %eq3A_6 : vector<16384x1xi1> to vector<16384x1xi1>
    %broadcast_in_dim3A_8 = vector.broadcast %broadcast_in_dim3A : vector<16384x1xi1> to vector<16384x64xi1>
    %select_n3A = arith.select %broadcast_in_dim3A_8, %slice3A, %slice3A_7 : vector<16384x64xi1>, vector<16384x64xf32>
    %swap3A = arith.constant 0 : index
    %swap3A_9 = arith.constant 0 : index
    %swap3A_10 = vector.load %arg2[%swap3A, %swap3A_9] : memref<16384x64xf32, #tpu.memory_space<vmem>>, vector<16384x64xf32>
    tpu.vector_store %arg2[%swap3A, %swap3A_9], %select_n3A {strides = array<i32>} : memref<16384x64xf32, #tpu.memory_space<vmem>>, vector<16384x64xf32>,
    return
  }
}

</mosaic_0001>

<sc_bundles>
// kernel: kernel.7.cloned.1.call-start
scs
__scs_entry_jumppad:
0x0: {  	(pc) =	sbr.rel $0x88, $3  }
0x1: {  	(tag) =	ssettag $0x0;
	lr =	simm.s32 $0x1  }
0x2: {  	[smem:$0x3F9E] =	sst lr;
	_ =	strace $0xD0000000  }
0x3: {  	_ = 	snop  }
0x4: {  	_ = 	snop  }
0x5: {  	_ = 	snop  }
0x6: {  	_ = 	snop  }
0x7: {  	_ = 	snop  }
__scs_overlays_trampoline_lowered:
0x8: {  	[smem:$0x3FAD] =	sst s0  }
0x9: {  	[smem:$0x3FAE] =	sst s1  }
0xa: {  	[smem:$0x3FAF] =	sst s2  }
0xb: {  	[smem:$0x3FB0] =	sst s3  }
0xc: {  	[smem:$0x3FB1] =	sst s4  }
0xd: {  	[smem:$0x3FB2] =	sst s5  }
0xe: {  	[smem:$0x3FB3] =	sst s6  }
0xf: {  	[smem:$0x3FB4] =	sst s7  }
0x10: {  	[smem:$0x3FB5] =	sst s8  }
0x11: {  	[smem:$0x3FB6] =	sst s9;
	s0 =	simm.s32 @!p0 $0x0  }
0x12: {  	s1 =	sld [smem:$0x3F9C];
	s0 =	simm.s32 @p0 $0x1  }
0x13: {  	[smem:$0x3FB7] =	sst s0;
	s0 =	simm.s32 @!p1 $0x0  }
0x14: {  	s2 =	sld [smem:$0x3F9B];
	s0 =	simm.s32 @p1 $0x1  }
0x15: {  	[smem:$0x3FB8] =	sst s0;
	s0 =	simm.s32 @!p2 $0x0  }
0x16: {  	s3 =	sld [smem:$0x3FDB];
	s0 =	simm.s32 @p2 $0x1  }
0x17: {  	s4 =	simm.s32 $0x1BF5;
	[smem:$0x3FBA] =	sst s0  }
0x18: {  	s0 =	sld [smem:$0x3F9D];
	_ =	swait.ge [sflag:s4], $0x0  }
0x19: {  	s7 =	sld [smem:$0x3F9E]  }
0x1a: {  	s8 =	sadd.s32 $0xFFFFE003, lr  }
0x1b: {  	s9 =	sadd.s32 $0xFFFFFEF7, lr;
	s5 =	simm.s32 $0xFFFFFFFF;
	p2 =	slt.u32 s8, $0xFFFFF086  }
0x1c: {  	p1 =	slt.u32 s9, $0xF7A;
	s5 =	simm.s32 @!p2 $0x0  }
0x1d: {  	s5 =	simm.s32 @p1 $0x1;
	p0 =	seq.s32 s7, s2  }
0x1e: {  	s7 =	smul.u32 @!p0 $0xF7A, s2;
	p2 =	seq.s32 @!p0 s5, $0x0  }
0x1f: {  	s9 =	smul.u32 $0xF7A, s1;
	s8 =	simm.s32 @!p0 $0x1BF5;
	p2 =	por !p2, p0  }
0x20: {  	[sflag:s8] =	ssyncset.s32 @!p0 $0xFFFFF086;
	s6 =	sadd.s32 @!p0 s3, s7;
	s7 =	simm.s32 @!p0 $0x108  }
0x21: {  	s3 =	sadd.s32 s3, s9;
	s6 =	sadd.s32 @!p0 $0x88, s6;
	s7 =	simm.s32 @p2 $0x1082  }
0x22: {  	[simem:s7], [sflag:s8] =	dma.local @!p0 [hbm:s6], $0xF7A  }
0x23: {  	s9 =	sor.u32 $0xD0000000, s2;
	s6 =	simm.s32 $0x108;
	_ =	swait.ge @!p0 [sflag:s8], $0x0  }
0x24: {  	s3 =	sadd.s32 $0x88, s3;
	s6 =	simm.s32 @!p1 $0x1082;
	[sflag:s4] =	ssyncset.s32 $0xFFFFF086  }
0x25: {  	[simem:s6], [sflag:s4] =	dma.local [hbm:s3], $0xF7A  }
0x26: {  	[smem:$0x3F9E] =	sst s1;
	(tag) =	ssettag s2;
	_ =	strace s9  }
0x27: {  	s1 =	sld [smem:$0x3FAE]  }
0x28: {  	s2 =	sld [smem:$0x3FAF]  }
0x29: {  	s4 =	sld [smem:$0x3FB1]  }
0x2a: {  	p0 =	seq.s32 s5, $0x0;
	s5 =	sld [smem:$0x3FB2]  }
0x2b: {  	s6 =	sld [smem:$0x3FB3]  }
0x2c: {  	s7 =	sld [smem:$0x3FB4]  }
0x2d: {  	s3 =	simm.s32 $0x108;
	s8 =	sld [smem:$0x3FB5]  }
0x2e: {  	s3 =	simm.s32 @!p0 $0x1082;
	s9 =	sld [smem:$0x3FB6]  }
0x2f: {  	lr =	sadd.s32 s0, s3;
	s0 =	sld [smem:$0x3FAD]  }
0x30: {  	s3 =	sld [smem:$0x3FB0]  }
0x31: {  	[smem:$0x3FB9] =	sst s10  }
0x32: {  	s10 =	sld [smem:$0x3FB7];
	_ =	sdelay $0x3  }
0x33: {  	p0 =	seq.s32 s10, $0x1;
	s10 =	sld [smem:$0x3FB9];
	_ =	sdelay $0x3  }
0x34: {  	[smem:$0x3FB9] =	sst s10  }
0x35: {  	s10 =	sld [smem:$0x3FB8];
	_ =	sdelay $0x3  }
0x36: {  	p1 =	seq.s32 s10, $0x1;
	s10 =	sld [smem:$0x3FB9];
	_ =	sdelay $0x3  }
0x37: {  	[smem:$0x3FB9] =	sst s10  }
0x38: {  	s10 =	sld [smem:$0x3FBA]  }
0x39: {  	_ = 	snop;
	(pc) =	sbr.ind lr, $3  }
0x3a: {  	_ = 	snop  }
0x3b: {  	_ = 	snop  }
0x3c: {  	p2 =	seq.s32 s10, $0x1;
	s10 =	sld [smem:$0x3FB9]  }
0x3d: {  	_ =	shalt  }
0x3e: {  	_ =	shalt  }
0x3f: {  	_ =	shalt  }
0x40: {  	_ =	shalt  }
0x41: {  	_ =	shalt  }
0x42: {  	_ =	shalt  }
0x43: {  	_ =	shalt  }
0x44: {  	_ =	shalt  }
0x45: {  	_ =	shalt  }
0x46: {  	_ =	shalt  }
0x47: {  	_ =	shalt  }
0x48: {  	_ =	shalt  }
0x49: {  	_ =	shalt  }
0x4a: {  	_ =	shalt  }
0x4b: {  	_ =	shalt  }
0x4c: {  	_ =	shalt  }
0x4d: {  	_ =	shalt  }
0x4e: {  	_ =	shalt  }
0x4f: {  	_ =	shalt  }
0x50: {  	_ =	shalt  }
0x51: {  	_ =	shalt  }
0x52: {  	_ =	shalt  }
0x53: {  	_ =	shalt  }
0x54: {  	_ =	shalt  }
0x55: {  	_ =	shalt  }
0x56: {  	_ =	shalt  }
0x57: {  	_ =	shalt  }
0x58: {  	_ =	shalt  }
0x59: {  	_ =	shalt  }
0x5a: {  	_ =	shalt  }
0x5b: {  	_ =	shalt  }
0x5c: {  	_ =	shalt  }
0x5d: {  	_ =	shalt  }
0x5e: {  	_ =	shalt  }
0x5f: {  	_ =	shalt  }
0x60: {  	_ =	shalt  }
0x61: {  	_ =	shalt  }
0x62: {  	_ =	shalt  }
0x63: {  	_ =	shalt  }
0x64: {  	_ =	shalt  }
0x65: {  	_ =	shalt  }
0x66: {  	_ =	shalt  }
0x67: {  	_ =	shalt  }
0x68: {  	_ =	shalt  }
0x69: {  	_ =	shalt  }
0x6a: {  	_ =	shalt  }
0x6b: {  	_ =	shalt  }
0x6c: {  	_ =	shalt  }
0x6d: {  	_ =	shalt  }
0x6e: {  	_ =	shalt  }
0x6f: {  	_ =	shalt  }
0x70: {  	_ =	shalt  }
0x71: {  	_ =	shalt  }
0x72: {  	_ =	shalt  }
0x73: {  	_ =	shalt  }
0x74: {  	_ =	shalt  }
0x75: {  	_ =	shalt  }
0x76: {  	_ =	shalt  }
0x77: {  	_ =	shalt  }
0x78: {  	_ =	shalt  }
0x79: {  	_ =	shalt  }
0x7a: {  	_ =	shalt  }
0x7b: {  	_ =	shalt  }
0x7c: {  	_ =	shalt  }
0x7d: {  	_ =	shalt  }
0x7e: {  	_ =	shalt  }
0x7f: {  	_ =	shalt  }
0x80: {  	_ =	shalt  }
0x81: {  	_ =	shalt  }
0x82: {  	_ =	shalt  }
0x83: {  	_ =	shalt  }
0x84: {  	_ =	shalt  }
0x85: {  	_ =	shalt  }
0x86: {  	_ =	shalt  }
0x87: {  	_ =	shalt  }
.Lfunc_end0:
.L_simem_size_0:
called_computation_lowered:
.L_overlay_start_0:
0x88: {  	s2 =	sld [smem:$0x3FD9]  }
0x89: {  	s3 =	sld [smem:$0x3FFE];
	_ =	sdelay $0x1  }
0x8a: {  	s1 =	srdreg.scid  }
0x8b: {  	s0 =	sand.u32 $0x1, s1  }
0x8c: {  	s14 =	sshll.u32 s0, $0xA;
	s2 =	sadd.s32 s3, s2  }
0x8d: {  	s2 =	sadd.s32 s2, s14  }
0x8e: {  	[smem:$0x3FC5] =	sst s2  }
0x8f: {  	_ = 	snop  }
0x90: {  	s2 =	sld [smem:$0x3FD0];
	_ =	sdelay $0x2  }
0x91: {  	s15 =	simm.s32 $0xA;
	s4 =	simm.s32 $0x10  }
0x92: {  	[smem:s4], [sflag:s15] =	dma.local [hbm:s2], $0x1  }
0x93: {  	_ =	swait.eq [sflag:s15], $0x1  }
0x94: {  	[sflag:s15] =	ssyncset.done $0x0  }
0x95: {  	[sflag:s15] =	ssyncadd.s32 $0xFFFFFFFF  }
0x96: {  	s16 =	sld [smem:$0x10];
	(tm) =	ssettm $0x1  }
0x97: {  	s17 =	sld [smem:$0x3FFB];
	_ =	sdelay $0x3  }
0x98: {  	_ =	strace s17  }
0x99: {  	s3 =	sld [smem:$0x3FFC];
	_ =	sdelay $0x3  }
0x9a: {  	_ =	strace s3  }
0x9b: {  	s3 =	sld [smem:$0x3FFD];
	_ =	sdelay $0x3  }
0x9c: {  	_ =	strace s3  }
0x9d: {  	_ =	strace $0x8FFFFFFF  }
0x9e: {  	s18 =	sld [smem:$0x3FDB];
	_ =	sdelay $0x1  }
0x9f: {  	s19 =	simm.s32 $_scs_section_size  }
0xa0: {  	s5 =	simm.s32 $_size__tile_overlayer_lowered;
	s6 =	simm.s32 $_tile_overlayer_lowered  }
0xa1: {  	s22 =	simm.s32 $0x1BFF;
	s21 =	sshll.u32 s6, $0x1;
	s3 =	sadd.s32 s19, s18  }
0xa2: {  	s7 =	simm.s32 $0x0;
	s20 =	sshll.u32 s5, $0x1;
	s5 =	sadd.s32 s21, s3  }
0xa3: {  	[timem:s7], [sflag:s22] =	dma.local [hbm:s5], s20  }
0xa4: {  	_ =	swait.ge [sflag:s22], s20  }
0xa5: {  	s4 =	ssub.s32 $0x0, s20;
	[sflag:s22] =	ssyncset.done $0x0  }
0xa6: {  	[sflag:s22] =	ssyncadd.s32 s4;
	_ =	sdelay $0x1  }
0xa7: {  	s23 =	simm.s32 $0x1B8B  }
0xa8: {  	_ =	swait.ge [sflag:s23], $0x1  }
0xa9: {  	[sflag:s23] =	ssyncset.done $0x0  }
0xaa: {  	s25 =	simm.s32 $0x1B8E;
	s24 =	sld [smem:$0x3FFE];
	[sflag:s23] =	ssyncadd.s32 $0xFFFFFFFF  }
0xab: {  	s26 =	simm.s32 $execute0_lowered;
	[smem:$0x3FD2] =	sst s25  }
0xac: {  	s5 =	sshll.u32 s26, $0x1;
	_ =	strace $0x80000046;
	[dreg:$0x1] =	wrdreg $0xFFFFFFFF  }
0xad: {  	s28 =	simm.s32 $_size_execute0_lowered;
	s3 =	sadd.s32 s3, s5;
	[dreg:$0x0] =	wrdreg $0x0  }
0xae: {  	s5 =	sshll.u32 s28, $0x1;
	[dreg:$0x2] =	wrdreg s3  }
0xaf: {  	[dreg:$0x3] =	wrdreg s5  }
0xb0: {  	[dreg:$0x4] =	wrdreg $0xC0  }
0xb1: {  	_ =	task [dreg:s7], $0x5FFFF  }
0xb2: {  	[dreg:$0x1] =	wrdreg $0xFFFFFFFF  }
0xb3: {  	[dreg:$0x0] =	wrdreg $0x60  }
0xb4: {  	[dreg:$0x2] =	wrdreg s24  }
0xb5: {  	[dreg:$0x3] =	wrdreg s16  }
0xb6: {  	[dreg:$0x4] =	wrdreg $0x9  }
0xb7: {  	_ =	task.clear_ibuf [dreg:s7], $0x5FFFF;
	_ =	strace $0x90000046  }
0xb8: {  	s29 =	simm.s32 $0x9;
	_ =	strace $0x8000004F  }
0xb9: {  	_ =	swait.ge [sflag:s29], $0x1  }
0xba: {  	[sflag:s29] =	ssyncadd.s32 $0xFFFFFFFF  }
0xbb: {  	_ =	strace $0x9000004F  }
0xbc: {  	_ =	sfence  }
0xbd: {  	s30 =	sld [smem:$0x0];
	_ =	sdelay $0x2  }
0xbe: {  	s31 =	sshll.u32 s1, $0xD;
	s1 =	sshrl.u32 s1, $0x2  }
0xbf: {  	s3 =	sand.u32 $0x4000, s31;
	s1 =	sadd.s32 s1, s30  }
0xc0: {  	s0 =	sor.u32 s3, s0;
	s1 =	sshll.u32 s1, $0x11  }
0xc1: {  	s0 =	sor.u32 s1, s0  }
0xc2: {  	s0 =	sadd.s32 $0x8F2B, s0  }
0xc3: {  	[sflag:s0] =	ssyncadd.remote.s32 $0x1  }
0xc4: {  	_ =	sfence.sel $0xFFFF  }
0xc5: {  	[dreg:$0x0] =	wrdreg $0xFFFFFFFF;
	(pc) =	sbr.abs _section_cstart, $3  }
0xc6: {  	[dreg:$0x1] =	wrdreg $0xFFFFFFFF  }
0xc7: {  	_ =	task.clear_ibuf [dreg:s7], $0x2FFFF;
	_ =	strace $0x9FFFFFFF  }
0xc8: {  	(tm) =	ssettm $0x7FFFFFFF  }
0xc9: {  	_ =	shalt  }
tec
execute0_lowered:
.L_overlay_start_1:
0x0: {  	(tag) =	ssettag $0x1  }
0x1: {  	s10 =	rddreg [dreg:$0x0];
	s1 =	srdreg.scid  }
0x2: {  	s3 =	rddreg [dreg:$0x1];
	s20 =	sand.u32 $0x1, s1  }
0x3: {  	s2 =	simm.s32 $0x0;
	s1 =	stileid.u32;
	s4 =	sshll.u32 s20, $0x4  }
0x4: {  	[smem:$0x7FF] =	sst s2;
	s11 =	sor.u32 s1, s4  }
0x5: {  	s0 =	rddreg [dreg:$0x2];
	_ =	strace $0x80000047;
	s4 =	sshll.u32 s11, $0x6  }
0x6: {  	_ =	strace $0x80000048;
	s3 =	sadd.s32 s3, s4  }
0x7: {  	[tilespmem:s2], [sflag:$0x1] =	stream.linear.gather [hbm4b:s3+s2], $0x80, $0x200038;
	[tilespmem:$0x8100] =	vst v63  }
0x8: {  	_ =	strace $0x90000048  }
0x9: {  	s5 =	simm.s32 $0x80;
	s4 =	sadd.s32 $0x10, s3;
	_ =	strace $0x80000049  }
0xa: {  	[tilespmem:s5], [sflag:$0x2] =	stream.linear.gather [hbm4b:s4+s2], $0x80, $0x200038;
	[tilespmem:$0x8100] =	vst v63  }
0xb: {  	_ =	strace $0x90000049  }
0xc: {  	s6 =	simm.s32 $0x1;
	_ =	strace $0x8000004A  }
0xd: {  	_ =	swait.ge [sflag:s6], $0x80  }
0xe: {  	[sflag:s6] =	ssyncset.done $0x0  }
0xf: {  	[sflag:s6] =	ssyncadd.s32 $0xFFFFFF80  }
0x10: {  	s8 =	simm.s32 $0x100;
	_ =	strace $0x9000004A  }
0x11: {  	s9 =	simm.s32 $0x5;
	s7 =	sadd.s32 $0x400E00, s10;
	_ =	strace $0x8000004B  }
0x12: {  	[tilespmem:s8], [sflag:$0x5] =	stream.indirect.gather [hbm4b:s7+s5], $0x80, s2, s5, $0x2000b8;
	[tilespmem:$0x8100] =	vst v63  }
0x13: {  	_ =	swait.ge [sflag:s9], $0x4000  }
0x14: {  	[sflag:s9] =	ssyncset.done $0x0  }
0x15: {  	s11 =	sshll.u32 s11, $0xD;
	[sflag:s9] =	ssyncadd.s32 $0xFFFFC000  }
0x16: {  	s19 =	sadd.s32 s11, s10;
	_ =	strace $0x9000004B  }
0x17: {  	s10 =	sadd.s32 $0xE00, s19;
	_ =	strace $0x8000004C  }
0x18: {  	[hbm4b:s10+s2] =	stream.linear.scatter [tilespmem:s8], [sflag:$0x3], $0x4000, $0x200038;
	[tilespmem:$0x8100] =	vst v63  }
0x19: {  	_ =	strace $0x9000004C  }
0x1a: {  	s11 =	sadd.s32 $0x20, s3;
	_ =	strace $0x80000049  }
0x1b: {  	[tilespmem:s2], [sflag:$0x1] =	stream.linear.gather [hbm4b:s11+s2], $0x80, $0x200038;
	[tilespmem:$0x8100] =	vst v63  }
0x1c: {  	_ =	strace $0x90000049  }
0x1d: {  	s12 =	simm.s32 $0x2;
	_ =	strace $0x8000004A  }
0x1e: {  	_ =	swait.ge [sflag:s12], $0x80  }
0x1f: {  	[sflag:s12] =	ssyncset.done $0x0  }
0x20: {  	[sflag:s12] =	ssyncadd.s32 $0xFFFFFF80  }
0x21: {  	_ =	strace $0x9000004A  }
0x22: {  	s13 =	simm.s32 $0x4100;
	_ =	strace $0x8000004B  }
0x23: {  	[tilespmem:s13], [sflag:$0x5] =	stream.indirect.gather [hbm4b:s7+s5], $0x80, s5, s5, $0x2000b8;
	[tilespmem:$0x8100] =	vst v63  }
0x24: {  	_ =	swait.ge [sflag:s9], $0x4000  }
0x25: {  	[sflag:s9] =	ssyncset.done $0x0  }
0x26: {  	[sflag:s9] =	ssyncadd.s32 $0xFFFFC000  }
0x27: {  	_ =	strace $0x9000004B  }
0x28: {  	s14 =	sadd.s32 $0x1600, s19;
	_ =	strace $0x8000004C  }
0x29: {  	[hbm4b:s14+s2] =	stream.linear.scatter [tilespmem:s13], [sflag:$0x4], $0x4000, $0x200038;
	[tilespmem:$0x8100] =	vst v63  }
0x2a: {  	_ =	strace $0x9000004C  }
0x2b: {  	s15 =	simm.s32 $0x3;
	_ =	strace $0x8000004D  }
0x2c: {  	_ =	swait.ge [sflag:s15], $0x4000  }
0x2d: {  	[sflag:s15] =	ssyncset.done $0x0  }
0x2e: {  	[sflag:s15] =	ssyncadd.s32 $0xFFFFC000  }
0x2f: {  	_ =	strace $0x9000004D  }
0x30: {  	s16 =	sadd.s32 $0x30, s3;
	_ =	strace $0x80000049  }
0x31: {  	[tilespmem:s5], [sflag:$0x2] =	stream.linear.gather [hbm4b:s16+s2], $0x80, $0x200038;
	[tilespmem:$0x8100] =	vst v63  }
0x32: {  	_ =	strace $0x90000049  }
0x33: {  	_ =	strace $0x8000004A  }
0x34: {  	_ =	swait.ge [sflag:s6], $0x80  }
0x35: {  	[sflag:s6] =	ssyncset.done $0x0  }
0x36: {  	[sflag:s6] =	ssyncadd.s32 $0xFFFFFF80  }
0x37: {  	_ =	strace $0x9000004A  }
0x38: {  	_ =	strace $0x8000004B  }
0x39: {  	[tilespmem:s8], [sflag:$0x5] =	stream.indirect.gather [hbm4b:s7+s5], $0x80, s2, s5, $0x2000b8;
	[tilespmem:$0x8100] =	vst v63  }
0x3a: {  	_ =	swait.ge [sflag:s9], $0x4000  }
0x3b: {  	[sflag:s9] =	ssyncset.done $0x0  }
0x3c: {  	[sflag:s9] =	ssyncadd.s32 $0xFFFFC000  }
0x3d: {  	_ =	strace $0x9000004B  }
0x3e: {  	s17 =	sadd.s32 $0x1E00, s19;
	_ =	strace $0x8000004C  }
0x3f: {  	[hbm4b:s17+s2] =	stream.linear.scatter [tilespmem:s8], [sflag:$0x3], $0x4000, $0x200038;
	[tilespmem:$0x8100] =	vst v63  }
0x40: {  	_ =	strace $0x9000004C  }
0x41: {  	s18 =	simm.s32 $0x4;
	_ =	strace $0x8000004D  }
0x42: {  	_ =	swait.ge [sflag:s18], $0x4000  }
0x43: {  	[sflag:s18] =	ssyncset.done $0x0  }
0x44: {  	[sflag:s18] =	ssyncadd.s32 $0xFFFFC000  }
0x45: {  	_ =	strace $0x9000004D  }
0x46: {  	_ =	strace $0x8000004A  }
0x47: {  	_ =	swait.ge [sflag:s12], $0x80  }
0x48: {  	[sflag:s12] =	ssyncset.done $0x0  }
0x49: {  	[sflag:s12] =	ssyncadd.s32 $0xFFFFFF80  }
0x4a: {  	_ =	strace $0x9000004A  }
0x4b: {  	_ =	strace $0x8000004B  }
0x4c: {  	[tilespmem:s13], [sflag:$0x5] =	stream.indirect.gather [hbm4b:s7+s5], $0x80, s5, s5, $0x2000b8;
	[tilespmem:$0x8100] =	vst v63  }
0x4d: {  	_ =	swait.ge [sflag:s9], $0x4000  }
0x4e: {  	[sflag:s9] =	ssyncset.done $0x0  }
0x4f: {  	[sflag:s9] =	ssyncadd.s32 $0xFFFFC000  }
0x50: {  	_ =	strace $0x9000004B  }
0x51: {  	s19 =	sadd.s32 $0x2600, s19;
	_ =	strace $0x8000004C  }
0x52: {  	[hbm4b:s19+s2] =	stream.linear.scatter [tilespmem:s13], [sflag:$0x4], $0x4000, $0x200038;
	[tilespmem:$0x8100] =	vst v63  }
0x53: {  	s20 =	ssub.s32 $0x2, s20;
	_ =	strace $0x9000004C  }
0x54: {  	s21 =	sshrl.u32 s20, $0x1;
	_ =	strace $0x8000004D  }
0x55: {  	s20 =	ssub.s32 s20, s21;
	_ =	swait.ge [sflag:s15], $0x4000  }
0x56: {  	s20 =	smax.u32 s20, $0x1;
	[sflag:s15] =	ssyncset.done $0x0  }
0x57: {  	p0 =	sne.s32 s20, $0x1;
	[sflag:s15] =	ssyncadd.s32 $0xFFFFC000  }
.Ltmp0:
0x58: {  	_ =	strace $0x9000004D;
	(pc) =	sbr.rel @!p0 .LBB2_2-.Ltmp0, $4  }
0x59: {  	_ =	strace $0x8000004E  }
0x5a: {  	_ =	swait.ge [sflag:s18], $0x4000  }
0x5b: {  	[sflag:s18] =	ssyncset.done $0x0  }
0x5c: {  	s20 =	sadd.s32 $0xFFFFFFFF, s20;
	[sflag:s18] =	ssyncadd.s32 $0xFFFFC000  }
.LBB2_1:
0x5d: {  	p0 =	sne.s32 s20, $0x1;
	s20 =	sadd.s32 $0xFFFFFFFF, s20;
	_ =	strace $0x9000004E  }
0x5e: {  	_ =	strace $0x80000048  }
0x5f: {  	[tilespmem:s2], [sflag:$0x1] =	stream.linear.gather [hbm4b:s3+s2], $0x80, $0x200038;
	[tilespmem:$0x8100] =	vst v63  }
0x60: {  	_ =	strace $0x90000048  }
0x61: {  	_ =	strace $0x80000049  }
0x62: {  	[tilespmem:s5], [sflag:$0x2] =	stream.linear.gather [hbm4b:s4+s2], $0x80, $0x200038;
	[tilespmem:$0x8100] =	vst v63  }
0x63: {  	_ =	strace $0x90000049  }
0x64: {  	_ =	strace $0x8000004A  }
0x65: {  	_ =	swait.ge [sflag:s6], $0x80  }
0x66: {  	[sflag:s6] =	ssyncset.done $0x0  }
0x67: {  	[sflag:s6] =	ssyncadd.s32 $0xFFFFFF80  }
0x68: {  	_ =	strace $0x9000004A  }
0x69: {  	_ =	strace $0x8000004B  }
0x6a: {  	[tilespmem:s8], [sflag:$0x5] =	stream.indirect.gather [hbm4b:s7+s5], $0x80, s2, s5, $0x2000b8;
	[tilespmem:$0x8100] =	vst v63  }
0x6b: {  	_ =	swait.ge [sflag:s9], $0x4000  }
0x6c: {  	[sflag:s9] =	ssyncset.done $0x0  }
0x6d: {  	[sflag:s9] =	ssyncadd.s32 $0xFFFFC000  }
0x6e: {  	_ =	strace $0x9000004B  }
0x6f: {  	_ =	strace $0x8000004C  }
0x70: {  	[hbm4b:s10+s2] =	stream.linear.scatter [tilespmem:s8], [sflag:$0x3], $0x4000, $0x200038;
	[tilespmem:$0x8100] =	vst v63  }
0x71: {  	_ =	strace $0x9000004C  }
0x72: {  	_ =	strace $0x80000049  }
0x73: {  	[tilespmem:s2], [sflag:$0x1] =	stream.linear.gather [hbm4b:s11+s2], $0x80, $0x200038;
	[tilespmem:$0x8100] =	vst v63  }
0x74: {  	_ =	strace $0x90000049  }
0x75: {  	_ =	strace $0x8000004A  }
0x76: {  	_ =	swait.ge [sflag:s12], $0x80  }
0x77: {  	[sflag:s12] =	ssyncset.done $0x0  }
0x78: {  	[sflag:s12] =	ssyncadd.s32 $0xFFFFFF80  }
0x79: {  	_ =	strace $0x9000004A  }
0x7a: {  	_ =	strace $0x8000004B  }
0x7b: {  	[tilespmem:s13], [sflag:$0x5] =	stream.indirect.gather [hbm4b:s7+s5], $0x80, s5, s5, $0x2000b8;
	[tilespmem:$0x8100] =	vst v63  }
0x7c: {  	_ =	swait.ge [sflag:s9], $0x4000  }
0x7d: {  	[sflag:s9] =	ssyncset.done $0x0  }
0x7e: {  	[sflag:s9] =	ssyncadd.s32 $0xFFFFC000  }
0x7f: {  	_ =	strace $0x9000004B  }
0x80: {  	_ =	strace $0x8000004C  }
0x81: {  	[hbm4b:s14+s2] =	stream.linear.scatter [tilespmem:s13], [sflag:$0x4], $0x4000, $0x200038;
	[tilespmem:$0x8100] =	vst v63  }
0x82: {  	_ =	strace $0x9000004C  }
0x83: {  	_ =	strace $0x8000004D  }
0x84: {  	_ =	swait.ge [sflag:s15], $0x4000  }
0x85: {  	[sflag:s15] =	ssyncset.done $0x0  }
0x86: {  	[sflag:s15] =	ssyncadd.s32 $0xFFFFC000  }
0x87: {  	_ =	strace $0x9000004D  }
0x88: {  	_ =	strace $0x80000049  }
0x89: {  	[tilespmem:s5], [sflag:$0x2] =	stream.linear.gather [hbm4b:s16+s2], $0x80, $0x200038;
	[tilespmem:$0x8100] =	vst v63  }
0x8a: {  	_ =	strace $0x90000049  }
0x8b: {  	_ =	strace $0x8000004A  }
0x8c: {  	_ =	swait.ge [sflag:s6], $0x80  }
0x8d: {  	[sflag:s6] =	ssyncset.done $0x0  }
0x8e: {  	[sflag:s6] =	ssyncadd.s32 $0xFFFFFF80  }
0x8f: {  	_ =	strace $0x9000004A  }
0x90: {  	_ =	strace $0x8000004B  }
0x91: {  	[tilespmem:s8], [sflag:$0x5] =	stream.indirect.gather [hbm4b:s7+s5], $0x80, s2, s5, $0x2000b8;
	[tilespmem:$0x8100] =	vst v63  }
0x92: {  	_ =	swait.ge [sflag:s9], $0x4000  }
0x93: {  	[sflag:s9] =	ssyncset.done $0x0  }
0x94: {  	[sflag:s9] =	ssyncadd.s32 $0xFFFFC000  }
0x95: {  	_ =	strace $0x9000004B  }
0x96: {  	_ =	strace $0x8000004C  }
0x97: {  	[hbm4b:s17+s2] =	stream.linear.scatter [tilespmem:s8], [sflag:$0x3], $0x4000, $0x200038;
	[tilespmem:$0x8100] =	vst v63  }
0x98: {  	_ =	strace $0x9000004C  }
0x99: {  	_ =	strace $0x8000004D  }
0x9a: {  	_ =	swait.ge [sflag:s18], $0x4000  }
0x9b: {  	[sflag:s18] =	ssyncset.done $0x0  }
0x9c: {  	[sflag:s18] =	ssyncadd.s32 $0xFFFFC000  }
0x9d: {  	_ =	strace $0x9000004D  }
0x9e: {  	_ =	strace $0x8000004A  }
0x9f: {  	_ =	swait.ge [sflag:s12], $0x80  }
0xa0: {  	[sflag:s12] =	ssyncset.done $0x0  }
0xa1: {  	[sflag:s12] =	ssyncadd.s32 $0xFFFFFF80  }
0xa2: {  	_ =	strace $0x9000004A  }
0xa3: {  	_ =	strace $0x8000004B  }
0xa4: {  	[tilespmem:s13], [sflag:$0x5] =	stream.indirect.gather [hbm4b:s7+s5], $0x80, s5, s5, $0x2000b8;
	[tilespmem:$0x8100] =	vst v63  }
0xa5: {  	_ =	swait.ge [sflag:s9], $0x4000  }
0xa6: {  	[sflag:s9] =	ssyncset.done $0x0  }
0xa7: {  	[sflag:s9] =	ssyncadd.s32 $0xFFFFC000  }
0xa8: {  	_ =	strace $0x9000004B  }
0xa9: {  	_ =	strace $0x8000004C  }
0xaa: {  	[hbm4b:s19+s2] =	stream.linear.scatter [tilespmem:s13], [sflag:$0x4], $0x4000, $0x200038;
	[tilespmem:$0x8100] =	vst v63  }
0xab: {  	_ =	strace $0x9000004C  }
0xac: {  	_ =	strace $0x8000004D  }
0xad: {  	_ =	swait.ge [sflag:s15], $0x4000  }
0xae: {  	[sflag:s15] =	ssyncset.done $0x0  }
0xaf: {  	[sflag:s15] =	ssyncadd.s32 $0xFFFFC000  }
.Ltmp1:
0xb0: {  	_ =	strace $0x9000004D;
	(pc) =	sbr.rel @p0 .LBB2_1-.Ltmp1, $4  }
0xb1: {  	_ =	strace $0x8000004E  }
0xb2: {  	_ =	swait.ge [sflag:s18], $0x4000  }
0xb3: {  	[sflag:s18] =	ssyncset.done $0x0  }
0xb4: {  	[sflag:s18] =	ssyncadd.s32 $0xFFFFC000  }
.LBB2_2:
0xb5: {  	_ =	strace $0x9000004E  }
0xb6: {  	_ =	sfence.sel $0x180000  }
0xb7: {  	[bflag:$0x0] =	sbarrier.arrive $0xFFFF  }
0xb8: {  	p0 =	sne.s32 s1, $0x0;
	_ =	strace $0x90000047  }
0xb9: {  	s0 =	sadd.s32 @!p0 $0x100000, s0;
	[bflag:$0x2] =	sbarrier.arrive $0xFFFF  }
0xba: {  	[sflag:s0] =	ssyncadd.tile.s32 @!p0 $0x1;
	_ =	shalt  }
.Lfunc_end2:
_tile_overlayer_lowered:
.L_overlay_start_2:
0xbb: {  	(tag) =	ssettag $0x2  }
0xbc: {  	s0 =	rddreg [dreg:$0x0];
	s2 =	stileid.u32  }
0xbd: {  	s1 =	rddreg [dreg:$0x1];
	p0 =	sne.s32 s2, $0x0  }
0xbe: {  	s3 =	rddreg [dreg:$0x2];
	[bflag:$0x3] =	sbarrier.arrive $0xFFFF;
	s2 =	simm.s32 @!p0 $0x1C01  }
0xbf: {  	[timem:s3], [sflag:s2] =	dma.local @!p0 [hbm:s0], s1  }
0xc0: {  	s0 =	simm.s32 @!p0 $0x1  }
0xc1: {  	_ =	swait.ge @!p0 [sflag:s0], s1  }
0xc2: {  	s1 =	ssub.s32 @!p0 $0x0, s1;
	[sflag:s0] =	ssyncset.done @!p0 $0x0  }
0xc3: {  	[sflag:s0] =	ssyncadd.s32 @!p0 s1  }
0xc4: {  	[bflag:$0x3] =	sbarrier.arrive $0xFFFF  }
0xc5: {  	_ =	shalt  }

</sc_bundles>
